<compile_context>
chip_gen: v7x
topology: tpu7x:2x2x1
jax: 0.10.2.dev20260603
libtpu: 0.0.44.dev20260713+nightly
codegen_flags: <defaults>
</compile_context>

<pallas_src>
import functools
import jax
import jax.numpy as jnp
from jax import lax
from jax.experimental import pallas as pl
from jax.experimental.pallas import tpu as pltpu
from jax.experimental.pallas import tpu_sc as plsc

_ROWS = 500000
_COLS = 128
_NW = 32
_PER = 15624
_B = 248
_NCHK = _PER // _B


def _sc_probe():
    mesh = plsc.VectorSubcoreMesh(core_axis_name="c", subcore_axis_name="s")

    @functools.partial(
        pl.kernel, mesh=mesh,
        out_type=jax.ShapeDtypeStruct((_NW, 16), jnp.float32),
        scratch_types=[
            pltpu.VMEM((_B, _COLS), jnp.float32),
            pltpu.VMEM((_B, _COLS), jnp.float32),
            pltpu.VMEM((16,), jnp.float32),
            pltpu.SemaphoreType.DMA,
            pltpu.SemaphoreType.DMA,
        ],
    )
    def k(x_hbm, out_hbm, buf0, buf1, accv, sem0, sem1):
        wid = lax.axis_index("s") * 2 + lax.axis_index("c")
        base = wid * _PER
        bufs = (buf0, buf1)
        sems = (sem0, sem1)
        pend = [pltpu.async_copy(x_hbm.at[pl.ds(base, _B)], bufs[0], sems[0])]
        acc = jnp.full((16,), -jnp.inf, jnp.float32)
        for c in range(_NCHK):
            pend[c].wait()
            if c + 1 < _NCHK:
                pend.append(pltpu.async_copy(
                    x_hbm.at[pl.ds(base + (c + 1) * _B, _B)],
                    bufs[(c + 1) % 2], sems[(c + 1) % 2]))
            acc = jnp.maximum(acc, bufs[c % 2][0, 0:16])
        accv[...] = acc
        pltpu.sync_copy(accv, out_hbm.at[wid])

    return k




_TCHUNK = 2000
_TNBUF = 8
_TNCH = _ROWS // _TCHUNK


def _tc_probe_body(x_hbm, out_ref, *scratch):
    bufs = scratch[:_TNBUF]
    acc = scratch[_TNBUF]
    sems = scratch[_TNBUF + 1]
    acc[...] = jnp.zeros_like(acc)
    for b in range(_TNBUF):
        pltpu.make_async_copy(x_hbm.at[b], bufs[b], sems.at[b]).start()

    def group(g, carry):
        for b in range(_TNBUF):
            step = g * _TNBUF + b
            pltpu.make_async_copy(x_hbm.at[step], bufs[b], sems.at[b]).wait()
            m = jnp.max(bufs[b][...], axis=1, keepdims=True)
            acc[0:1, :] += jnp.max(m, axis=0, keepdims=True)
            nxt = step + _TNBUF

            @pl.when(nxt < _TNCH)
            def _():
                pltpu.make_async_copy(x_hbm.at[nxt], bufs[b], sems.at[b]).start()
        return carry

    lax.fori_loop(0, _TNCH // _TNBUF, group, 0)
    rem = (_TNCH // _TNBUF) * _TNBUF
    for b in range(_TNCH - rem):
        step = rem + b
        pltpu.make_async_copy(x_hbm.at[step], bufs[b], sems.at[b]).wait()
        m = jnp.max(bufs[b][...], axis=1, keepdims=True)
        acc[0:1, :] += jnp.max(m, axis=0, keepdims=True)
    out_ref[...] = acc[0:1, 0:1]


def _tc_probe(x3):
    return pl.pallas_call(
        _tc_probe_body,
        in_specs=[pl.BlockSpec(memory_space=pltpu.HBM)],
        out_specs=pl.BlockSpec(memory_space=pltpu.VMEM),
        out_shape=jax.ShapeDtypeStruct((1, 1), jnp.float32),
        scratch_shapes=[pltpu.VMEM((_TCHUNK, _COLS), jnp.float32)
                        for _ in range(_TNBUF)]
        + [pltpu.VMEM((8, _COLS), jnp.float32),
           pltpu.SemaphoreType.DMA((_TNBUF,))],
    )(x3)


def kernel(logits, labels):
    out_sc = _sc_probe()(logits)
    out_tc = _tc_probe(logits.reshape(_TNCH, _TCHUNK, _COLS))
    return (jnp.min(out_sc) + out_tc[0, 0]).reshape(1)

# --- scband reference (transcript-rebuilt; emitter-appended) ---
"""Pipeline reference for scband-eceloss-20066087207578 (READ-ONLY COPY).

The authoritative reference and input builder live on the scoring server;
editing this copy changes nothing except your own understanding.
"""

import jax, jax.numpy as jnp
import numpy as np

N_BINS = 10

def setup_inputs(seed: int = 0) -> dict:
    key = jax.random.key(seed)
    k1, k2 = jax.random.split(key)
    logits = jax.random.normal(k1, (500000, 128), dtype=jnp.float32)
    labels = jax.random.randint(k2, (500000,), 0, 128, dtype=jnp.int64)
    return {"logits": logits, "labels": labels}

def reference(logits, labels):
    bin_boundaries = jnp.linspace(0.0, 1.0, N_BINS + 1)
    bin_lowers = bin_boundaries[:-1]
    bin_uppers = bin_boundaries[1:]
    softmaxes = jnp.exp(logits)
    confidences = jnp.max(softmaxes, axis=1)
    predictions = jnp.argmax(softmaxes, axis=1)
    accuracies = (predictions == labels).astype(jnp.float32)
    ece = jnp.zeros((1,), dtype=logits.dtype)
    for i in range(N_BINS):
        in_bin = (confidences > bin_lowers[i]) & (confidences <= bin_uppers[i])
        in_bin_f = in_bin.astype(jnp.float32)
        prop_in_bin = jnp.mean(in_bin_f)
        cnt = jnp.sum(in_bin_f)
        safe_cnt = jnp.maximum(cnt, 1.0)
        accuracy_in_bin = jnp.sum(jnp.where(in_bin, accuracies, 0.0)) / safe_cnt
        avg_confidence_in_bin = jnp.sum(jnp.where(in_bin, confidences, 0.0)) / safe_cnt
        contrib = jnp.abs(avg_confidence_in_bin - accuracy_in_bin) * prop_in_bin
        ece = ece + jnp.where(prop_in_bin > 0.0, contrib, 0.0)
    return ece

if __name__ == "__main__":
    import jax
    _d = setup_inputs()
    print(jax.jit(kernel)(*tuple(_d.values())))

</pallas_src>

<mosaic_0001>
#map = affine_map<(d0, d1) -> (0, 0)>
module attributes {stable_mosaic.version = 14 : i64} {
  func.func @k(%arg0: i32, %arg1: i32, %arg2: memref<500000x128xf32, #tpu.memory_space<hbm>>, %arg3: memref<32x16xf32, #tpu.memory_space<hbm>>, %arg4: memref<248x128xf32, #tpu.memory_space<vmem>>, %arg5: memref<248x128xf32, #tpu.memory_space<vmem>>, %arg6: memref<16xf32, #tpu.memory_space<vmem>>, %arg7: memref<!tpu.dma_semaphore, #tpu.memory_space<semaphore_mem>>, %arg8: memref<!tpu.dma_semaphore, #tpu.memory_space<semaphore_mem>>) attributes {dimension_semantics = [#tpu.dimension_semantics<core_parallel>, #tpu.dimension_semantics<subcore_parallel>], iteration_bounds = array<i64: 2, 16>, scalar_prefetch = 0 : i64, scratch_operands = 5 : i64, tpu.core_type = #tpu.core_type<sc_vector_subcore>, window_params = [{transform_indices = #map}, {transform_indices = #map}]} {
    %mul3A = arith.constant 2 : i32
    %mul3A_0 = arith.muli %arg1, %mul3A : i32
    %add3A = arith.addi %mul3A_0, %arg0 : i32
    %mul3A_1 = arith.constant 15624 : i32
    %mul3A_2 = arith.muli %add3A, %mul3A_1 : i32
    %dma_start3A = arith.constant 0 : i32
    %dma_start3A_3 = tpu.memref_slice %arg2[%mul3A_2, %dma_start3A] : memref<500000x128xf32, #tpu.memory_space<hbm>> -> memref<248x128xf32, #tpu.memory_space<hbm>>
    %dma_start3A_4 = arith.constant 0 : i32
    %dma_start3A_5 = tpu.memref_slice %arg2[%mul3A_2, %dma_start3A_4] : memref<500000x128xf32, #tpu.memory_space<hbm>> -> memref<248x128xf32, #tpu.memory_space<hbm>>
    tpu.enqueue_dma source(%dma_start3A_5 : memref<248x128xf32, #tpu.memory_space<hbm>>) target(%arg4 : memref<248x128xf32, #tpu.memory_space<vmem>>) target_semaphore(%arg7 : memref<!tpu.dma_semaphore, #tpu.memory_space<semaphore_mem>>)
    %broadcast_in_dim3A = arith.constant 0xFF800000 : f32
    %broadcast_in_dim3A_6 = vector.broadcast %broadcast_in_dim3A : f32 to vector<16xf32>
    %dma_wait3A = arith.constant 0 : i32
    %dma_wait3A_7 = tpu.memref_slice %arg2[%mul3A_2, %dma_wait3A] : memref<500000x128xf32, #tpu.memory_space<hbm>> -> memref<248x128xf32, #tpu.memory_space<hbm>>
    %dma_wait3A_8 = arith.constant 0 : i32
    %dma_wait3A_9 = tpu.memref_slice %arg2[%mul3A_2, %dma_wait3A_8] : memref<500000x128xf32, #tpu.memory_space<hbm>> -> memref<248x128xf32, #tpu.memory_space<hbm>>
    tpu.wait_dma2 semaphore(%arg7 : memref<!tpu.dma_semaphore, #tpu.memory_space<semaphore_mem>>) src(%dma_wait3A_9 : memref<248x128xf32, #tpu.memory_space<hbm>>) dst(%arg4 : memref<248x128xf32, #tpu.memory_space<vmem>>)
    %add3A_10 = arith.constant 248 : i32
    %add3A_11 = arith.addi %mul3A_2, %add3A_10 : i32
    %dma_start3A_12 = arith.constant 0 : i32
    %dma_start3A_13 = tpu.memref_slice %arg2[%add3A_11, %dma_start3A_12] : memref<500000x128xf32, #tpu.memory_space<hbm>> -> memref<248x128xf32, #tpu.memory_space<hbm>>
    %dma_start3A_14 = arith.constant 0 : i32
    %dma_start3A_15 = tpu.memref_slice %arg2[%add3A_11, %dma_start3A_14] : memref<500000x128xf32, #tpu.memory_space<hbm>> -> memref<248x128xf32, #tpu.memory_space<hbm>>
    tpu.enqueue_dma source(%dma_start3A_15 : memref<248x128xf32, #tpu.memory_space<hbm>>) target(%arg5 : memref<248x128xf32, #tpu.memory_space<vmem>>) target_semaphore(%arg8 : memref<!tpu.dma_semaphore, #tpu.memory_space<semaphore_mem>>)
    %get3A = arith.constant 0 : i32
    %get3A_16 = arith.index_cast %get3A : i32 to index
    %get3A_17 = arith.constant 0 : index
    %get3A_18 = tpu.vector_load %arg4[%get3A_16, %get3A_17] {strides = array<i32>} : memref<248x128xf32, #tpu.memory_space<vmem>>, vector<1x16xf32>,
    %get3A_19 = vector.shape_cast %get3A_18 : vector<1x16xf32> to vector<16xf32>
    %max3A = arith.maximumf %broadcast_in_dim3A_6, %get3A_19 : vector<16xf32>
    %dma_wait3A_20 = arith.constant 0 : i32
    %dma_wait3A_21 = tpu.memref_slice %arg2[%add3A_11, %dma_wait3A_20] : memref<500000x128xf32, #tpu.memory_space<hbm>> -> memref<248x128xf32, #tpu.memory_space<hbm>>
    %dma_wait3A_22 = arith.constant 0 : i32
    %dma_wait3A_23 = tpu.memref_slice %arg2[%add3A_11, %dma_wait3A_22] : memref<500000x128xf32, #tpu.memory_space<hbm>> -> memref<248x128xf32, #tpu.memory_space<hbm>>
    tpu.wait_dma2 semaphore(%arg8 : memref<!tpu.dma_semaphore, #tpu.memory_space<semaphore_mem>>) src(%dma_wait3A_23 : memref<248x128xf32, #tpu.memory_space<hbm>>) dst(%arg5 : memref<248x128xf32, #tpu.memory_space<vmem>>)
    %add3A_24 = arith.constant 496 : i32
    %add3A_25 = arith.addi %mul3A_2, %add3A_24 : i32
    %dma_start3A_26 = arith.constant 0 : i32
    %dma_start3A_27 = tpu.memref_slice %arg2[%add3A_25, %dma_start3A_26] : memref<500000x128xf32, #tpu.memory_space<hbm>> -> memref<248x128xf32, #tpu.memory_space<hbm>>
    %dma_start3A_28 = arith.constant 0 : i32
    %dma_start3A_29 = tpu.memref_slice %arg2[%add3A_25, %dma_start3A_28] : memref<500000x128xf32, #tpu.memory_space<hbm>> -> memref<248x128xf32, #tpu.memory_space<hbm>>
    tpu.enqueue_dma source(%dma_start3A_29 : memref<248x128xf32, #tpu.memory_space<hbm>>) target(%arg4 : memref<248x128xf32, #tpu.memory_space<vmem>>) target_semaphore(%arg7 : memref<!tpu.dma_semaphore, #tpu.memory_space<semaphore_mem>>)
    %get3A_30 = arith.constant 0 : i32
    %get3A_31 = arith.index_cast %get3A_30 : i32 to index
    %get3A_32 = arith.constant 0 : index
    %get3A_33 = tpu.vector_load %arg5[%get3A_31, %get3A_32] {strides = array<i32>} : memref<248x128xf32, #tpu.memory_space<vmem>>, vector<1x16xf32>,
    %get3A_34 = vector.shape_cast %get3A_33 : vector<1x16xf32> to vector<16xf32>
    %max3A_35 = arith.maximumf %max3A, %get3A_34 : vector<16xf32>
    %dma_wait3A_36 = arith.constant 0 : i32
    %dma_wait3A_37 = tpu.memref_slice %arg2[%add3A_25, %dma_wait3A_36] : memref<500000x128xf32, #tpu.memory_space<hbm>> -> memref<248x128xf32, #tpu.memory_space<hbm>>
    %dma_wait3A_38 = arith.constant 0 : i32
    %dma_wait3A_39 = tpu.memref_slice %arg2[%add3A_25, %dma_wait3A_38] : memref<500000x128xf32, #tpu.memory_space<hbm>> -> memref<248x128xf32, #tpu.memory_space<hbm>>
    tpu.wait_dma2 semaphore(%arg7 : memref<!tpu.dma_semaphore, #tpu.memory_space<semaphore_mem>>) src(%dma_wait3A_39 : memref<248x128xf32, #tpu.memory_space<hbm>>) dst(%arg4 : memref<248x128xf32, #tpu.memory_space<vmem>>)
    %add3A_40 = arith.constant 744 : i32
    %add3A_41 = arith.addi %mul3A_2, %add3A_40 : i32
    %dma_start3A_42 = arith.constant 0 : i32
    %dma_start3A_43 = tpu.memref_slice %arg2[%add3A_41, %dma_start3A_42] : memref<500000x128xf32, #tpu.memory_space<hbm>> -> memref<248x128xf32, #tpu.memory_space<hbm>>
    %dma_start3A_44 = arith.constant 0 : i32
    %dma_start3A_45 = tpu.memref_slice %arg2[%add3A_41, %dma_start3A_44] : memref<500000x128xf32, #tpu.memory_space<hbm>> -> memref<248x128xf32, #tpu.memory_space<hbm>>
    tpu.enqueue_dma source(%dma_start3A_45 : memref<248x128xf32, #tpu.memory_space<hbm>>) target(%arg5 : memref<248x128xf32, #tpu.memory_space<vmem>>) target_semaphore(%arg8 : memref<!tpu.dma_semaphore, #tpu.memory_space<semaphore_mem>>)
    %get3A_46 = arith.constant 0 : i32
    %get3A_47 = arith.index_cast %get3A_46 : i32 to index
    %get3A_48 = arith.constant 0 : index
    %get3A_49 = tpu.vector_load %arg4[%get3A_47, %get3A_48] {strides = array<i32>} : memref<248x128xf32, #tpu.memory_space<vmem>>, vector<1x16xf32>,
    %get3A_50 = vector.shape_cast %get3A_49 : vector<1x16xf32> to vector<16xf32>
    %max3A_51 = arith.maximumf %max3A_35, %get3A_50 : vector<16xf32>
    %dma_wait3A_52 = arith.constant 0 : i32
    %dma_wait3A_53 = tpu.memref_slice %arg2[%add3A_41, %dma_wait3A_52] : memref<500000x128xf32, #tpu.memory_space<hbm>> -> memref<248x128xf32, #tpu.memory_space<hbm>>
    %dma_wait3A_54 = arith.constant 0 : i32
    %dma_wait3A_55 = tpu.memref_slice %arg2[%add3A_41, %dma_wait3A_54] : memref<500000x128xf32, #tpu.memory_space<hbm>> -> memref<248x128xf32, #tpu.memory_space<hbm>>
    tpu.wait_dma2 semaphore(%arg8 : memref<!tpu.dma_semaphore, #tpu.memory_space<semaphore_mem>>) src(%dma_wait3A_55 : memref<248x128xf32, #tpu.memory_space<hbm>>) dst(%arg5 : memref<248x128xf32, #tpu.memory_space<vmem>>)
    %add3A_56 = arith.constant 992 : i32
    %add3A_57 = arith.addi %mul3A_2, %add3A_56 : i32
    %dma_start3A_58 = arith.constant 0 : i32
    %dma_start3A_59 = tpu.memref_slice %arg2[%add3A_57, %dma_start3A_58] : memref<500000x128xf32, #tpu.memory_space<hbm>> -> memref<248x128xf32, #tpu.memory_space<hbm>>
    %dma_start3A_60 = arith.constant 0 : i32
    %dma_start3A_61 = tpu.memref_slice %arg2[%add3A_57, %dma_start3A_60] : memref<500000x128xf32, #tpu.memory_space<hbm>> -> memref<248x128xf32, #tpu.memory_space<hbm>>
    tpu.enqueue_dma source(%dma_start3A_61 : memref<248x128xf32, #tpu.memory_space<hbm>>) target(%arg4 : memref<248x128xf32, #tpu.memory_space<vmem>>) target_semaphore(%arg7 : memref<!tpu.dma_semaphore, #tpu.memory_space<semaphore_mem>>)
    %get3A_62 = arith.constant 0 : i32
    %get3A_63 = arith.index_cast %get3A_62 : i32 to index
    %get3A_64 = arith.constant 0 : index
    %get3A_65 = tpu.vector_load %arg5[%get3A_63, %get3A_64] {strides = array<i32>} : memref<248x128xf32, #tpu.memory_space<vmem>>, vector<1x16xf32>,
    %get3A_66 = vector.shape_cast %get3A_65 : vector<1x16xf32> to vector<16xf32>
    %max3A_67 = arith.maximumf %max3A_51, %get3A_66 : vector<16xf32>
    %dma_wait3A_68 = arith.constant 0 : i32
    %dma_wait3A_69 = tpu.memref_slice %arg2[%add3A_57, %dma_wait3A_68] : memref<500000x128xf32, #tpu.memory_space<hbm>> -> memref<248x128xf32, #tpu.memory_space<hbm>>
    %dma_wait3A_70 = arith.constant 0 : i32
    %dma_wait3A_71 = tpu.memref_slice %arg2[%add3A_57, %dma_wait3A_70] : memref<500000x128xf32, #tpu.memory_space<hbm>> -> memref<248x128xf32, #tpu.memory_space<hbm>>
    tpu.wait_dma2 semaphore(%arg7 : memref<!tpu.dma_semaphore, #tpu.memory_space<semaphore_mem>>) src(%dma_wait3A_71 : memref<248x128xf32, #tpu.memory_space<hbm>>) dst(%arg4 : memref<248x128xf32, #tpu.memory_space<vmem>>)
    %add3A_72 = arith.constant 1240 : i32
    %add3A_73 = arith.addi %mul3A_2, %add3A_72 : i32
    %dma_start3A_74 = arith.constant 0 : i32
    %dma_start3A_75 = tpu.memref_slice %arg2[%add3A_73, %dma_start3A_74] : memref<500000x128xf32, #tpu.memory_space<hbm>> -> memref<248x128xf32, #tpu.memory_space<hbm>>
    %dma_start3A_76 = arith.constant 0 : i32
    %dma_start3A_77 = tpu.memref_slice %arg2[%add3A_73, %dma_start3A_76] : memref<500000x128xf32, #tpu.memory_space<hbm>> -> memref<248x128xf32, #tpu.memory_space<hbm>>
    tpu.enqueue_dma source(%dma_start3A_77 : memref<248x128xf32, #tpu.memory_space<hbm>>) target(%arg5 : memref<248x128xf32, #tpu.memory_space<vmem>>) target_semaphore(%arg8 : memref<!tpu.dma_semaphore, #tpu.memory_space<semaphore_mem>>)
    %get3A_78 = arith.constant 0 : i32
    %get3A_79 = arith.index_cast %get3A_78 : i32 to index
    %get3A_80 = arith.constant 0 : index
    %get3A_81 = tpu.vector_load %arg4[%get3A_79, %get3A_80] {strides = array<i32>} : memref<248x128xf32, #tpu.memory_space<vmem>>, vector<1x16xf32>,
    %get3A_82 = vector.shape_cast %get3A_81 : vector<1x16xf32> to vector<16xf32>
    %max3A_83 = arith.maximumf %max3A_67, %get3A_82 : vector<16xf32>
    %dma_wait3A_84 = arith.constant 0 : i32
    %dma_wait3A_85 = tpu.memref_slice %arg2[%add3A_73, %dma_wait3A_84] : memref<500000x128xf32, #tpu.memory_space<hbm>> -> memref<248x128xf32, #tpu.memory_space<hbm>>
    %dma_wait3A_86 = arith.constant 0 : i32
    %dma_wait3A_87 = tpu.memref_slice %arg2[%add3A_73, %dma_wait3A_86] : memref<500000x128xf32, #tpu.memory_space<hbm>> -> memref<248x128xf32, #tpu.memory_space<hbm>>
    tpu.wait_dma2 semaphore(%arg8 : memref<!tpu.dma_semaphore, #tpu.memory_space<semaphore_mem>>) src(%dma_wait3A_87 : memref<248x128xf32, #tpu.memory_space<hbm>>) dst(%arg5 : memref<248x128xf32, #tpu.memory_space<vmem>>)
    %add3A_88 = arith.constant 1488 : i32
    %add3A_89 = arith.addi %mul3A_2, %add3A_88 : i32
    %dma_start3A_90 = arith.constant 0 : i32
    %dma_start3A_91 = tpu.memref_slice %arg2[%add3A_89, %dma_start3A_90] : memref<500000x128xf32, #tpu.memory_space<hbm>> -> memref<248x128xf32, #tpu.memory_space<hbm>>
    %dma_start3A_92 = arith.constant 0 : i32
    %dma_start3A_93 = tpu.memref_slice %arg2[%add3A_89, %dma_start3A_92] : memref<500000x128xf32, #tpu.memory_space<hbm>> -> memref<248x128xf32, #tpu.memory_space<hbm>>
    tpu.enqueue_dma source(%dma_start3A_93 : memref<248x128xf32, #tpu.memory_space<hbm>>) target(%arg4 : memref<248x128xf32, #tpu.memory_space<vmem>>) target_semaphore(%arg7 : memref<!tpu.dma_semaphore, #tpu.memory_space<semaphore_mem>>)
    %get3A_94 = arith.constant 0 : i32
    %get3A_95 = arith.index_cast %get3A_94 : i32 to index
    %get3A_96 = arith.constant 0 : index
    %get3A_97 = tpu.vector_load %arg5[%get3A_95, %get3A_96] {strides = array<i32>} : memref<248x128xf32, #tpu.memory_space<vmem>>, vector<1x16xf32>,
    %get3A_98 = vector.shape_cast %get3A_97 : vector<1x16xf32> to vector<16xf32>
    %max3A_99 = arith.maximumf %max3A_83, %get3A_98 : vector<16xf32>
    %dma_wait3A_100 = arith.constant 0 : i32
    %dma_wait3A_101 = tpu.memref_slice %arg2[%add3A_89, %dma_wait3A_100] : memref<500000x128xf32, #tpu.memory_space<hbm>> -> memref<248x128xf32, #tpu.memory_space<hbm>>
    %dma_wait3A_102 = arith.constant 0 : i32
    %dma_wait3A_103 = tpu.memref_slice %arg2[%add3A_89, %dma_wait3A_102] : memref<500000x128xf32, #tpu.memory_space<hbm>> -> memref<248x128xf32, #tpu.memory_space<hbm>>
    tpu.wait_dma2 semaphore(%arg7 : memref<!tpu.dma_semaphore, #tpu.memory_space<semaphore_mem>>) src(%dma_wait3A_103 : memref<248x128xf32, #tpu.memory_space<hbm>>) dst(%arg4 : memref<248x128xf32, #tpu.memory_space<vmem>>)
    %add3A_104 = arith.constant 1736 : i32
    %add3A_105 = arith.addi %mul3A_2, %add3A_104 : i32
    %dma_start3A_106 = arith.constant 0 : i32
    %dma_start3A_107 = tpu.memref_slice %arg2[%add3A_105, %dma_start3A_106] : memref<500000x128xf32, #tpu.memory_space<hbm>> -> memref<248x128xf32, #tpu.memory_space<hbm>>
    %dma_start3A_108 = arith.constant 0 : i32
    %dma_start3A_109 = tpu.memref_slice %arg2[%add3A_105, %dma_start3A_108] : memref<500000x128xf32, #tpu.memory_space<hbm>> -> memref<248x128xf32, #tpu.memory_space<hbm>>
    tpu.enqueue_dma source(%dma_start3A_109 : memref<248x128xf32, #tpu.memory_space<hbm>>) target(%arg5 : memref<248x128xf32, #tpu.memory_space<vmem>>) target_semaphore(%arg8 : memref<!tpu.dma_semaphore, #tpu.memory_space<semaphore_mem>>)
    %get3A_110 = arith.constant 0 : i32
    %get3A_111 = arith.index_cast %get3A_110 : i32 to index
    %get3A_112 = arith.constant 0 : index
    %get3A_113 = tpu.vector_load %arg4[%get3A_111, %get3A_112] {strides = array<i32>} : memref<248x128xf32, #tpu.memory_space<vmem>>, vector<1x16xf32>,
    %get3A_114 = vector.shape_cast %get3A_113 : vector<1x16xf32> to vector<16xf32>
    %max3A_115 = arith.maximumf %max3A_99, %get3A_114 : vector<16xf32>
    %dma_wait3A_116 = arith.constant 0 : i32
    %dma_wait3A_117 = tpu.memref_slice %arg2[%add3A_105, %dma_wait3A_116] : memref<500000x128xf32, #tpu.memory_space<hbm>> -> memref<248x128xf32, #tpu.memory_space<hbm>>
    %dma_wait3A_118 = arith.constant 0 : i32
    %dma_wait3A_119 = tpu.memref_slice %arg2[%add3A_105, %dma_wait3A_118] : memref<500000x128xf32, #tpu.memory_space<hbm>> -> memref<248x128xf32, #tpu.memory_space<hbm>>
    tpu.wait_dma2 semaphore(%arg8 : memref<!tpu.dma_semaphore, #tpu.memory_space<semaphore_mem>>) src(%dma_wait3A_119 : memref<248x128xf32, #tpu.memory_space<hbm>>) dst(%arg5 : memref<248x128xf32, #tpu.memory_space<vmem>>)
    %add3A_120 = arith.constant 1984 : i32
    %add3A_121 = arith.addi %mul3A_2, %add3A_120 : i32
    %dma_start3A_122 = arith.constant 0 : i32
    %dma_start3A_123 = tpu.memref_slice %arg2[%add3A_121, %dma_start3A_122] : memref<500000x128xf32, #tpu.memory_space<hbm>> -> memref<248x128xf32, #tpu.memory_space<hbm>>
    %dma_start3A_124 = arith.constant 0 : i32
    %dma_start3A_125 = tpu.memref_slice %arg2[%add3A_121, %dma_start3A_124] : memref<500000x128xf32, #tpu.memory_space<hbm>> -> memref<248x128xf32, #tpu.memory_space<hbm>>
    tpu.enqueue_dma source(%dma_start3A_125 : memref<248x128xf32, #tpu.memory_space<hbm>>) target(%arg4 : memref<248x128xf32, #tpu.memory_space<vmem>>) target_semaphore(%arg7 : memref<!tpu.dma_semaphore, #tpu.memory_space<semaphore_mem>>)
    %get3A_126 = arith.constant 0 : i32
    %get3A_127 = arith.index_cast %get3A_126 : i32 to index
    %get3A_128 = arith.constant 0 : index
    %get3A_129 = tpu.vector_load %arg5[%get3A_127, %get3A_128] {strides = array<i32>} : memref<248x128xf32, #tpu.memory_space<vmem>>, vector<1x16xf32>,
    %get3A_130 = vector.shape_cast %get3A_129 : vector<1x16xf32> to vector<16xf32>
    %max3A_131 = arith.maximumf %max3A_115, %get3A_130 : vector<16xf32>
    %dma_wait3A_132 = arith.constant 0 : i32
    %dma_wait3A_133 = tpu.memref_slice %arg2[%add3A_121, %dma_wait3A_132] : memref<500000x128xf32, #tpu.memory_space<hbm>> -> memref<248x128xf32, #tpu.memory_space<hbm>>
    %dma_wait3A_134 = arith.constant 0 : i32
    %dma_wait3A_135 = tpu.memref_slice %arg2[%add3A_121, %dma_wait3A_134] : memref<500000x128xf32, #tpu.memory_space<hbm>> -> memref<248x128xf32, #tpu.memory_space<hbm>>
    tpu.wait_dma2 semaphore(%arg7 : memref<!tpu.dma_semaphore, #tpu.memory_space<semaphore_mem>>) src(%dma_wait3A_135 : memref<248x128xf32, #tpu.memory_space<hbm>>) dst(%arg4 : memref<248x128xf32, #tpu.memory_space<vmem>>)
    %add3A_136 = arith.constant 2232 : i32
    %add3A_137 = arith.addi %mul3A_2, %add3A_136 : i32
    %dma_start3A_138 = arith.constant 0 : i32
    %dma_start3A_139 = tpu.memref_slice %arg2[%add3A_137, %dma_start3A_138] : memref<500000x128xf32, #tpu.memory_space<hbm>> -> memref<248x128xf32, #tpu.memory_space<hbm>>
    %dma_start3A_140 = arith.constant 0 : i32
    %dma_start3A_141 = tpu.memref_slice %arg2[%add3A_137, %dma_start3A_140] : memref<500000x128xf32, #tpu.memory_space<hbm>> -> memref<248x128xf32, #tpu.memory_space<hbm>>
    tpu.enqueue_dma source(%dma_start3A_141 : memref<248x128xf32, #tpu.memory_space<hbm>>) target(%arg5 : memref<248x128xf32, #tpu.memory_space<vmem>>) target_semaphore(%arg8 : memref<!tpu.dma_semaphore, #tpu.memory_space<semaphore_mem>>)
    %get3A_142 = arith.constant 0 : i32
    %get3A_143 = arith.index_cast %get3A_142 : i32 to index
    %get3A_144 = arith.constant 0 : index
    %get3A_145 = tpu.vector_load %arg4[%get3A_143, %get3A_144] {strides = array<i32>} : memref<248x128xf32, #tpu.memory_space<vmem>>, vector<1x16xf32>,
    %get3A_146 = vector.shape_cast %get3A_145 : vector<1x16xf32> to vector<16xf32>
    %max3A_147 = arith.maximumf %max3A_131, %get3A_146 : vector<16xf32>
    %dma_wait3A_148 = arith.constant 0 : i32
    %dma_wait3A_149 = tpu.memref_slice %arg2[%add3A_137, %dma_wait3A_148] : memref<500000x128xf32, #tpu.memory_space<hbm>> -> memref<248x128xf32, #tpu.memory_space<hbm>>
    %dma_wait3A_150 = arith.constant 0 : i32
    %dma_wait3A_151 = tpu.memref_slice %arg2[%add3A_137, %dma_wait3A_150] : memref<500000x128xf32, #tpu.memory_space<hbm>> -> memref<248x128xf32, #tpu.memory_space<hbm>>
    tpu.wait_dma2 semaphore(%arg8 : memref<!tpu.dma_semaphore, #tpu.memory_space<semaphore_mem>>) src(%dma_wait3A_151 : memref<248x128xf32, #tpu.memory_space<hbm>>) dst(%arg5 : memref<248x128xf32, #tpu.memory_space<vmem>>)
    %add3A_152 = arith.constant 2480 : i32
    %add3A_153 = arith.addi %mul3A_2, %add3A_152 : i32
    %dma_start3A_154 = arith.constant 0 : i32
    %dma_start3A_155 = tpu.memref_slice %arg2[%add3A_153, %dma_start3A_154] : memref<500000x128xf32, #tpu.memory_space<hbm>> -> memref<248x128xf32, #tpu.memory_space<hbm>>
    %dma_start3A_156 = arith.constant 0 : i32
    %dma_start3A_157 = tpu.memref_slice %arg2[%add3A_153, %dma_start3A_156] : memref<500000x128xf32, #tpu.memory_space<hbm>> -> memref<248x128xf32, #tpu.memory_space<hbm>>
    tpu.enqueue_dma source(%dma_start3A_157 : memref<248x128xf32, #tpu.memory_space<hbm>>) target(%arg4 : memref<248x128xf32, #tpu.memory_space<vmem>>) target_semaphore(%arg7 : memref<!tpu.dma_semaphore, #tpu.memory_space<semaphore_mem>>)
    %get3A_158 = arith.constant 0 : i32
    %get3A_159 = arith.index_cast %get3A_158 : i32 to index
    %get3A_160 = arith.constant 0 : index
    %get3A_161 = tpu.vector_load %arg5[%get3A_159, %get3A_160] {strides = array<i32>} : memref<248x128xf32, #tpu.memory_space<vmem>>, vector<1x16xf32>,
    %get3A_162 = vector.shape_cast %get3A_161 : vector<1x16xf32> to vector<16xf32>
    %max3A_163 = arith.maximumf %max3A_147, %get3A_162 : vector<16xf32>
    %dma_wait3A_164 = arith.constant 0 : i32
    %dma_wait3A_165 = tpu.memref_slice %arg2[%add3A_153, %dma_wait3A_164] : memref<500000x128xf32, #tpu.memory_space<hbm>> -> memref<248x128xf32, #tpu.memory_space<hbm>>
    %dma_wait3A_166 = arith.constant 0 : i32
    %dma_wait3A_167 = tpu.memref_slice %arg2[%add3A_153, %dma_wait3A_166] : memref<500000x128xf32, #tpu.memory_space<hbm>> -> memref<248x128xf32, #tpu.memory_space<hbm>>
    tpu.wait_dma2 semaphore(%arg7 : memref<!tpu.dma_semaphore, #tpu.memory_space<semaphore_mem>>) src(%dma_wait3A_167 : memref<248x128xf32, #tpu.memory_space<hbm>>) dst(%arg4 : memref<248x128xf32, #tpu.memory_space<vmem>>)
    %add3A_168 = arith.constant 2728 : i32
    %add3A_169 = arith.addi %mul3A_2, %add3A_168 : i32
    %dma_start3A_170 = arith.constant 0 : i32
    %dma_start3A_171 = tpu.memref_slice %arg2[%add3A_169, %dma_start3A_170] : memref<500000x128xf32, #tpu.memory_space<hbm>> -> memref<248x128xf32, #tpu.memory_space<hbm>>
    %dma_start3A_172 = arith.constant 0 : i32
    %dma_start3A_173 = tpu.memref_slice %arg2[%add3A_169, %dma_start3A_172] : memref<500000x128xf32, #tpu.memory_space<hbm>> -> memref<248x128xf32, #tpu.memory_space<hbm>>
    tpu.enqueue_dma source(%dma_start3A_173 : memref<248x128xf32, #tpu.memory_space<hbm>>) target(%arg5 : memref<248x128xf32, #tpu.memory_space<vmem>>) target_semaphore(%arg8 : memref<!tpu.dma_semaphore, #tpu.memory_space<semaphore_mem>>)
    %get3A_174 = arith.constant 0 : i32
    %get3A_175 = arith.index_cast %get3A_174 : i32 to index
    %get3A_176 = arith.constant 0 : index
    %get3A_177 = tpu.vector_load %arg4[%get3A_175, %get3A_176] {strides = array<i32>} : memref<248x128xf32, #tpu.memory_space<vmem>>, vector<1x16xf32>,
    %get3A_178 = vector.shape_cast %get3A_177 : vector<1x16xf32> to vector<16xf32>
    %max3A_179 = arith.maximumf %max3A_163, %get3A_178 : vector<16xf32>
    %dma_wait3A_180 = arith.constant 0 : i32
    %dma_wait3A_181 = tpu.memref_slice %arg2[%add3A_169, %dma_wait3A_180] : memref<500000x128xf32, #tpu.memory_space<hbm>> -> memref<248x128xf32, #tpu.memory_space<hbm>>
    %dma_wait3A_182 = arith.constant 0 : i32
    %dma_wait3A_183 = tpu.memref_slice %arg2[%add3A_169, %dma_wait3A_182] : memref<500000x128xf32, #tpu.memory_space<hbm>> -> memref<248x128xf32, #tpu.memory_space<hbm>>
    tpu.wait_dma2 semaphore(%arg8 : memref<!tpu.dma_semaphore, #tpu.memory_space<semaphore_mem>>) src(%dma_wait3A_183 : memref<248x128xf32, #tpu.memory_space<hbm>>) dst(%arg5 : memref<248x128xf32, #tpu.memory_space<vmem>>)
    %add3A_184 = arith.constant 2976 : i32
    %add3A_185 = arith.addi %mul3A_2, %add3A_184 : i32
    %dma_start3A_186 = arith.constant 0 : i32
    %dma_start3A_187 = tpu.memref_slice %arg2[%add3A_185, %dma_start3A_186] : memref<500000x128xf32, #tpu.memory_space<hbm>> -> memref<248x128xf32, #tpu.memory_space<hbm>>
    %dma_start3A_188 = arith.constant 0 : i32
    %dma_start3A_189 = tpu.memref_slice %arg2[%add3A_185, %dma_start3A_188] : memref<500000x128xf32, #tpu.memory_space<hbm>> -> memref<248x128xf32, #tpu.memory_space<hbm>>
    tpu.enqueue_dma source(%dma_start3A_189 : memref<248x128xf32, #tpu.memory_space<hbm>>) target(%arg4 : memref<248x128xf32, #tpu.memory_space<vmem>>) target_semaphore(%arg7 : memref<!tpu.dma_semaphore, #tpu.memory_space<semaphore_mem>>)
    %get3A_190 = arith.constant 0 : i32
    %get3A_191 = arith.index_cast %get3A_190 : i32 to index
    %get3A_192 = arith.constant 0 : index
    %get3A_193 = tpu.vector_load %arg5[%get3A_191, %get3A_192] {strides = array<i32>} : memref<248x128xf32, #tpu.memory_space<vmem>>, vector<1x16xf32>,
    %get3A_194 = vector.shape_cast %get3A_193 : vector<1x16xf32> to vector<16xf32>
    %max3A_195 = arith.maximumf %max3A_179, %get3A_194 : vector<16xf32>
    %dma_wait3A_196 = arith.constant 0 : i32
    %dma_wait3A_197 = tpu.memref_slice %arg2[%add3A_185, %dma_wait3A_196] : memref<500000x128xf32, #tpu.memory_space<hbm>> -> memref<248x128xf32, #tpu.memory_space<hbm>>
    %dma_wait3A_198 = arith.constant 0 : i32
    %dma_wait3A_199 = tpu.memref_slice %arg2[%add3A_185, %dma_wait3A_198] : memref<500000x128xf32, #tpu.memory_space<hbm>> -> memref<248x128xf32, #tpu.memory_space<hbm>>
    tpu.wait_dma2 semaphore(%arg7 : memref<!tpu.dma_semaphore, #tpu.memory_space<semaphore_mem>>) src(%dma_wait3A_199 : memref<248x128xf32, #tpu.memory_space<hbm>>) dst(%arg4 : memref<248x128xf32, #tpu.memory_space<vmem>>)
    %add3A_200 = arith.constant 3224 : i32
    %add3A_201 = arith.addi %mul3A_2, %add3A_200 : i32
    %dma_start3A_202 = arith.constant 0 : i32
    %dma_start3A_203 = tpu.memref_slice %arg2[%add3A_201, %dma_start3A_202] : memref<500000x128xf32, #tpu.memory_space<hbm>> -> memref<248x128xf32, #tpu.memory_space<hbm>>
    %dma_start3A_204 = arith.constant 0 : i32
    %dma_start3A_205 = tpu.memref_slice %arg2[%add3A_201, %dma_start3A_204] : memref<500000x128xf32, #tpu.memory_space<hbm>> -> memref<248x128xf32, #tpu.memory_space<hbm>>
    tpu.enqueue_dma source(%dma_start3A_205 : memref<248x128xf32, #tpu.memory_space<hbm>>) target(%arg5 : memref<248x128xf32, #tpu.memory_space<vmem>>) target_semaphore(%arg8 : memref<!tpu.dma_semaphore, #tpu.memory_space<semaphore_mem>>)
    %get3A_206 = arith.constant 0 : i32
    %get3A_207 = arith.index_cast %get3A_206 : i32 to index
    %get3A_208 = arith.constant 0 : index
    %get3A_209 = tpu.vector_load %arg4[%get3A_207, %get3A_208] {strides = array<i32>} : memref<248x128xf32, #tpu.memory_space<vmem>>, vector<1x16xf32>,
    %get3A_210 = vector.shape_cast %get3A_209 : vector<1x16xf32> to vector<16xf32>
    %max3A_211 = arith.maximumf %max3A_195, %get3A_210 : vector<16xf32>
    %dma_wait3A_212 = arith.constant 0 : i32
    %dma_wait3A_213 = tpu.memref_slice %arg2[%add3A_201, %dma_wait3A_212] : memref<500000x128xf32, #tpu.memory_space<hbm>> -> memref<248x128xf32, #tpu.memory_space<hbm>>
    %dma_wait3A_214 = arith.constant 0 : i32
    %dma_wait3A_215 = tpu.memref_slice %arg2[%add3A_201, %dma_wait3A_214] : memref<500000x128xf32, #tpu.memory_space<hbm>> -> memref<248x128xf32, #tpu.memory_space<hbm>>
    tpu.wait_dma2 semaphore(%arg8 : memref<!tpu.dma_semaphore, #tpu.memory_space<semaphore_mem>>) src(%dma_wait3A_215 : memref<248x128xf32, #tpu.memory_space<hbm>>) dst(%arg5 : memref<248x128xf32, #tpu.memory_space<vmem>>)
    %add3A_216 = arith.constant 3472 : i32
    %add3A_217 = arith.addi %mul3A_2, %add3A_216 : i32
    %dma_start3A_218 = arith.constant 0 : i32
    %dma_start3A_219 = tpu.memref_slice %arg2[%add3A_217, %dma_start3A_218] : memref<500000x128xf32, #tpu.memory_space<hbm>> -> memref<248x128xf32, #tpu.memory_space<hbm>>
    %dma_start3A_220 = arith.constant 0 : i32
    %dma_start3A_221 = tpu.memref_slice %arg2[%add3A_217, %dma_start3A_220] : memref<500000x128xf32, #tpu.memory_space<hbm>> -> memref<248x128xf32, #tpu.memory_space<hbm>>
    tpu.enqueue_dma source(%dma_start3A_221 : memref<248x128xf32, #tpu.memory_space<hbm>>) target(%arg4 : memref<248x128xf32, #tpu.memory_space<vmem>>) target_semaphore(%arg7 : memref<!tpu.dma_semaphore, #tpu.memory_space<semaphore_mem>>)
    %get3A_222 = arith.constant 0 : i32
    %get3A_223 = arith.index_cast %get3A_222 : i32 to index
    %get3A_224 = arith.constant 0 : index
    %get3A_225 = tpu.vector_load %arg5[%get3A_223, %get3A_224] {strides = array<i32>} : memref<248x128xf32, #tpu.memory_space<vmem>>, vector<1x16xf32>,
    %get3A_226 = vector.shape_cast %get3A_225 : vector<1x16xf32> to vector<16xf32>
    %max3A_227 = arith.maximumf %max3A_211, %get3A_226 : vector<16xf32>
    %dma_wait3A_228 = arith.constant 0 : i32
    %dma_wait3A_229 = tpu.memref_slice %arg2[%add3A_217, %dma_wait3A_228] : memref<500000x128xf32, #tpu.memory_space<hbm>> -> memref<248x128xf32, #tpu.memory_space<hbm>>
    %dma_wait3A_230 = arith.constant 0 : i32
    %dma_wait3A_231 = tpu.memref_slice %arg2[%add3A_217, %dma_wait3A_230] : memref<500000x128xf32, #tpu.memory_space<hbm>> -> memref<248x128xf32, #tpu.memory_space<hbm>>
    tpu.wait_dma2 semaphore(%arg7 : memref<!tpu.dma_semaphore, #tpu.memory_space<semaphore_mem>>) src(%dma_wait3A_231 : memref<248x128xf32, #tpu.memory_space<hbm>>) dst(%arg4 : memref<248x128xf32, #tpu.memory_space<vmem>>)
    %add3A_232 = arith.constant 3720 : i32
    %add3A_233 = arith.addi %mul3A_2, %add3A_232 : i32
    %dma_start3A_234 = arith.constant 0 : i32
    %dma_start3A_235 = tpu.memref_slice %arg2[%add3A_233, %dma_start3A_234] : memref<500000x128xf32, #tpu.memory_space<hbm>> -> memref<248x128xf32, #tpu.memory_space<hbm>>
    %dma_start3A_236 = arith.constant 0 : i32
    %dma_start3A_237 = tpu.memref_slice %arg2[%add3A_233, %dma_start3A_236] : memref<500000x128xf32, #tpu.memory_space<hbm>> -> memref<248x128xf32, #tpu.memory_space<hbm>>
    tpu.enqueue_dma source(%dma_start3A_237 : memref<248x128xf32, #tpu.memory_space<hbm>>) target(%arg5 : memref<248x128xf32, #tpu.memory_space<vmem>>) target_semaphore(%arg8 : memref<!tpu.dma_semaphore, #tpu.memory_space<semaphore_mem>>)
    %get3A_238 = arith.constant 0 : i32
    %get3A_239 = arith.index_cast %get3A_238 : i32 to index
    %get3A_240 = arith.constant 0 : index
    %get3A_241 = tpu.vector_load %arg4[%get3A_239, %get3A_240] {strides = array<i32>} : memref<248x128xf32, #tpu.memory_space<vmem>>, vector<1x16xf32>,
    %get3A_242 = vector.shape_cast %get3A_241 : vector<1x16xf32> to vector<16xf32>
    %max3A_243 = arith.maximumf %max3A_227, %get3A_242 : vector<16xf32>
    %dma_wait3A_244 = arith.constant 0 : i32
    %dma_wait3A_245 = tpu.memref_slice %arg2[%add3A_233, %dma_wait3A_244] : memref<500000x128xf32, #tpu.memory_space<hbm>> -> memref<248x128xf32, #tpu.memory_space<hbm>>
    %dma_wait3A_246 = arith.constant 0 : i32
    %dma_wait3A_247 = tpu.memref_slice %arg2[%add3A_233, %dma_wait3A_246] : memref<500000x128xf32, #tpu.memory_space<hbm>> -> memref<248x128xf32, #tpu.memory_space<hbm>>
    tpu.wait_dma2 semaphore(%arg8 : memref<!tpu.dma_semaphore, #tpu.memory_space<semaphore_mem>>) src(%dma_wait3A_247 : memref<248x128xf32, #tpu.memory_space<hbm>>) dst(%arg5 : memref<248x128xf32, #tpu.memory_space<vmem>>)
    %add3A_248 = arith.constant 3968 : i32
    %add3A_249 = arith.addi %mul3A_2, %add3A_248 : i32
    %dma_start3A_250 = arith.constant 0 : i32
    %dma_start3A_251 = tpu.memref_slice %arg2[%add3A_249, %dma_start3A_250] : memref<500000x128xf32, #tpu.memory_space<hbm>> -> memref<248x128xf32, #tpu.memory_space<hbm>>
    %dma_start3A_252 = arith.constant 0 : i32
    %dma_start3A_253 = tpu.memref_slice %arg2[%add3A_249, %dma_start3A_252] : memref<500000x128xf32, #tpu.memory_space<hbm>> -> memref<248x128xf32, #tpu.memory_space<hbm>>
    tpu.enqueue_dma source(%dma_start3A_253 : memref<248x128xf32, #tpu.memory_space<hbm>>) target(%arg4 : memref<248x128xf32, #tpu.memory_space<vmem>>) target_semaphore(%arg7 : memref<!tpu.dma_semaphore, #tpu.memory_space<semaphore_mem>>)
    %get3A_254 = arith.constant 0 : i32
    %get3A_255 = arith.index_cast %get3A_254 : i32 to index
    %get3A_256 = arith.constant 0 : index
    %get3A_257 = tpu.vector_load %arg5[%get3A_255, %get3A_256] {strides = array<i32>} : memref<248x128xf32, #tpu.memory_space<vmem>>, vector<1x16xf32>,
    %get3A_258 = vector.shape_cast %get3A_257 : vector<1x16xf32> to vector<16xf32>
    %max3A_259 = arith.maximumf %max3A_243, %get3A_258 : vector<16xf32>
    %dma_wait3A_260 = arith.constant 0 : i32
    %dma_wait3A_261 = tpu.memref_slice %arg2[%add3A_249, %dma_wait3A_260] : memref<500000x128xf32, #tpu.memory_space<hbm>> -> memref<248x128xf32, #tpu.memory_space<hbm>>
    %dma_wait3A_262 = arith.constant 0 : i32
    %dma_wait3A_263 = tpu.memref_slice %arg2[%add3A_249, %dma_wait3A_262] : memref<500000x128xf32, #tpu.memory_space<hbm>> -> memref<248x128xf32, #tpu.memory_space<hbm>>
    tpu.wait_dma2 semaphore(%arg7 : memref<!tpu.dma_semaphore, #tpu.memory_space<semaphore_mem>>) src(%dma_wait3A_263 : memref<248x128xf32, #tpu.memory_space<hbm>>) dst(%arg4 : memref<248x128xf32, #tpu.memory_space<vmem>>)
    %add3A_264 = arith.constant 4216 : i32
    %add3A_265 = arith.addi %mul3A_2, %add3A_264 : i32
    %dma_start3A_266 = arith.constant 0 : i32
    %dma_start3A_267 = tpu.memref_slice %arg2[%add3A_265, %dma_start3A_266] : memref<500000x128xf32, #tpu.memory_space<hbm>> -> memref<248x128xf32, #tpu.memory_space<hbm>>
    %dma_start3A_268 = arith.constant 0 : i32
    %dma_start3A_269 = tpu.memref_slice %arg2[%add3A_265, %dma_start3A_268] : memref<500000x128xf32, #tpu.memory_space<hbm>> -> memref<248x128xf32, #tpu.memory_space<hbm>>
    tpu.enqueue_dma source(%dma_start3A_269 : memref<248x128xf32, #tpu.memory_space<hbm>>) target(%arg5 : memref<248x128xf32, #tpu.memory_space<vmem>>) target_semaphore(%arg8 : memref<!tpu.dma_semaphore, #tpu.memory_space<semaphore_mem>>)
    %get3A_270 = arith.constant 0 : i32
    %get3A_271 = arith.index_cast %get3A_270 : i32 to index
    %get3A_272 = arith.constant 0 : index
    %get3A_273 = tpu.vector_load %arg4[%get3A_271, %get3A_272] {strides = array<i32>} : memref<248x128xf32, #tpu.memory_space<vmem>>, vector<1x16xf32>,
    %get3A_274 = vector.shape_cast %get3A_273 : vector<1x16xf32> to vector<16xf32>
    %max3A_275 = arith.maximumf %max3A_259, %get3A_274 : vector<16xf32>
    %dma_wait3A_276 = arith.constant 0 : i32
    %dma_wait3A_277 = tpu.memref_slice %arg2[%add3A_265, %dma_wait3A_276] : memref<500000x128xf32, #tpu.memory_space<hbm>> -> memref<248x128xf32, #tpu.memory_space<hbm>>
    %dma_wait3A_278 = arith.constant 0 : i32
    %dma_wait3A_279 = tpu.memref_slice %arg2[%add3A_265, %dma_wait3A_278] : memref<500000x128xf32, #tpu.memory_space<hbm>> -> memref<248x128xf32, #tpu.memory_space<hbm>>
    tpu.wait_dma2 semaphore(%arg8 : memref<!tpu.dma_semaphore, #tpu.memory_space<semaphore_mem>>) src(%dma_wait3A_279 : memref<248x128xf32, #tpu.memory_space<hbm>>) dst(%arg5 : memref<248x128xf32, #tpu.memory_space<vmem>>)
    %add3A_280 = arith.constant 4464 : i32
    %add3A_281 = arith.addi %mul3A_2, %add3A_280 : i32
    %dma_start3A_282 = arith.constant 0 : i32
    %dma_start3A_283 = tpu.memref_slice %arg2[%add3A_281, %dma_start3A_282] : memref<500000x128xf32, #tpu.memory_space<hbm>> -> memref<248x128xf32, #tpu.memory_space<hbm>>
    %dma_start3A_284 = arith.constant 0 : i32
    %dma_start3A_285 = tpu.memref_slice %arg2[%add3A_281, %dma_start3A_284] : memref<500000x128xf32, #tpu.memory_space<hbm>> -> memref<248x128xf32, #tpu.memory_space<hbm>>
    tpu.enqueue_dma source(%dma_start3A_285 : memref<248x128xf32, #tpu.memory_space<hbm>>) target(%arg4 : memref<248x128xf32, #tpu.memory_space<vmem>>) target_semaphore(%arg7 : memref<!tpu.dma_semaphore, #tpu.memory_space<semaphore_mem>>)
    %get3A_286 = arith.constant 0 : i32
    %get3A_287 = arith.index_cast %get3A_286 : i32 to index
    %get3A_288 = arith.constant 0 : index
    %get3A_289 = tpu.vector_load %arg5[%get3A_287, %get3A_288] {strides = array<i32>} : memref<248x128xf32, #tpu.memory_space<vmem>>, vector<1x16xf32>,
    %get3A_290 = vector.shape_cast %get3A_289 : vector<1x16xf32> to vector<16xf32>
    %max3A_291 = arith.maximumf %max3A_275, %get3A_290 : vector<16xf32>
    %dma_wait3A_292 = arith.constant 0 : i32
    %dma_wait3A_293 = tpu.memref_slice %arg2[%add3A_281, %dma_wait3A_292] : memref<500000x128xf32, #tpu.memory_space<hbm>> -> memref<248x128xf32, #tpu.memory_space<hbm>>
    %dma_wait3A_294 = arith.constant 0 : i32
    %dma_wait3A_295 = tpu.memref_slice %arg2[%add3A_281, %dma_wait3A_294] : memref<500000x128xf32, #tpu.memory_space<hbm>> -> memref<248x128xf32, #tpu.memory_space<hbm>>
    tpu.wait_dma2 semaphore(%arg7 : memref<!tpu.dma_semaphore, #tpu.memory_space<semaphore_mem>>) src(%dma_wait3A_295 : memref<248x128xf32, #tpu.memory_space<hbm>>) dst(%arg4 : memref<248x128xf32, #tpu.memory_space<vmem>>)
    %add3A_296 = arith.constant 4712 : i32
    %add3A_297 = arith.addi %mul3A_2, %add3A_296 : i32
    %dma_start3A_298 = arith.constant 0 : i32
    %dma_start3A_299 = tpu.memref_slice %arg2[%add3A_297, %dma_start3A_298] : memref<500000x128xf32, #tpu.memory_space<hbm>> -> memref<248x128xf32, #tpu.memory_space<hbm>>
    %dma_start3A_300 = arith.constant 0 : i32
    %dma_start3A_301 = tpu.memref_slice %arg2[%add3A_297, %dma_start3A_300] : memref<500000x128xf32, #tpu.memory_space<hbm>> -> memref<248x128xf32, #tpu.memory_space<hbm>>
    tpu.enqueue_dma source(%dma_start3A_301 : memref<248x128xf32, #tpu.memory_space<hbm>>) target(%arg5 : memref<248x128xf32, #tpu.memory_space<vmem>>) target_semaphore(%arg8 : memref<!tpu.dma_semaphore, #tpu.memory_space<semaphore_mem>>)
    %get3A_302 = arith.constant 0 : i32
    %get3A_303 = arith.index_cast %get3A_302 : i32 to index
    %get3A_304 = arith.constant 0 : index
    %get3A_305 = tpu.vector_load %arg4[%get3A_303, %get3A_304] {strides = array<i32>} : memref<248x128xf32, #tpu.memory_space<vmem>>, vector<1x16xf32>,
    %get3A_306 = vector.shape_cast %get3A_305 : vector<1x16xf32> to vector<16xf32>
    %max3A_307 = arith.maximumf %max3A_291, %get3A_306 : vector<16xf32>
    %dma_wait3A_308 = arith.constant 0 : i32
    %dma_wait3A_309 = tpu.memref_slice %arg2[%add3A_297, %dma_wait3A_308] : memref<500000x128xf32, #tpu.memory_space<hbm>> -> memref<248x128xf32, #tpu.memory_space<hbm>>
    %dma_wait3A_310 = arith.constant 0 : i32
    %dma_wait3A_311 = tpu.memref_slice %arg2[%add3A_297, %dma_wait3A_310] : memref<500000x128xf32, #tpu.memory_space<hbm>> -> memref<248x128xf32, #tpu.memory_space<hbm>>
    tpu.wait_dma2 semaphore(%arg8 : memref<!tpu.dma_semaphore, #tpu.memory_space<semaphore_mem>>) src(%dma_wait3A_311 : memref<248x128xf32, #tpu.memory_space<hbm>>) dst(%arg5 : memref<248x128xf32, #tpu.memory_space<vmem>>)
    %add3A_312 = arith.constant 4960 : i32
    %add3A_313 = arith.addi %mul3A_2, %add3A_312 : i32
    %dma_start3A_314 = arith.constant 0 : i32
    %dma_start3A_315 = tpu.memref_slice %arg2[%add3A_313, %dma_start3A_314] : memref<500000x128xf32, #tpu.memory_space<hbm>> -> memref<248x128xf32, #tpu.memory_space<hbm>>
    %dma_start3A_316 = arith.constant 0 : i32
    %dma_start3A_317 = tpu.memref_slice %arg2[%add3A_313, %dma_start3A_316] : memref<500000x128xf32, #tpu.memory_space<hbm>> -> memref<248x128xf32, #tpu.memory_space<hbm>>
    tpu.enqueue_dma source(%dma_start3A_317 : memref<248x128xf32, #tpu.memory_space<hbm>>) target(%arg4 : memref<248x128xf32, #tpu.memory_space<vmem>>) target_semaphore(%arg7 : memref<!tpu.dma_semaphore, #tpu.memory_space<semaphore_mem>>)
    %get3A_318 = arith.constant 0 : i32
    %get3A_319 = arith.index_cast %get3A_318 : i32 to index
    %get3A_320 = arith.constant 0 : index
    %get3A_321 = tpu.vector_load %arg5[%get3A_319, %get3A_320] {strides = array<i32>} : memref<248x128xf32, #tpu.memory_space<vmem>>, vector<1x16xf32>,
    %get3A_322 = vector.shape_cast %get3A_321 : vector<1x16xf32> to vector<16xf32>
    %max3A_323 = arith.maximumf %max3A_307, %get3A_322 : vector<16xf32>
    %dma_wait3A_324 = arith.constant 0 : i32
    %dma_wait3A_325 = tpu.memref_slice %arg2[%add3A_313, %dma_wait3A_324] : memref<500000x128xf32, #tpu.memory_space<hbm>> -> memref<248x128xf32, #tpu.memory_space<hbm>>
    %dma_wait3A_326 = arith.constant 0 : i32
    %dma_wait3A_327 = tpu.memref_slice %arg2[%add3A_313, %dma_wait3A_326] : memref<500000x128xf32, #tpu.memory_space<hbm>> -> memref<248x128xf32, #tpu.memory_space<hbm>>
    tpu.wait_dma2 semaphore(%arg7 : memref<!tpu.dma_semaphore, #tpu.memory_space<semaphore_mem>>) src(%dma_wait3A_327 : memref<248x128xf32, #tpu.memory_space<hbm>>) dst(%arg4 : memref<248x128xf32, #tpu.memory_space<vmem>>)
    %add3A_328 = arith.constant 5208 : i32
    %add3A_329 = arith.addi %mul3A_2, %add3A_328 : i32
    %dma_start3A_330 = arith.constant 0 : i32
    %dma_start3A_331 = tpu.memref_slice %arg2[%add3A_329, %dma_start3A_330] : memref<500000x128xf32, #tpu.memory_space<hbm>> -> memref<248x128xf32, #tpu.memory_space<hbm>>
    %dma_start3A_332 = arith.constant 0 : i32
    %dma_start3A_333 = tpu.memref_slice %arg2[%add3A_329, %dma_start3A_332] : memref<500000x128xf32, #tpu.memory_space<hbm>> -> memref<248x128xf32, #tpu.memory_space<hbm>>
    tpu.enqueue_dma source(%dma_start3A_333 : memref<248x128xf32, #tpu.memory_space<hbm>>) target(%arg5 : memref<248x128xf32, #tpu.memory_space<vmem>>) target_semaphore(%arg8 : memref<!tpu.dma_semaphore, #tpu.memory_space<semaphore_mem>>)
    %get3A_334 = arith.constant 0 : i32
    %get3A_335 = arith.index_cast %get3A_334 : i32 to index
    %get3A_336 = arith.constant 0 : index
    %get3A_337 = tpu.vector_load %arg4[%get3A_335, %get3A_336] {strides = array<i32>} : memref<248x128xf32, #tpu.memory_space<vmem>>, vector<1x16xf32>,
    %get3A_338 = vector.shape_cast %get3A_337 : vector<1x16xf32> to vector<16xf32>
    %max3A_339 = arith.maximumf %max3A_323, %get3A_338 : vector<16xf32>
    %dma_wait3A_340 = arith.constant 0 : i32
    %dma_wait3A_341 = tpu.memref_slice %arg2[%add3A_329, %dma_wait3A_340] : memref<500000x128xf32, #tpu.memory_space<hbm>> -> memref<248x128xf32, #tpu.memory_space<hbm>>
    %dma_wait3A_342 = arith.constant 0 : i32
    %dma_wait3A_343 = tpu.memref_slice %arg2[%add3A_329, %dma_wait3A_342] : memref<500000x128xf32, #tpu.memory_space<hbm>> -> memref<248x128xf32, #tpu.memory_space<hbm>>
    tpu.wait_dma2 semaphore(%arg8 : memref<!tpu.dma_semaphore, #tpu.memory_space<semaphore_mem>>) src(%dma_wait3A_343 : memref<248x128xf32, #tpu.memory_space<hbm>>) dst(%arg5 : memref<248x128xf32, #tpu.memory_space<vmem>>)
    %add3A_344 = arith.constant 5456 : i32
    %add3A_345 = arith.addi %mul3A_2, %add3A_344 : i32
    %dma_start3A_346 = arith.constant 0 : i32
    %dma_start3A_347 = tpu.memref_slice %arg2[%add3A_345, %dma_start3A_346] : memref<500000x128xf32, #tpu.memory_space<hbm>> -> memref<248x128xf32, #tpu.memory_space<hbm>>
    %dma_start3A_348 = arith.constant 0 : i32
    %dma_start3A_349 = tpu.memref_slice %arg2[%add3A_345, %dma_start3A_348] : memref<500000x128xf32, #tpu.memory_space<hbm>> -> memref<248x128xf32, #tpu.memory_space<hbm>>
    tpu.enqueue_dma source(%dma_start3A_349 : memref<248x128xf32, #tpu.memory_space<hbm>>) target(%arg4 : memref<248x128xf32, #tpu.memory_space<vmem>>) target_semaphore(%arg7 : memref<!tpu.dma_semaphore, #tpu.memory_space<semaphore_mem>>)
    %get3A_350 = arith.constant 0 : i32
    %get3A_351 = arith.index_cast %get3A_350 : i32 to index
    %get3A_352 = arith.constant 0 : index
    %get3A_353 = tpu.vector_load %arg5[%get3A_351, %get3A_352] {strides = array<i32>} : memref<248x128xf32, #tpu.memory_space<vmem>>, vector<1x16xf32>,
    %get3A_354 = vector.shape_cast %get3A_353 : vector<1x16xf32> to vector<16xf32>
    %max3A_355 = arith.maximumf %max3A_339, %get3A_354 : vector<16xf32>
    %dma_wait3A_356 = arith.constant 0 : i32
    %dma_wait3A_357 = tpu.memref_slice %arg2[%add3A_345, %dma_wait3A_356] : memref<500000x128xf32, #tpu.memory_space<hbm>> -> memref<248x128xf32, #tpu.memory_space<hbm>>
    %dma_wait3A_358 = arith.constant 0 : i32
    %dma_wait3A_359 = tpu.memref_slice %arg2[%add3A_345, %dma_wait3A_358] : memref<500000x128xf32, #tpu.memory_space<hbm>> -> memref<248x128xf32, #tpu.memory_space<hbm>>
    tpu.wait_dma2 semaphore(%arg7 : memref<!tpu.dma_semaphore, #tpu.memory_space<semaphore_mem>>) src(%dma_wait3A_359 : memref<248x128xf32, #tpu.memory_space<hbm>>) dst(%arg4 : memref<248x128xf32, #tpu.memory_space<vmem>>)
    %add3A_360 = arith.constant 5704 : i32
    %add3A_361 = arith.addi %mul3A_2, %add3A_360 : i32
    %dma_start3A_362 = arith.constant 0 : i32
    %dma_start3A_363 = tpu.memref_slice %arg2[%add3A_361, %dma_start3A_362] : memref<500000x128xf32, #tpu.memory_space<hbm>> -> memref<248x128xf32, #tpu.memory_space<hbm>>
    %dma_start3A_364 = arith.constant 0 : i32
    %dma_start3A_365 = tpu.memref_slice %arg2[%add3A_361, %dma_start3A_364] : memref<500000x128xf32, #tpu.memory_space<hbm>> -> memref<248x128xf32, #tpu.memory_space<hbm>>
    tpu.enqueue_dma source(%dma_start3A_365 : memref<248x128xf32, #tpu.memory_space<hbm>>) target(%arg5 : memref<248x128xf32, #tpu.memory_space<vmem>>) target_semaphore(%arg8 : memref<!tpu.dma_semaphore, #tpu.memory_space<semaphore_mem>>)
    %get3A_366 = arith.constant 0 : i32
    %get3A_367 = arith.index_cast %get3A_366 : i32 to index
    %get3A_368 = arith.constant 0 : index
    %get3A_369 = tpu.vector_load %arg4[%get3A_367, %get3A_368] {strides = array<i32>} : memref<248x128xf32, #tpu.memory_space<vmem>>, vector<1x16xf32>,
    %get3A_370 = vector.shape_cast %get3A_369 : vector<1x16xf32> to vector<16xf32>
    %max3A_371 = arith.maximumf %max3A_355, %get3A_370 : vector<16xf32>
    %dma_wait3A_372 = arith.constant 0 : i32
    %dma_wait3A_373 = tpu.memref_slice %arg2[%add3A_361, %dma_wait3A_372] : memref<500000x128xf32, #tpu.memory_space<hbm>> -> memref<248x128xf32, #tpu.memory_space<hbm>>
    %dma_wait3A_374 = arith.constant 0 : i32
    %dma_wait3A_375 = tpu.memref_slice %arg2[%add3A_361, %dma_wait3A_374] : memref<500000x128xf32, #tpu.memory_space<hbm>> -> memref<248x128xf32, #tpu.memory_space<hbm>>
    tpu.wait_dma2 semaphore(%arg8 : memref<!tpu.dma_semaphore, #tpu.memory_space<semaphore_mem>>) src(%dma_wait3A_375 : memref<248x128xf32, #tpu.memory_space<hbm>>) dst(%arg5 : memref<248x128xf32, #tpu.memory_space<vmem>>)
    %add3A_376 = arith.constant 5952 : i32
    %add3A_377 = arith.addi %mul3A_2, %add3A_376 : i32
    %dma_start3A_378 = arith.constant 0 : i32
    %dma_start3A_379 = tpu.memref_slice %arg2[%add3A_377, %dma_start3A_378] : memref<500000x128xf32, #tpu.memory_space<hbm>> -> memref<248x128xf32, #tpu.memory_space<hbm>>
    %dma_start3A_380 = arith.constant 0 : i32
    %dma_start3A_381 = tpu.memref_slice %arg2[%add3A_377, %dma_start3A_380] : memref<500000x128xf32, #tpu.memory_space<hbm>> -> memref<248x128xf32, #tpu.memory_space<hbm>>
    tpu.enqueue_dma source(%dma_start3A_381 : memref<248x128xf32, #tpu.memory_space<hbm>>) target(%arg4 : memref<248x128xf32, #tpu.memory_space<vmem>>) target_semaphore(%arg7 : memref<!tpu.dma_semaphore, #tpu.memory_space<semaphore_mem>>)
    %get3A_382 = arith.constant 0 : i32
    %get3A_383 = arith.index_cast %get3A_382 : i32 to index
    %get3A_384 = arith.constant 0 : index
    %get3A_385 = tpu.vector_load %arg5[%get3A_383, %get3A_384] {strides = array<i32>} : memref<248x128xf32, #tpu.memory_space<vmem>>, vector<1x16xf32>,
    %get3A_386 = vector.shape_cast %get3A_385 : vector<1x16xf32> to vector<16xf32>
    %max3A_387 = arith.maximumf %max3A_371, %get3A_386 : vector<16xf32>
    %dma_wait3A_388 = arith.constant 0 : i32
    %dma_wait3A_389 = tpu.memref_slice %arg2[%add3A_377, %dma_wait3A_388] : memref<500000x128xf32, #tpu.memory_space<hbm>> -> memref<248x128xf32, #tpu.memory_space<hbm>>
    %dma_wait3A_390 = arith.constant 0 : i32
    %dma_wait3A_391 = tpu.memref_slice %arg2[%add3A_377, %dma_wait3A_390] : memref<500000x128xf32, #tpu.memory_space<hbm>> -> memref<248x128xf32, #tpu.memory_space<hbm>>
    tpu.wait_dma2 semaphore(%arg7 : memref<!tpu.dma_semaphore, #tpu.memory_space<semaphore_mem>>) src(%dma_wait3A_391 : memref<248x128xf32, #tpu.memory_space<hbm>>) dst(%arg4 : memref<248x128xf32, #tpu.memory_space<vmem>>)
    %add3A_392 = arith.constant 6200 : i32
    %add3A_393 = arith.addi %mul3A_2, %add3A_392 : i32
    %dma_start3A_394 = arith.constant 0 : i32
    %dma_start3A_395 = tpu.memref_slice %arg2[%add3A_393, %dma_start3A_394] : memref<500000x128xf32, #tpu.memory_space<hbm>> -> memref<248x128xf32, #tpu.memory_space<hbm>>
    %dma_start3A_396 = arith.constant 0 : i32
    %dma_start3A_397 = tpu.memref_slice %arg2[%add3A_393, %dma_start3A_396] : memref<500000x128xf32, #tpu.memory_space<hbm>> -> memref<248x128xf32, #tpu.memory_space<hbm>>
    tpu.enqueue_dma source(%dma_start3A_397 : memref<248x128xf32, #tpu.memory_space<hbm>>) target(%arg5 : memref<248x128xf32, #tpu.memory_space<vmem>>) target_semaphore(%arg8 : memref<!tpu.dma_semaphore, #tpu.memory_space<semaphore_mem>>)
    %get3A_398 = arith.constant 0 : i32
    %get3A_399 = arith.index_cast %get3A_398 : i32 to index
    %get3A_400 = arith.constant 0 : index
    %get3A_401 = tpu.vector_load %arg4[%get3A_399, %get3A_400] {strides = array<i32>} : memref<248x128xf32, #tpu.memory_space<vmem>>, vector<1x16xf32>,
    %get3A_402 = vector.shape_cast %get3A_401 : vector<1x16xf32> to vector<16xf32>
    %max3A_403 = arith.maximumf %max3A_387, %get3A_402 : vector<16xf32>
    %dma_wait3A_404 = arith.constant 0 : i32
    %dma_wait3A_405 = tpu.memref_slice %arg2[%add3A_393, %dma_wait3A_404] : memref<500000x128xf32, #tpu.memory_space<hbm>> -> memref<248x128xf32, #tpu.memory_space<hbm>>
    %dma_wait3A_406 = arith.constant 0 : i32
    %dma_wait3A_407 = tpu.memref_slice %arg2[%add3A_393, %dma_wait3A_406] : memref<500000x128xf32, #tpu.memory_space<hbm>> -> memref<248x128xf32, #tpu.memory_space<hbm>>
    tpu.wait_dma2 semaphore(%arg8 : memref<!tpu.dma_semaphore, #tpu.memory_space<semaphore_mem>>) src(%dma_wait3A_407 : memref<248x128xf32, #tpu.memory_space<hbm>>) dst(%arg5 : memref<248x128xf32, #tpu.memory_space<vmem>>)
    %add3A_408 = arith.constant 6448 : i32
    %add3A_409 = arith.addi %mul3A_2, %add3A_408 : i32
    %dma_start3A_410 = arith.constant 0 : i32
    %dma_start3A_411 = tpu.memref_slice %arg2[%add3A_409, %dma_start3A_410] : memref<500000x128xf32, #tpu.memory_space<hbm>> -> memref<248x128xf32, #tpu.memory_space<hbm>>
    %dma_start3A_412 = arith.constant 0 : i32
    %dma_start3A_413 = tpu.memref_slice %arg2[%add3A_409, %dma_start3A_412] : memref<500000x128xf32, #tpu.memory_space<hbm>> -> memref<248x128xf32, #tpu.memory_space<hbm>>
    tpu.enqueue_dma source(%dma_start3A_413 : memref<248x128xf32, #tpu.memory_space<hbm>>) target(%arg4 : memref<248x128xf32, #tpu.memory_space<vmem>>) target_semaphore(%arg7 : memref<!tpu.dma_semaphore, #tpu.memory_space<semaphore_mem>>)
    %get3A_414 = arith.constant 0 : i32
    %get3A_415 = arith.index_cast %get3A_414 : i32 to index
    %get3A_416 = arith.constant 0 : index
    %get3A_417 = tpu.vector_load %arg5[%get3A_415, %get3A_416] {strides = array<i32>} : memref<248x128xf32, #tpu.memory_space<vmem>>, vector<1x16xf32>,
    %get3A_418 = vector.shape_cast %get3A_417 : vector<1x16xf32> to vector<16xf32>
    %max3A_419 = arith.maximumf %max3A_403, %get3A_418 : vector<16xf32>
    %dma_wait3A_420 = arith.constant 0 : i32
    %dma_wait3A_421 = tpu.memref_slice %arg2[%add3A_409, %dma_wait3A_420] : memref<500000x128xf32, #tpu.memory_space<hbm>> -> memref<248x128xf32, #tpu.memory_space<hbm>>
    %dma_wait3A_422 = arith.constant 0 : i32
    %dma_wait3A_423 = tpu.memref_slice %arg2[%add3A_409, %dma_wait3A_422] : memref<500000x128xf32, #tpu.memory_space<hbm>> -> memref<248x128xf32, #tpu.memory_space<hbm>>
    tpu.wait_dma2 semaphore(%arg7 : memref<!tpu.dma_semaphore, #tpu.memory_space<semaphore_mem>>) src(%dma_wait3A_423 : memref<248x128xf32, #tpu.memory_space<hbm>>) dst(%arg4 : memref<248x128xf32, #tpu.memory_space<vmem>>)
    %add3A_424 = arith.constant 6696 : i32
    %add3A_425 = arith.addi %mul3A_2, %add3A_424 : i32
    %dma_start3A_426 = arith.constant 0 : i32
    %dma_start3A_427 = tpu.memref_slice %arg2[%add3A_425, %dma_start3A_426] : memref<500000x128xf32, #tpu.memory_space<hbm>> -> memref<248x128xf32, #tpu.memory_space<hbm>>
    %dma_start3A_428 = arith.constant 0 : i32
    %dma_start3A_429 = tpu.memref_slice %arg2[%add3A_425, %dma_start3A_428] : memref<500000x128xf32, #tpu.memory_space<hbm>> -> memref<248x128xf32, #tpu.memory_space<hbm>>
    tpu.enqueue_dma source(%dma_start3A_429 : memref<248x128xf32, #tpu.memory_space<hbm>>) target(%arg5 : memref<248x128xf32, #tpu.memory_space<vmem>>) target_semaphore(%arg8 : memref<!tpu.dma_semaphore, #tpu.memory_space<semaphore_mem>>)
    %get3A_430 = arith.constant 0 : i32
    %get3A_431 = arith.index_cast %get3A_430 : i32 to index
    %get3A_432 = arith.constant 0 : index
    %get3A_433 = tpu.vector_load %arg4[%get3A_431, %get3A_432] {strides = array<i32>} : memref<248x128xf32, #tpu.memory_space<vmem>>, vector<1x16xf32>,
    %get3A_434 = vector.shape_cast %get3A_433 : vector<1x16xf32> to vector<16xf32>
    %max3A_435 = arith.maximumf %max3A_419, %get3A_434 : vector<16xf32>
    %dma_wait3A_436 = arith.constant 0 : i32
    %dma_wait3A_437 = tpu.memref_slice %arg2[%add3A_425, %dma_wait3A_436] : memref<500000x128xf32, #tpu.memory_space<hbm>> -> memref<248x128xf32, #tpu.memory_space<hbm>>
    %dma_wait3A_438 = arith.constant 0 : i32
    %dma_wait3A_439 = tpu.memref_slice %arg2[%add3A_425, %dma_wait3A_438] : memref<500000x128xf32, #tpu.memory_space<hbm>> -> memref<248x128xf32, #tpu.memory_space<hbm>>
    tpu.wait_dma2 semaphore(%arg8 : memref<!tpu.dma_semaphore, #tpu.memory_space<semaphore_mem>>) src(%dma_wait3A_439 : memref<248x128xf32, #tpu.memory_space<hbm>>) dst(%arg5 : memref<248x128xf32, #tpu.memory_space<vmem>>)
    %add3A_440 = arith.constant 6944 : i32
    %add3A_441 = arith.addi %mul3A_2, %add3A_440 : i32
    %dma_start3A_442 = arith.constant 0 : i32
    %dma_start3A_443 = tpu.memref_slice %arg2[%add3A_441, %dma_start3A_442] : memref<500000x128xf32, #tpu.memory_space<hbm>> -> memref<248x128xf32, #tpu.memory_space<hbm>>
    %dma_start3A_444 = arith.constant 0 : i32
    %dma_start3A_445 = tpu.memref_slice %arg2[%add3A_441, %dma_start3A_444] : memref<500000x128xf32, #tpu.memory_space<hbm>> -> memref<248x128xf32, #tpu.memory_space<hbm>>
    tpu.enqueue_dma source(%dma_start3A_445 : memref<248x128xf32, #tpu.memory_space<hbm>>) target(%arg4 : memref<248x128xf32, #tpu.memory_space<vmem>>) target_semaphore(%arg7 : memref<!tpu.dma_semaphore, #tpu.memory_space<semaphore_mem>>)
    %get3A_446 = arith.constant 0 : i32
    %get3A_447 = arith.index_cast %get3A_446 : i32 to index
    %get3A_448 = arith.constant 0 : index
    %get3A_449 = tpu.vector_load %arg5[%get3A_447, %get3A_448] {strides = array<i32>} : memref<248x128xf32, #tpu.memory_space<vmem>>, vector<1x16xf32>,
    %get3A_450 = vector.shape_cast %get3A_449 : vector<1x16xf32> to vector<16xf32>
    %max3A_451 = arith.maximumf %max3A_435, %get3A_450 : vector<16xf32>
    %dma_wait3A_452 = arith.constant 0 : i32
    %dma_wait3A_453 = tpu.memref_slice %arg2[%add3A_441, %dma_wait3A_452] : memref<500000x128xf32, #tpu.memory_space<hbm>> -> memref<248x128xf32, #tpu.memory_space<hbm>>
    %dma_wait3A_454 = arith.constant 0 : i32
    %dma_wait3A_455 = tpu.memref_slice %arg2[%add3A_441, %dma_wait3A_454] : memref<500000x128xf32, #tpu.memory_space<hbm>> -> memref<248x128xf32, #tpu.memory_space<hbm>>
    tpu.wait_dma2 semaphore(%arg7 : memref<!tpu.dma_semaphore, #tpu.memory_space<semaphore_mem>>) src(%dma_wait3A_455 : memref<248x128xf32, #tpu.memory_space<hbm>>) dst(%arg4 : memref<248x128xf32, #tpu.memory_space<vmem>>)
    %add3A_456 = arith.constant 7192 : i32
    %add3A_457 = arith.addi %mul3A_2, %add3A_456 : i32
    %dma_start3A_458 = arith.constant 0 : i32
    %dma_start3A_459 = tpu.memref_slice %arg2[%add3A_457, %dma_start3A_458] : memref<500000x128xf32, #tpu.memory_space<hbm>> -> memref<248x128xf32, #tpu.memory_space<hbm>>
    %dma_start3A_460 = arith.constant 0 : i32
    %dma_start3A_461 = tpu.memref_slice %arg2[%add3A_457, %dma_start3A_460] : memref<500000x128xf32, #tpu.memory_space<hbm>> -> memref<248x128xf32, #tpu.memory_space<hbm>>
    tpu.enqueue_dma source(%dma_start3A_461 : memref<248x128xf32, #tpu.memory_space<hbm>>) target(%arg5 : memref<248x128xf32, #tpu.memory_space<vmem>>) target_semaphore(%arg8 : memref<!tpu.dma_semaphore, #tpu.memory_space<semaphore_mem>>)
    %get3A_462 = arith.constant 0 : i32
    %get3A_463 = arith.index_cast %get3A_462 : i32 to index
    %get3A_464 = arith.constant 0 : index
    %get3A_465 = tpu.vector_load %arg4[%get3A_463, %get3A_464] {strides = array<i32>} : memref<248x128xf32, #tpu.memory_space<vmem>>, vector<1x16xf32>,
    %get3A_466 = vector.shape_cast %get3A_465 : vector<1x16xf32> to vector<16xf32>
    %max3A_467 = arith.maximumf %max3A_451, %get3A_466 : vector<16xf32>
    %dma_wait3A_468 = arith.constant 0 : i32
    %dma_wait3A_469 = tpu.memref_slice %arg2[%add3A_457, %dma_wait3A_468] : memref<500000x128xf32, #tpu.memory_space<hbm>> -> memref<248x128xf32, #tpu.memory_space<hbm>>
    %dma_wait3A_470 = arith.constant 0 : i32
    %dma_wait3A_471 = tpu.memref_slice %arg2[%add3A_457, %dma_wait3A_470] : memref<500000x128xf32, #tpu.memory_space<hbm>> -> memref<248x128xf32, #tpu.memory_space<hbm>>
    tpu.wait_dma2 semaphore(%arg8 : memref<!tpu.dma_semaphore, #tpu.memory_space<semaphore_mem>>) src(%dma_wait3A_471 : memref<248x128xf32, #tpu.memory_space<hbm>>) dst(%arg5 : memref<248x128xf32, #tpu.memory_space<vmem>>)
    %add3A_472 = arith.constant 7440 : i32
    %add3A_473 = arith.addi %mul3A_2, %add3A_472 : i32
    %dma_start3A_474 = arith.constant 0 : i32
    %dma_start3A_475 = tpu.memref_slice %arg2[%add3A_473, %dma_start3A_474] : memref<500000x128xf32, #tpu.memory_space<hbm>> -> memref<248x128xf32, #tpu.memory_space<hbm>>
    %dma_start3A_476 = arith.constant 0 : i32
    %dma_start3A_477 = tpu.memref_slice %arg2[%add3A_473, %dma_start3A_476] : memref<500000x128xf32, #tpu.memory_space<hbm>> -> memref<248x128xf32, #tpu.memory_space<hbm>>
    tpu.enqueue_dma source(%dma_start3A_477 : memref<248x128xf32, #tpu.memory_space<hbm>>) target(%arg4 : memref<248x128xf32, #tpu.memory_space<vmem>>) target_semaphore(%arg7 : memref<!tpu.dma_semaphore, #tpu.memory_space<semaphore_mem>>)
    %get3A_478 = arith.constant 0 : i32
    %get3A_479 = arith.index_cast %get3A_478 : i32 to index
    %get3A_480 = arith.constant 0 : index
    %get3A_481 = tpu.vector_load %arg5[%get3A_479, %get3A_480] {strides = array<i32>} : memref<248x128xf32, #tpu.memory_space<vmem>>, vector<1x16xf32>,
    %get3A_482 = vector.shape_cast %get3A_481 : vector<1x16xf32> to vector<16xf32>
    %max3A_483 = arith.maximumf %max3A_467, %get3A_482 : vector<16xf32>
    %dma_wait3A_484 = arith.constant 0 : i32
    %dma_wait3A_485 = tpu.memref_slice %arg2[%add3A_473, %dma_wait3A_484] : memref<500000x128xf32, #tpu.memory_space<hbm>> -> memref<248x128xf32, #tpu.memory_space<hbm>>
    %dma_wait3A_486 = arith.constant 0 : i32
    %dma_wait3A_487 = tpu.memref_slice %arg2[%add3A_473, %dma_wait3A_486] : memref<500000x128xf32, #tpu.memory_space<hbm>> -> memref<248x128xf32, #tpu.memory_space<hbm>>
    tpu.wait_dma2 semaphore(%arg7 : memref<!tpu.dma_semaphore, #tpu.memory_space<semaphore_mem>>) src(%dma_wait3A_487 : memref<248x128xf32, #tpu.memory_space<hbm>>) dst(%arg4 : memref<248x128xf32, #tpu.memory_space<vmem>>)
    %add3A_488 = arith.constant 7688 : i32
    %add3A_489 = arith.addi %mul3A_2, %add3A_488 : i32
    %dma_start3A_490 = arith.constant 0 : i32
    %dma_start3A_491 = tpu.memref_slice %arg2[%add3A_489, %dma_start3A_490] : memref<500000x128xf32, #tpu.memory_space<hbm>> -> memref<248x128xf32, #tpu.memory_space<hbm>>
    %dma_start3A_492 = arith.constant 0 : i32
    %dma_start3A_493 = tpu.memref_slice %arg2[%add3A_489, %dma_start3A_492] : memref<500000x128xf32, #tpu.memory_space<hbm>> -> memref<248x128xf32, #tpu.memory_space<hbm>>
    tpu.enqueue_dma source(%dma_start3A_493 : memref<248x128xf32, #tpu.memory_space<hbm>>) target(%arg5 : memref<248x128xf32, #tpu.memory_space<vmem>>) target_semaphore(%arg8 : memref<!tpu.dma_semaphore, #tpu.memory_space<semaphore_mem>>)
    %get3A_494 = arith.constant 0 : i32
    %get3A_495 = arith.index_cast %get3A_494 : i32 to index
    %get3A_496 = arith.constant 0 : index
    %get3A_497 = tpu.vector_load %arg4[%get3A_495, %get3A_496] {strides = array<i32>} : memref<248x128xf32, #tpu.memory_space<vmem>>, vector<1x16xf32>,
    %get3A_498 = vector.shape_cast %get3A_497 : vector<1x16xf32> to vector<16xf32>
    %max3A_499 = arith.maximumf %max3A_483, %get3A_498 : vector<16xf32>
    %dma_wait3A_500 = arith.constant 0 : i32
    %dma_wait3A_501 = tpu.memref_slice %arg2[%add3A_489, %dma_wait3A_500] : memref<500000x128xf32, #tpu.memory_space<hbm>> -> memref<248x128xf32, #tpu.memory_space<hbm>>
    %dma_wait3A_502 = arith.constant 0 : i32
    %dma_wait3A_503 = tpu.memref_slice %arg2[%add3A_489, %dma_wait3A_502] : memref<500000x128xf32, #tpu.memory_space<hbm>> -> memref<248x128xf32, #tpu.memory_space<hbm>>
    tpu.wait_dma2 semaphore(%arg8 : memref<!tpu.dma_semaphore, #tpu.memory_space<semaphore_mem>>) src(%dma_wait3A_503 : memref<248x128xf32, #tpu.memory_space<hbm>>) dst(%arg5 : memref<248x128xf32, #tpu.memory_space<vmem>>)
    %add3A_504 = arith.constant 7936 : i32
    %add3A_505 = arith.addi %mul3A_2, %add3A_504 : i32
    %dma_start3A_506 = arith.constant 0 : i32
    %dma_start3A_507 = tpu.memref_slice %arg2[%add3A_505, %dma_start3A_506] : memref<500000x128xf32, #tpu.memory_space<hbm>> -> memref<248x128xf32, #tpu.memory_space<hbm>>
    %dma_start3A_508 = arith.constant 0 : i32
    %dma_start3A_509 = tpu.memref_slice %arg2[%add3A_505, %dma_start3A_508] : memref<500000x128xf32, #tpu.memory_space<hbm>> -> memref<248x128xf32, #tpu.memory_space<hbm>>
    tpu.enqueue_dma source(%dma_start3A_509 : memref<248x128xf32, #tpu.memory_space<hbm>>) target(%arg4 : memref<248x128xf32, #tpu.memory_space<vmem>>) target_semaphore(%arg7 : memref<!tpu.dma_semaphore, #tpu.memory_space<semaphore_mem>>)
    %get3A_510 = arith.constant 0 : i32
    %get3A_511 = arith.index_cast %get3A_510 : i32 to index
    %get3A_512 = arith.constant 0 : index
    %get3A_513 = tpu.vector_load %arg5[%get3A_511, %get3A_512] {strides = array<i32>} : memref<248x128xf32, #tpu.memory_space<vmem>>, vector<1x16xf32>,
    %get3A_514 = vector.shape_cast %get3A_513 : vector<1x16xf32> to vector<16xf32>
    %max3A_515 = arith.maximumf %max3A_499, %get3A_514 : vector<16xf32>
    %dma_wait3A_516 = arith.constant 0 : i32
    %dma_wait3A_517 = tpu.memref_slice %arg2[%add3A_505, %dma_wait3A_516] : memref<500000x128xf32, #tpu.memory_space<hbm>> -> memref<248x128xf32, #tpu.memory_space<hbm>>
    %dma_wait3A_518 = arith.constant 0 : i32
    %dma_wait3A_519 = tpu.memref_slice %arg2[%add3A_505, %dma_wait3A_518] : memref<500000x128xf32, #tpu.memory_space<hbm>> -> memref<248x128xf32, #tpu.memory_space<hbm>>
    tpu.wait_dma2 semaphore(%arg7 : memref<!tpu.dma_semaphore, #tpu.memory_space<semaphore_mem>>) src(%dma_wait3A_519 : memref<248x128xf32, #tpu.memory_space<hbm>>) dst(%arg4 : memref<248x128xf32, #tpu.memory_space<vmem>>)
    %add3A_520 = arith.constant 8184 : i32
    %add3A_521 = arith.addi %mul3A_2, %add3A_520 : i32
    %dma_start3A_522 = arith.constant 0 : i32
    %dma_start3A_523 = tpu.memref_slice %arg2[%add3A_521, %dma_start3A_522] : memref<500000x128xf32, #tpu.memory_space<hbm>> -> memref<248x128xf32, #tpu.memory_space<hbm>>
    %dma_start3A_524 = arith.constant 0 : i32
    %dma_start3A_525 = tpu.memref_slice %arg2[%add3A_521, %dma_start3A_524] : memref<500000x128xf32, #tpu.memory_space<hbm>> -> memref<248x128xf32, #tpu.memory_space<hbm>>
    tpu.enqueue_dma source(%dma_start3A_525 : memref<248x128xf32, #tpu.memory_space<hbm>>) target(%arg5 : memref<248x128xf32, #tpu.memory_space<vmem>>) target_semaphore(%arg8 : memref<!tpu.dma_semaphore, #tpu.memory_space<semaphore_mem>>)
    %get3A_526 = arith.constant 0 : i32
    %get3A_527 = arith.index_cast %get3A_526 : i32 to index
    %get3A_528 = arith.constant 0 : index
    %get3A_529 = tpu.vector_load %arg4[%get3A_527, %get3A_528] {strides = array<i32>} : memref<248x128xf32, #tpu.memory_space<vmem>>, vector<1x16xf32>,
    %get3A_530 = vector.shape_cast %get3A_529 : vector<1x16xf32> to vector<16xf32>
    %max3A_531 = arith.maximumf %max3A_515, %get3A_530 : vector<16xf32>
    %dma_wait3A_532 = arith.constant 0 : i32
    %dma_wait3A_533 = tpu.memref_slice %arg2[%add3A_521, %dma_wait3A_532] : memref<500000x128xf32, #tpu.memory_space<hbm>> -> memref<248x128xf32, #tpu.memory_space<hbm>>
    %dma_wait3A_534 = arith.constant 0 : i32
    %dma_wait3A_535 = tpu.memref_slice %arg2[%add3A_521, %dma_wait3A_534] : memref<500000x128xf32, #tpu.memory_space<hbm>> -> memref<248x128xf32, #tpu.memory_space<hbm>>
    tpu.wait_dma2 semaphore(%arg8 : memref<!tpu.dma_semaphore, #tpu.memory_space<semaphore_mem>>) src(%dma_wait3A_535 : memref<248x128xf32, #tpu.memory_space<hbm>>) dst(%arg5 : memref<248x128xf32, #tpu.memory_space<vmem>>)
    %add3A_536 = arith.constant 8432 : i32
    %add3A_537 = arith.addi %mul3A_2, %add3A_536 : i32
    %dma_start3A_538 = arith.constant 0 : i32
    %dma_start3A_539 = tpu.memref_slice %arg2[%add3A_537, %dma_start3A_538] : memref<500000x128xf32, #tpu.memory_space<hbm>> -> memref<248x128xf32, #tpu.memory_space<hbm>>
    %dma_start3A_540 = arith.constant 0 : i32
    %dma_start3A_541 = tpu.memref_slice %arg2[%add3A_537, %dma_start3A_540] : memref<500000x128xf32, #tpu.memory_space<hbm>> -> memref<248x128xf32, #tpu.memory_space<hbm>>
    tpu.enqueue_dma source(%dma_start3A_541 : memref<248x128xf32, #tpu.memory_space<hbm>>) target(%arg4 : memref<248x128xf32, #tpu.memory_space<vmem>>) target_semaphore(%arg7 : memref<!tpu.dma_semaphore, #tpu.memory_space<semaphore_mem>>)
    %get3A_542 = arith.constant 0 : i32
    %get3A_543 = arith.index_cast %get3A_542 : i32 to index
    %get3A_544 = arith.constant 0 : index
    %get3A_545 = tpu.vector_load %arg5[%get3A_543, %get3A_544] {strides = array<i32>} : memref<248x128xf32, #tpu.memory_space<vmem>>, vector<1x16xf32>,
    %get3A_546 = vector.shape_cast %get3A_545 : vector<1x16xf32> to vector<16xf32>
    %max3A_547 = arith.maximumf %max3A_531, %get3A_546 : vector<16xf32>
    %dma_wait3A_548 = arith.constant 0 : i32
    %dma_wait3A_549 = tpu.memref_slice %arg2[%add3A_537, %dma_wait3A_548] : memref<500000x128xf32, #tpu.memory_space<hbm>> -> memref<248x128xf32, #tpu.memory_space<hbm>>
    %dma_wait3A_550 = arith.constant 0 : i32
    %dma_wait3A_551 = tpu.memref_slice %arg2[%add3A_537, %dma_wait3A_550] : memref<500000x128xf32, #tpu.memory_space<hbm>> -> memref<248x128xf32, #tpu.memory_space<hbm>>
    tpu.wait_dma2 semaphore(%arg7 : memref<!tpu.dma_semaphore, #tpu.memory_space<semaphore_mem>>) src(%dma_wait3A_551 : memref<248x128xf32, #tpu.memory_space<hbm>>) dst(%arg4 : memref<248x128xf32, #tpu.memory_space<vmem>>)
    %add3A_552 = arith.constant 8680 : i32
    %add3A_553 = arith.addi %mul3A_2, %add3A_552 : i32
    %dma_start3A_554 = arith.constant 0 : i32
    %dma_start3A_555 = tpu.memref_slice %arg2[%add3A_553, %dma_start3A_554] : memref<500000x128xf32, #tpu.memory_space<hbm>> -> memref<248x128xf32, #tpu.memory_space<hbm>>
    %dma_start3A_556 = arith.constant 0 : i32
    %dma_start3A_557 = tpu.memref_slice %arg2[%add3A_553, %dma_start3A_556] : memref<500000x128xf32, #tpu.memory_space<hbm>> -> memref<248x128xf32, #tpu.memory_space<hbm>>
    tpu.enqueue_dma source(%dma_start3A_557 : memref<248x128xf32, #tpu.memory_space<hbm>>) target(%arg5 : memref<248x128xf32, #tpu.memory_space<vmem>>) target_semaphore(%arg8 : memref<!tpu.dma_semaphore, #tpu.memory_space<semaphore_mem>>)
    %get3A_558 = arith.constant 0 : i32
    %get3A_559 = arith.index_cast %get3A_558 : i32 to index
    %get3A_560 = arith.constant 0 : index
    %get3A_561 = tpu.vector_load %arg4[%get3A_559, %get3A_560] {strides = array<i32>} : memref<248x128xf32, #tpu.memory_space<vmem>>, vector<1x16xf32>,
    %get3A_562 = vector.shape_cast %get3A_561 : vector<1x16xf32> to vector<16xf32>
    %max3A_563 = arith.maximumf %max3A_547, %get3A_562 : vector<16xf32>
    %dma_wait3A_564 = arith.constant 0 : i32
    %dma_wait3A_565 = tpu.memref_slice %arg2[%add3A_553, %dma_wait3A_564] : memref<500000x128xf32, #tpu.memory_space<hbm>> -> memref<248x128xf32, #tpu.memory_space<hbm>>
    %dma_wait3A_566 = arith.constant 0 : i32
    %dma_wait3A_567 = tpu.memref_slice %arg2[%add3A_553, %dma_wait3A_566] : memref<500000x128xf32, #tpu.memory_space<hbm>> -> memref<248x128xf32, #tpu.memory_space<hbm>>
    tpu.wait_dma2 semaphore(%arg8 : memref<!tpu.dma_semaphore, #tpu.memory_space<semaphore_mem>>) src(%dma_wait3A_567 : memref<248x128xf32, #tpu.memory_space<hbm>>) dst(%arg5 : memref<248x128xf32, #tpu.memory_space<vmem>>)
    %add3A_568 = arith.constant 8928 : i32
    %add3A_569 = arith.addi %mul3A_2, %add3A_568 : i32
    %dma_start3A_570 = arith.constant 0 : i32
    %dma_start3A_571 = tpu.memref_slice %arg2[%add3A_569, %dma_start3A_570] : memref<500000x128xf32, #tpu.memory_space<hbm>> -> memref<248x128xf32, #tpu.memory_space<hbm>>
    %dma_start3A_572 = arith.constant 0 : i32
    %dma_start3A_573 = tpu.memref_slice %arg2[%add3A_569, %dma_start3A_572] : memref<500000x128xf32, #tpu.memory_space<hbm>> -> memref<248x128xf32, #tpu.memory_space<hbm>>
    tpu.enqueue_dma source(%dma_start3A_573 : memref<248x128xf32, #tpu.memory_space<hbm>>) target(%arg4 : memref<248x128xf32, #tpu.memory_space<vmem>>) target_semaphore(%arg7 : memref<!tpu.dma_semaphore, #tpu.memory_space<semaphore_mem>>)
    %get3A_574 = arith.constant 0 : i32
    %get3A_575 = arith.index_cast %get3A_574 : i32 to index
    %get3A_576 = arith.constant 0 : index
    %get3A_577 = tpu.vector_load %arg5[%get3A_575, %get3A_576] {strides = array<i32>} : memref<248x128xf32, #tpu.memory_space<vmem>>, vector<1x16xf32>,
    %get3A_578 = vector.shape_cast %get3A_577 : vector<1x16xf32> to vector<16xf32>
    %max3A_579 = arith.maximumf %max3A_563, %get3A_578 : vector<16xf32>
    %dma_wait3A_580 = arith.constant 0 : i32
    %dma_wait3A_581 = tpu.memref_slice %arg2[%add3A_569, %dma_wait3A_580] : memref<500000x128xf32, #tpu.memory_space<hbm>> -> memref<248x128xf32, #tpu.memory_space<hbm>>
    %dma_wait3A_582 = arith.constant 0 : i32
    %dma_wait3A_583 = tpu.memref_slice %arg2[%add3A_569, %dma_wait3A_582] : memref<500000x128xf32, #tpu.memory_space<hbm>> -> memref<248x128xf32, #tpu.memory_space<hbm>>
    tpu.wait_dma2 semaphore(%arg7 : memref<!tpu.dma_semaphore, #tpu.memory_space<semaphore_mem>>) src(%dma_wait3A_583 : memref<248x128xf32, #tpu.memory_space<hbm>>) dst(%arg4 : memref<248x128xf32, #tpu.memory_space<vmem>>)
    %add3A_584 = arith.constant 9176 : i32
    %add3A_585 = arith.addi %mul3A_2, %add3A_584 : i32
    %dma_start3A_586 = arith.constant 0 : i32
    %dma_start3A_587 = tpu.memref_slice %arg2[%add3A_585, %dma_start3A_586] : memref<500000x128xf32, #tpu.memory_space<hbm>> -> memref<248x128xf32, #tpu.memory_space<hbm>>
    %dma_start3A_588 = arith.constant 0 : i32
    %dma_start3A_589 = tpu.memref_slice %arg2[%add3A_585, %dma_start3A_588] : memref<500000x128xf32, #tpu.memory_space<hbm>> -> memref<248x128xf32, #tpu.memory_space<hbm>>
    tpu.enqueue_dma source(%dma_start3A_589 : memref<248x128xf32, #tpu.memory_space<hbm>>) target(%arg5 : memref<248x128xf32, #tpu.memory_space<vmem>>) target_semaphore(%arg8 : memref<!tpu.dma_semaphore, #tpu.memory_space<semaphore_mem>>)
    %get3A_590 = arith.constant 0 : i32
    %get3A_591 = arith.index_cast %get3A_590 : i32 to index
    %get3A_592 = arith.constant 0 : index
    %get3A_593 = tpu.vector_load %arg4[%get3A_591, %get3A_592] {strides = array<i32>} : memref<248x128xf32, #tpu.memory_space<vmem>>, vector<1x16xf32>,
    %get3A_594 = vector.shape_cast %get3A_593 : vector<1x16xf32> to vector<16xf32>
    %max3A_595 = arith.maximumf %max3A_579, %get3A_594 : vector<16xf32>
    %dma_wait3A_596 = arith.constant 0 : i32
    %dma_wait3A_597 = tpu.memref_slice %arg2[%add3A_585, %dma_wait3A_596] : memref<500000x128xf32, #tpu.memory_space<hbm>> -> memref<248x128xf32, #tpu.memory_space<hbm>>
    %dma_wait3A_598 = arith.constant 0 : i32
    %dma_wait3A_599 = tpu.memref_slice %arg2[%add3A_585, %dma_wait3A_598] : memref<500000x128xf32, #tpu.memory_space<hbm>> -> memref<248x128xf32, #tpu.memory_space<hbm>>
    tpu.wait_dma2 semaphore(%arg8 : memref<!tpu.dma_semaphore, #tpu.memory_space<semaphore_mem>>) src(%dma_wait3A_599 : memref<248x128xf32, #tpu.memory_space<hbm>>) dst(%arg5 : memref<248x128xf32, #tpu.memory_space<vmem>>)
    %add3A_600 = arith.constant 9424 : i32
    %add3A_601 = arith.addi %mul3A_2, %add3A_600 : i32
    %dma_start3A_602 = arith.constant 0 : i32
    %dma_start3A_603 = tpu.memref_slice %arg2[%add3A_601, %dma_start3A_602] : memref<500000x128xf32, #tpu.memory_space<hbm>> -> memref<248x128xf32, #tpu.memory_space<hbm>>
    %dma_start3A_604 = arith.constant 0 : i32
    %dma_start3A_605 = tpu.memref_slice %arg2[%add3A_601, %dma_start3A_604] : memref<500000x128xf32, #tpu.memory_space<hbm>> -> memref<248x128xf32, #tpu.memory_space<hbm>>
    tpu.enqueue_dma source(%dma_start3A_605 : memref<248x128xf32, #tpu.memory_space<hbm>>) target(%arg4 : memref<248x128xf32, #tpu.memory_space<vmem>>) target_semaphore(%arg7 : memref<!tpu.dma_semaphore, #tpu.memory_space<semaphore_mem>>)
    %get3A_606 = arith.constant 0 : i32
    %get3A_607 = arith.index_cast %get3A_606 : i32 to index
    %get3A_608 = arith.constant 0 : index
    %get3A_609 = tpu.vector_load %arg5[%get3A_607, %get3A_608] {strides = array<i32>} : memref<248x128xf32, #tpu.memory_space<vmem>>, vector<1x16xf32>,
    %get3A_610 = vector.shape_cast %get3A_609 : vector<1x16xf32> to vector<16xf32>
    %max3A_611 = arith.maximumf %max3A_595, %get3A_610 : vector<16xf32>
    %dma_wait3A_612 = arith.constant 0 : i32
    %dma_wait3A_613 = tpu.memref_slice %arg2[%add3A_601, %dma_wait3A_612] : memref<500000x128xf32, #tpu.memory_space<hbm>> -> memref<248x128xf32, #tpu.memory_space<hbm>>
    %dma_wait3A_614 = arith.constant 0 : i32
    %dma_wait3A_615 = tpu.memref_slice %arg2[%add3A_601, %dma_wait3A_614] : memref<500000x128xf32, #tpu.memory_space<hbm>> -> memref<248x128xf32, #tpu.memory_space<hbm>>
    tpu.wait_dma2 semaphore(%arg7 : memref<!tpu.dma_semaphore, #tpu.memory_space<semaphore_mem>>) src(%dma_wait3A_615 : memref<248x128xf32, #tpu.memory_space<hbm>>) dst(%arg4 : memref<248x128xf32, #tpu.memory_space<vmem>>)
    %add3A_616 = arith.constant 9672 : i32
    %add3A_617 = arith.addi %mul3A_2, %add3A_616 : i32
    %dma_start3A_618 = arith.constant 0 : i32
    %dma_start3A_619 = tpu.memref_slice %arg2[%add3A_617, %dma_start3A_618] : memref<500000x128xf32, #tpu.memory_space<hbm>> -> memref<248x128xf32, #tpu.memory_space<hbm>>
    %dma_start3A_620 = arith.constant 0 : i32
    %dma_start3A_621 = tpu.memref_slice %arg2[%add3A_617, %dma_start3A_620] : memref<500000x128xf32, #tpu.memory_space<hbm>> -> memref<248x128xf32, #tpu.memory_space<hbm>>
    tpu.enqueue_dma source(%dma_start3A_621 : memref<248x128xf32, #tpu.memory_space<hbm>>) target(%arg5 : memref<248x128xf32, #tpu.memory_space<vmem>>) target_semaphore(%arg8 : memref<!tpu.dma_semaphore, #tpu.memory_space<semaphore_mem>>)
    %get3A_622 = arith.constant 0 : i32
    %get3A_623 = arith.index_cast %get3A_622 : i32 to index
    %get3A_624 = arith.constant 0 : index
    %get3A_625 = tpu.vector_load %arg4[%get3A_623, %get3A_624] {strides = array<i32>} : memref<248x128xf32, #tpu.memory_space<vmem>>, vector<1x16xf32>,
    %get3A_626 = vector.shape_cast %get3A_625 : vector<1x16xf32> to vector<16xf32>
    %max3A_627 = arith.maximumf %max3A_611, %get3A_626 : vector<16xf32>
    %dma_wait3A_628 = arith.constant 0 : i32
    %dma_wait3A_629 = tpu.memref_slice %arg2[%add3A_617, %dma_wait3A_628] : memref<500000x128xf32, #tpu.memory_space<hbm>> -> memref<248x128xf32, #tpu.memory_space<hbm>>
    %dma_wait3A_630 = arith.constant 0 : i32
    %dma_wait3A_631 = tpu.memref_slice %arg2[%add3A_617, %dma_wait3A_630] : memref<500000x128xf32, #tpu.memory_space<hbm>> -> memref<248x128xf32, #tpu.memory_space<hbm>>
    tpu.wait_dma2 semaphore(%arg8 : memref<!tpu.dma_semaphore, #tpu.memory_space<semaphore_mem>>) src(%dma_wait3A_631 : memref<248x128xf32, #tpu.memory_space<hbm>>) dst(%arg5 : memref<248x128xf32, #tpu.memory_space<vmem>>)
    %add3A_632 = arith.constant 9920 : i32
    %add3A_633 = arith.addi %mul3A_2, %add3A_632 : i32
    %dma_start3A_634 = arith.constant 0 : i32
    %dma_start3A_635 = tpu.memref_slice %arg2[%add3A_633, %dma_start3A_634] : memref<500000x128xf32, #tpu.memory_space<hbm>> -> memref<248x128xf32, #tpu.memory_space<hbm>>
    %dma_start3A_636 = arith.constant 0 : i32
    %dma_start3A_637 = tpu.memref_slice %arg2[%add3A_633, %dma_start3A_636] : memref<500000x128xf32, #tpu.memory_space<hbm>> -> memref<248x128xf32, #tpu.memory_space<hbm>>
    tpu.enqueue_dma source(%dma_start3A_637 : memref<248x128xf32, #tpu.memory_space<hbm>>) target(%arg4 : memref<248x128xf32, #tpu.memory_space<vmem>>) target_semaphore(%arg7 : memref<!tpu.dma_semaphore, #tpu.memory_space<semaphore_mem>>)
    %get3A_638 = arith.constant 0 : i32
    %get3A_639 = arith.index_cast %get3A_638 : i32 to index
    %get3A_640 = arith.constant 0 : index
    %get3A_641 = tpu.vector_load %arg5[%get3A_639, %get3A_640] {strides = array<i32>} : memref<248x128xf32, #tpu.memory_space<vmem>>, vector<1x16xf32>,
    %get3A_642 = vector.shape_cast %get3A_641 : vector<1x16xf32> to vector<16xf32>
    %max3A_643 = arith.maximumf %max3A_627, %get3A_642 : vector<16xf32>
    %dma_wait3A_644 = arith.constant 0 : i32
    %dma_wait3A_645 = tpu.memref_slice %arg2[%add3A_633, %dma_wait3A_644] : memref<500000x128xf32, #tpu.memory_space<hbm>> -> memref<248x128xf32, #tpu.memory_space<hbm>>
    %dma_wait3A_646 = arith.constant 0 : i32
    %dma_wait3A_647 = tpu.memref_slice %arg2[%add3A_633, %dma_wait3A_646] : memref<500000x128xf32, #tpu.memory_space<hbm>> -> memref<248x128xf32, #tpu.memory_space<hbm>>
    tpu.wait_dma2 semaphore(%arg7 : memref<!tpu.dma_semaphore, #tpu.memory_space<semaphore_mem>>) src(%dma_wait3A_647 : memref<248x128xf32, #tpu.memory_space<hbm>>) dst(%arg4 : memref<248x128xf32, #tpu.memory_space<vmem>>)
    %add3A_648 = arith.constant 10168 : i32
    %add3A_649 = arith.addi %mul3A_2, %add3A_648 : i32
    %dma_start3A_650 = arith.constant 0 : i32
    %dma_start3A_651 = tpu.memref_slice %arg2[%add3A_649, %dma_start3A_650] : memref<500000x128xf32, #tpu.memory_space<hbm>> -> memref<248x128xf32, #tpu.memory_space<hbm>>
    %dma_start3A_652 = arith.constant 0 : i32
    %dma_start3A_653 = tpu.memref_slice %arg2[%add3A_649, %dma_start3A_652] : memref<500000x128xf32, #tpu.memory_space<hbm>> -> memref<248x128xf32, #tpu.memory_space<hbm>>
    tpu.enqueue_dma source(%dma_start3A_653 : memref<248x128xf32, #tpu.memory_space<hbm>>) target(%arg5 : memref<248x128xf32, #tpu.memory_space<vmem>>) target_semaphore(%arg8 : memref<!tpu.dma_semaphore, #tpu.memory_space<semaphore_mem>>)
    %get3A_654 = arith.constant 0 : i32
    %get3A_655 = arith.index_cast %get3A_654 : i32 to index
    %get3A_656 = arith.constant 0 : index
    %get3A_657 = tpu.vector_load %arg4[%get3A_655, %get3A_656] {strides = array<i32>} : memref<248x128xf32, #tpu.memory_space<vmem>>, vector<1x16xf32>,
    %get3A_658 = vector.shape_cast %get3A_657 : vector<1x16xf32> to vector<16xf32>
    %max3A_659 = arith.maximumf %max3A_643, %get3A_658 : vector<16xf32>
    %dma_wait3A_660 = arith.constant 0 : i32
    %dma_wait3A_661 = tpu.memref_slice %arg2[%add3A_649, %dma_wait3A_660] : memref<500000x128xf32, #tpu.memory_space<hbm>> -> memref<248x128xf32, #tpu.memory_space<hbm>>
    %dma_wait3A_662 = arith.constant 0 : i32
    %dma_wait3A_663 = tpu.memref_slice %arg2[%add3A_649, %dma_wait3A_662] : memref<500000x128xf32, #tpu.memory_space<hbm>> -> memref<248x128xf32, #tpu.memory_space<hbm>>
    tpu.wait_dma2 semaphore(%arg8 : memref<!tpu.dma_semaphore, #tpu.memory_space<semaphore_mem>>) src(%dma_wait3A_663 : memref<248x128xf32, #tpu.memory_space<hbm>>) dst(%arg5 : memref<248x128xf32, #tpu.memory_space<vmem>>)
    %add3A_664 = arith.constant 10416 : i32
    %add3A_665 = arith.addi %mul3A_2, %add3A_664 : i32
    %dma_start3A_666 = arith.constant 0 : i32
    %dma_start3A_667 = tpu.memref_slice %arg2[%add3A_665, %dma_start3A_666] : memref<500000x128xf32, #tpu.memory_space<hbm>> -> memref<248x128xf32, #tpu.memory_space<hbm>>
    %dma_start3A_668 = arith.constant 0 : i32
    %dma_start3A_669 = tpu.memref_slice %arg2[%add3A_665, %dma_start3A_668] : memref<500000x128xf32, #tpu.memory_space<hbm>> -> memref<248x128xf32, #tpu.memory_space<hbm>>
    tpu.enqueue_dma source(%dma_start3A_669 : memref<248x128xf32, #tpu.memory_space<hbm>>) target(%arg4 : memref<248x128xf32, #tpu.memory_space<vmem>>) target_semaphore(%arg7 : memref<!tpu.dma_semaphore, #tpu.memory_space<semaphore_mem>>)
    %get3A_670 = arith.constant 0 : i32
    %get3A_671 = arith.index_cast %get3A_670 : i32 to index
    %get3A_672 = arith.constant 0 : index
    %get3A_673 = tpu.vector_load %arg5[%get3A_671, %get3A_672] {strides = array<i32>} : memref<248x128xf32, #tpu.memory_space<vmem>>, vector<1x16xf32>,
    %get3A_674 = vector.shape_cast %get3A_673 : vector<1x16xf32> to vector<16xf32>
    %max3A_675 = arith.maximumf %max3A_659, %get3A_674 : vector<16xf32>
    %dma_wait3A_676 = arith.constant 0 : i32
    %dma_wait3A_677 = tpu.memref_slice %arg2[%add3A_665, %dma_wait3A_676] : memref<500000x128xf32, #tpu.memory_space<hbm>> -> memref<248x128xf32, #tpu.memory_space<hbm>>
    %dma_wait3A_678 = arith.constant 0 : i32
    %dma_wait3A_679 = tpu.memref_slice %arg2[%add3A_665, %dma_wait3A_678] : memref<500000x128xf32, #tpu.memory_space<hbm>> -> memref<248x128xf32, #tpu.memory_space<hbm>>
    tpu.wait_dma2 semaphore(%arg7 : memref<!tpu.dma_semaphore, #tpu.memory_space<semaphore_mem>>) src(%dma_wait3A_679 : memref<248x128xf32, #tpu.memory_space<hbm>>) dst(%arg4 : memref<248x128xf32, #tpu.memory_space<vmem>>)
    %add3A_680 = arith.constant 10664 : i32
    %add3A_681 = arith.addi %mul3A_2, %add3A_680 : i32
    %dma_start3A_682 = arith.constant 0 : i32
    %dma_start3A_683 = tpu.memref_slice %arg2[%add3A_681, %dma_start3A_682] : memref<500000x128xf32, #tpu.memory_space<hbm>> -> memref<248x128xf32, #tpu.memory_space<hbm>>
    %dma_start3A_684 = arith.constant 0 : i32
    %dma_start3A_685 = tpu.memref_slice %arg2[%add3A_681, %dma_start3A_684] : memref<500000x128xf32, #tpu.memory_space<hbm>> -> memref<248x128xf32, #tpu.memory_space<hbm>>
    tpu.enqueue_dma source(%dma_start3A_685 : memref<248x128xf32, #tpu.memory_space<hbm>>) target(%arg5 : memref<248x128xf32, #tpu.memory_space<vmem>>) target_semaphore(%arg8 : memref<!tpu.dma_semaphore, #tpu.memory_space<semaphore_mem>>)
    %get3A_686 = arith.constant 0 : i32
    %get3A_687 = arith.index_cast %get3A_686 : i32 to index
    %get3A_688 = arith.constant 0 : index
    %get3A_689 = tpu.vector_load %arg4[%get3A_687, %get3A_688] {strides = array<i32>} : memref<248x128xf32, #tpu.memory_space<vmem>>, vector<1x16xf32>,
    %get3A_690 = vector.shape_cast %get3A_689 : vector<1x16xf32> to vector<16xf32>
    %max3A_691 = arith.maximumf %max3A_675, %get3A_690 : vector<16xf32>
    %dma_wait3A_692 = arith.constant 0 : i32
    %dma_wait3A_693 = tpu.memref_slice %arg2[%add3A_681, %dma_wait3A_692] : memref<500000x128xf32, #tpu.memory_space<hbm>> -> memref<248x128xf32, #tpu.memory_space<hbm>>
    %dma_wait3A_694 = arith.constant 0 : i32
    %dma_wait3A_695 = tpu.memref_slice %arg2[%add3A_681, %dma_wait3A_694] : memref<500000x128xf32, #tpu.memory_space<hbm>> -> memref<248x128xf32, #tpu.memory_space<hbm>>
    tpu.wait_dma2 semaphore(%arg8 : memref<!tpu.dma_semaphore, #tpu.memory_space<semaphore_mem>>) src(%dma_wait3A_695 : memref<248x128xf32, #tpu.memory_space<hbm>>) dst(%arg5 : memref<248x128xf32, #tpu.memory_space<vmem>>)
    %add3A_696 = arith.constant 10912 : i32
    %add3A_697 = arith.addi %mul3A_2, %add3A_696 : i32
    %dma_start3A_698 = arith.constant 0 : i32
    %dma_start3A_699 = tpu.memref_slice %arg2[%add3A_697, %dma_start3A_698] : memref<500000x128xf32, #tpu.memory_space<hbm>> -> memref<248x128xf32, #tpu.memory_space<hbm>>
    %dma_start3A_700 = arith.constant 0 : i32
    %dma_start3A_701 = tpu.memref_slice %arg2[%add3A_697, %dma_start3A_700] : memref<500000x128xf32, #tpu.memory_space<hbm>> -> memref<248x128xf32, #tpu.memory_space<hbm>>
    tpu.enqueue_dma source(%dma_start3A_701 : memref<248x128xf32, #tpu.memory_space<hbm>>) target(%arg4 : memref<248x128xf32, #tpu.memory_space<vmem>>) target_semaphore(%arg7 : memref<!tpu.dma_semaphore, #tpu.memory_space<semaphore_mem>>)
    %get3A_702 = arith.constant 0 : i32
    %get3A_703 = arith.index_cast %get3A_702 : i32 to index
    %get3A_704 = arith.constant 0 : index
    %get3A_705 = tpu.vector_load %arg5[%get3A_703, %get3A_704] {strides = array<i32>} : memref<248x128xf32, #tpu.memory_space<vmem>>, vector<1x16xf32>,
    %get3A_706 = vector.shape_cast %get3A_705 : vector<1x16xf32> to vector<16xf32>
    %max3A_707 = arith.maximumf %max3A_691, %get3A_706 : vector<16xf32>
    %dma_wait3A_708 = arith.constant 0 : i32
    %dma_wait3A_709 = tpu.memref_slice %arg2[%add3A_697, %dma_wait3A_708] : memref<500000x128xf32, #tpu.memory_space<hbm>> -> memref<248x128xf32, #tpu.memory_space<hbm>>
    %dma_wait3A_710 = arith.constant 0 : i32
    %dma_wait3A_711 = tpu.memref_slice %arg2[%add3A_697, %dma_wait3A_710] : memref<500000x128xf32, #tpu.memory_space<hbm>> -> memref<248x128xf32, #tpu.memory_space<hbm>>
    tpu.wait_dma2 semaphore(%arg7 : memref<!tpu.dma_semaphore, #tpu.memory_space<semaphore_mem>>) src(%dma_wait3A_711 : memref<248x128xf32, #tpu.memory_space<hbm>>) dst(%arg4 : memref<248x128xf32, #tpu.memory_space<vmem>>)
    %add3A_712 = arith.constant 11160 : i32
    %add3A_713 = arith.addi %mul3A_2, %add3A_712 : i32
    %dma_start3A_714 = arith.constant 0 : i32
    %dma_start3A_715 = tpu.memref_slice %arg2[%add3A_713, %dma_start3A_714] : memref<500000x128xf32, #tpu.memory_space<hbm>> -> memref<248x128xf32, #tpu.memory_space<hbm>>
    %dma_start3A_716 = arith.constant 0 : i32
    %dma_start3A_717 = tpu.memref_slice %arg2[%add3A_713, %dma_start3A_716] : memref<500000x128xf32, #tpu.memory_space<hbm>> -> memref<248x128xf32, #tpu.memory_space<hbm>>
    tpu.enqueue_dma source(%dma_start3A_717 : memref<248x128xf32, #tpu.memory_space<hbm>>) target(%arg5 : memref<248x128xf32, #tpu.memory_space<vmem>>) target_semaphore(%arg8 : memref<!tpu.dma_semaphore, #tpu.memory_space<semaphore_mem>>)
    %get3A_718 = arith.constant 0 : i32
    %get3A_719 = arith.index_cast %get3A_718 : i32 to index
    %get3A_720 = arith.constant 0 : index
    %get3A_721 = tpu.vector_load %arg4[%get3A_719, %get3A_720] {strides = array<i32>} : memref<248x128xf32, #tpu.memory_space<vmem>>, vector<1x16xf32>,
    %get3A_722 = vector.shape_cast %get3A_721 : vector<1x16xf32> to vector<16xf32>
    %max3A_723 = arith.maximumf %max3A_707, %get3A_722 : vector<16xf32>
    %dma_wait3A_724 = arith.constant 0 : i32
    %dma_wait3A_725 = tpu.memref_slice %arg2[%add3A_713, %dma_wait3A_724] : memref<500000x128xf32, #tpu.memory_space<hbm>> -> memref<248x128xf32, #tpu.memory_space<hbm>>
    %dma_wait3A_726 = arith.constant 0 : i32
    %dma_wait3A_727 = tpu.memref_slice %arg2[%add3A_713, %dma_wait3A_726] : memref<500000x128xf32, #tpu.memory_space<hbm>> -> memref<248x128xf32, #tpu.memory_space<hbm>>
    tpu.wait_dma2 semaphore(%arg8 : memref<!tpu.dma_semaphore, #tpu.memory_space<semaphore_mem>>) src(%dma_wait3A_727 : memref<248x128xf32, #tpu.memory_space<hbm>>) dst(%arg5 : memref<248x128xf32, #tpu.memory_space<vmem>>)
    %add3A_728 = arith.constant 11408 : i32
    %add3A_729 = arith.addi %mul3A_2, %add3A_728 : i32
    %dma_start3A_730 = arith.constant 0 : i32
    %dma_start3A_731 = tpu.memref_slice %arg2[%add3A_729, %dma_start3A_730] : memref<500000x128xf32, #tpu.memory_space<hbm>> -> memref<248x128xf32, #tpu.memory_space<hbm>>
    %dma_start3A_732 = arith.constant 0 : i32
    %dma_start3A_733 = tpu.memref_slice %arg2[%add3A_729, %dma_start3A_732] : memref<500000x128xf32, #tpu.memory_space<hbm>> -> memref<248x128xf32, #tpu.memory_space<hbm>>
    tpu.enqueue_dma source(%dma_start3A_733 : memref<248x128xf32, #tpu.memory_space<hbm>>) target(%arg4 : memref<248x128xf32, #tpu.memory_space<vmem>>) target_semaphore(%arg7 : memref<!tpu.dma_semaphore, #tpu.memory_space<semaphore_mem>>)
    %get3A_734 = arith.constant 0 : i32
    %get3A_735 = arith.index_cast %get3A_734 : i32 to index
    %get3A_736 = arith.constant 0 : index
    %get3A_737 = tpu.vector_load %arg5[%get3A_735, %get3A_736] {strides = array<i32>} : memref<248x128xf32, #tpu.memory_space<vmem>>, vector<1x16xf32>,
    %get3A_738 = vector.shape_cast %get3A_737 : vector<1x16xf32> to vector<16xf32>
    %max3A_739 = arith.maximumf %max3A_723, %get3A_738 : vector<16xf32>
    %dma_wait3A_740 = arith.constant 0 : i32
    %dma_wait3A_741 = tpu.memref_slice %arg2[%add3A_729, %dma_wait3A_740] : memref<500000x128xf32, #tpu.memory_space<hbm>> -> memref<248x128xf32, #tpu.memory_space<hbm>>
    %dma_wait3A_742 = arith.constant 0 : i32
    %dma_wait3A_743 = tpu.memref_slice %arg2[%add3A_729, %dma_wait3A_742] : memref<500000x128xf32, #tpu.memory_space<hbm>> -> memref<248x128xf32, #tpu.memory_space<hbm>>
    tpu.wait_dma2 semaphore(%arg7 : memref<!tpu.dma_semaphore, #tpu.memory_space<semaphore_mem>>) src(%dma_wait3A_743 : memref<248x128xf32, #tpu.memory_space<hbm>>) dst(%arg4 : memref<248x128xf32, #tpu.memory_space<vmem>>)
    %add3A_744 = arith.constant 11656 : i32
    %add3A_745 = arith.addi %mul3A_2, %add3A_744 : i32
    %dma_start3A_746 = arith.constant 0 : i32
    %dma_start3A_747 = tpu.memref_slice %arg2[%add3A_745, %dma_start3A_746] : memref<500000x128xf32, #tpu.memory_space<hbm>> -> memref<248x128xf32, #tpu.memory_space<hbm>>
    %dma_start3A_748 = arith.constant 0 : i32
    %dma_start3A_749 = tpu.memref_slice %arg2[%add3A_745, %dma_start3A_748] : memref<500000x128xf32, #tpu.memory_space<hbm>> -> memref<248x128xf32, #tpu.memory_space<hbm>>
    tpu.enqueue_dma source(%dma_start3A_749 : memref<248x128xf32, #tpu.memory_space<hbm>>) target(%arg5 : memref<248x128xf32, #tpu.memory_space<vmem>>) target_semaphore(%arg8 : memref<!tpu.dma_semaphore, #tpu.memory_space<semaphore_mem>>)
    %get3A_750 = arith.constant 0 : i32
    %get3A_751 = arith.index_cast %get3A_750 : i32 to index
    %get3A_752 = arith.constant 0 : index
    %get3A_753 = tpu.vector_load %arg4[%get3A_751, %get3A_752] {strides = array<i32>} : memref<248x128xf32, #tpu.memory_space<vmem>>, vector<1x16xf32>,
    %get3A_754 = vector.shape_cast %get3A_753 : vector<1x16xf32> to vector<16xf32>
    %max3A_755 = arith.maximumf %max3A_739, %get3A_754 : vector<16xf32>
    %dma_wait3A_756 = arith.constant 0 : i32
    %dma_wait3A_757 = tpu.memref_slice %arg2[%add3A_745, %dma_wait3A_756] : memref<500000x128xf32, #tpu.memory_space<hbm>> -> memref<248x128xf32, #tpu.memory_space<hbm>>
    %dma_wait3A_758 = arith.constant 0 : i32
    %dma_wait3A_759 = tpu.memref_slice %arg2[%add3A_745, %dma_wait3A_758] : memref<500000x128xf32, #tpu.memory_space<hbm>> -> memref<248x128xf32, #tpu.memory_space<hbm>>
    tpu.wait_dma2 semaphore(%arg8 : memref<!tpu.dma_semaphore, #tpu.memory_space<semaphore_mem>>) src(%dma_wait3A_759 : memref<248x128xf32, #tpu.memory_space<hbm>>) dst(%arg5 : memref<248x128xf32, #tpu.memory_space<vmem>>)
    %add3A_760 = arith.constant 11904 : i32
    %add3A_761 = arith.addi %mul3A_2, %add3A_760 : i32
    %dma_start3A_762 = arith.constant 0 : i32
    %dma_start3A_763 = tpu.memref_slice %arg2[%add3A_761, %dma_start3A_762] : memref<500000x128xf32, #tpu.memory_space<hbm>> -> memref<248x128xf32, #tpu.memory_space<hbm>>
    %dma_start3A_764 = arith.constant 0 : i32
    %dma_start3A_765 = tpu.memref_slice %arg2[%add3A_761, %dma_start3A_764] : memref<500000x128xf32, #tpu.memory_space<hbm>> -> memref<248x128xf32, #tpu.memory_space<hbm>>
    tpu.enqueue_dma source(%dma_start3A_765 : memref<248x128xf32, #tpu.memory_space<hbm>>) target(%arg4 : memref<248x128xf32, #tpu.memory_space<vmem>>) target_semaphore(%arg7 : memref<!tpu.dma_semaphore, #tpu.memory_space<semaphore_mem>>)
    %get3A_766 = arith.constant 0 : i32
    %get3A_767 = arith.index_cast %get3A_766 : i32 to index
    %get3A_768 = arith.constant 0 : index
    %get3A_769 = tpu.vector_load %arg5[%get3A_767, %get3A_768] {strides = array<i32>} : memref<248x128xf32, #tpu.memory_space<vmem>>, vector<1x16xf32>,
    %get3A_770 = vector.shape_cast %get3A_769 : vector<1x16xf32> to vector<16xf32>
    %max3A_771 = arith.maximumf %max3A_755, %get3A_770 : vector<16xf32>
    %dma_wait3A_772 = arith.constant 0 : i32
    %dma_wait3A_773 = tpu.memref_slice %arg2[%add3A_761, %dma_wait3A_772] : memref<500000x128xf32, #tpu.memory_space<hbm>> -> memref<248x128xf32, #tpu.memory_space<hbm>>
    %dma_wait3A_774 = arith.constant 0 : i32
    %dma_wait3A_775 = tpu.memref_slice %arg2[%add3A_761, %dma_wait3A_774] : memref<500000x128xf32, #tpu.memory_space<hbm>> -> memref<248x128xf32, #tpu.memory_space<hbm>>
    tpu.wait_dma2 semaphore(%arg7 : memref<!tpu.dma_semaphore, #tpu.memory_space<semaphore_mem>>) src(%dma_wait3A_775 : memref<248x128xf32, #tpu.memory_space<hbm>>) dst(%arg4 : memref<248x128xf32, #tpu.memory_space<vmem>>)
    %add3A_776 = arith.constant 12152 : i32
    %add3A_777 = arith.addi %mul3A_2, %add3A_776 : i32
    %dma_start3A_778 = arith.constant 0 : i32
    %dma_start3A_779 = tpu.memref_slice %arg2[%add3A_777, %dma_start3A_778] : memref<500000x128xf32, #tpu.memory_space<hbm>> -> memref<248x128xf32, #tpu.memory_space<hbm>>
    %dma_start3A_780 = arith.constant 0 : i32
    %dma_start3A_781 = tpu.memref_slice %arg2[%add3A_777, %dma_start3A_780] : memref<500000x128xf32, #tpu.memory_space<hbm>> -> memref<248x128xf32, #tpu.memory_space<hbm>>
    tpu.enqueue_dma source(%dma_start3A_781 : memref<248x128xf32, #tpu.memory_space<hbm>>) target(%arg5 : memref<248x128xf32, #tpu.memory_space<vmem>>) target_semaphore(%arg8 : memref<!tpu.dma_semaphore, #tpu.memory_space<semaphore_mem>>)
    %get3A_782 = arith.constant 0 : i32
    %get3A_783 = arith.index_cast %get3A_782 : i32 to index
    %get3A_784 = arith.constant 0 : index
    %get3A_785 = tpu.vector_load %arg4[%get3A_783, %get3A_784] {strides = array<i32>} : memref<248x128xf32, #tpu.memory_space<vmem>>, vector<1x16xf32>,
    %get3A_786 = vector.shape_cast %get3A_785 : vector<1x16xf32> to vector<16xf32>
    %max3A_787 = arith.maximumf %max3A_771, %get3A_786 : vector<16xf32>
    %dma_wait3A_788 = arith.constant 0 : i32
    %dma_wait3A_789 = tpu.memref_slice %arg2[%add3A_777, %dma_wait3A_788] : memref<500000x128xf32, #tpu.memory_space<hbm>> -> memref<248x128xf32, #tpu.memory_space<hbm>>
    %dma_wait3A_790 = arith.constant 0 : i32
    %dma_wait3A_791 = tpu.memref_slice %arg2[%add3A_777, %dma_wait3A_790] : memref<500000x128xf32, #tpu.memory_space<hbm>> -> memref<248x128xf32, #tpu.memory_space<hbm>>
    tpu.wait_dma2 semaphore(%arg8 : memref<!tpu.dma_semaphore, #tpu.memory_space<semaphore_mem>>) src(%dma_wait3A_791 : memref<248x128xf32, #tpu.memory_space<hbm>>) dst(%arg5 : memref<248x128xf32, #tpu.memory_space<vmem>>)
    %add3A_792 = arith.constant 12400 : i32
    %add3A_793 = arith.addi %mul3A_2, %add3A_792 : i32
    %dma_start3A_794 = arith.constant 0 : i32
    %dma_start3A_795 = tpu.memref_slice %arg2[%add3A_793, %dma_start3A_794] : memref<500000x128xf32, #tpu.memory_space<hbm>> -> memref<248x128xf32, #tpu.memory_space<hbm>>
    %dma_start3A_796 = arith.constant 0 : i32
    %dma_start3A_797 = tpu.memref_slice %arg2[%add3A_793, %dma_start3A_796] : memref<500000x128xf32, #tpu.memory_space<hbm>> -> memref<248x128xf32, #tpu.memory_space<hbm>>
    tpu.enqueue_dma source(%dma_start3A_797 : memref<248x128xf32, #tpu.memory_space<hbm>>) target(%arg4 : memref<248x128xf32, #tpu.memory_space<vmem>>) target_semaphore(%arg7 : memref<!tpu.dma_semaphore, #tpu.memory_space<semaphore_mem>>)
    %get3A_798 = arith.constant 0 : i32
    %get3A_799 = arith.index_cast %get3A_798 : i32 to index
    %get3A_800 = arith.constant 0 : index
    %get3A_801 = tpu.vector_load %arg5[%get3A_799, %get3A_800] {strides = array<i32>} : memref<248x128xf32, #tpu.memory_space<vmem>>, vector<1x16xf32>,
    %get3A_802 = vector.shape_cast %get3A_801 : vector<1x16xf32> to vector<16xf32>
    %max3A_803 = arith.maximumf %max3A_787, %get3A_802 : vector<16xf32>
    %dma_wait3A_804 = arith.constant 0 : i32
    %dma_wait3A_805 = tpu.memref_slice %arg2[%add3A_793, %dma_wait3A_804] : memref<500000x128xf32, #tpu.memory_space<hbm>> -> memref<248x128xf32, #tpu.memory_space<hbm>>
    %dma_wait3A_806 = arith.constant 0 : i32
    %dma_wait3A_807 = tpu.memref_slice %arg2[%add3A_793, %dma_wait3A_806] : memref<500000x128xf32, #tpu.memory_space<hbm>> -> memref<248x128xf32, #tpu.memory_space<hbm>>
    tpu.wait_dma2 semaphore(%arg7 : memref<!tpu.dma_semaphore, #tpu.memory_space<semaphore_mem>>) src(%dma_wait3A_807 : memref<248x128xf32, #tpu.memory_space<hbm>>) dst(%arg4 : memref<248x128xf32, #tpu.memory_space<vmem>>)
    %add3A_808 = arith.constant 12648 : i32
    %add3A_809 = arith.addi %mul3A_2, %add3A_808 : i32
    %dma_start3A_810 = arith.constant 0 : i32
    %dma_start3A_811 = tpu.memref_slice %arg2[%add3A_809, %dma_start3A_810] : memref<500000x128xf32, #tpu.memory_space<hbm>> -> memref<248x128xf32, #tpu.memory_space<hbm>>
    %dma_start3A_812 = arith.constant 0 : i32
    %dma_start3A_813 = tpu.memref_slice %arg2[%add3A_809, %dma_start3A_812] : memref<500000x128xf32, #tpu.memory_space<hbm>> -> memref<248x128xf32, #tpu.memory_space<hbm>>
    tpu.enqueue_dma source(%dma_start3A_813 : memref<248x128xf32, #tpu.memory_space<hbm>>) target(%arg5 : memref<248x128xf32, #tpu.memory_space<vmem>>) target_semaphore(%arg8 : memref<!tpu.dma_semaphore, #tpu.memory_space<semaphore_mem>>)
    %get3A_814 = arith.constant 0 : i32
    %get3A_815 = arith.index_cast %get3A_814 : i32 to index
    %get3A_816 = arith.constant 0 : index
    %get3A_817 = tpu.vector_load %arg4[%get3A_815, %get3A_816] {strides = array<i32>} : memref<248x128xf32, #tpu.memory_space<vmem>>, vector<1x16xf32>,
    %get3A_818 = vector.shape_cast %get3A_817 : vector<1x16xf32> to vector<16xf32>
    %max3A_819 = arith.maximumf %max3A_803, %get3A_818 : vector<16xf32>
    %dma_wait3A_820 = arith.constant 0 : i32
    %dma_wait3A_821 = tpu.memref_slice %arg2[%add3A_809, %dma_wait3A_820] : memref<500000x128xf32, #tpu.memory_space<hbm>> -> memref<248x128xf32, #tpu.memory_space<hbm>>
    %dma_wait3A_822 = arith.constant 0 : i32
    %dma_wait3A_823 = tpu.memref_slice %arg2[%add3A_809, %dma_wait3A_822] : memref<500000x128xf32, #tpu.memory_space<hbm>> -> memref<248x128xf32, #tpu.memory_space<hbm>>
    tpu.wait_dma2 semaphore(%arg8 : memref<!tpu.dma_semaphore, #tpu.memory_space<semaphore_mem>>) src(%dma_wait3A_823 : memref<248x128xf32, #tpu.memory_space<hbm>>) dst(%arg5 : memref<248x128xf32, #tpu.memory_space<vmem>>)
    %add3A_824 = arith.constant 12896 : i32
    %add3A_825 = arith.addi %mul3A_2, %add3A_824 : i32
    %dma_start3A_826 = arith.constant 0 : i32
    %dma_start3A_827 = tpu.memref_slice %arg2[%add3A_825, %dma_start3A_826] : memref<500000x128xf32, #tpu.memory_space<hbm>> -> memref<248x128xf32, #tpu.memory_space<hbm>>
    %dma_start3A_828 = arith.constant 0 : i32
    %dma_start3A_829 = tpu.memref_slice %arg2[%add3A_825, %dma_start3A_828] : memref<500000x128xf32, #tpu.memory_space<hbm>> -> memref<248x128xf32, #tpu.memory_space<hbm>>
    tpu.enqueue_dma source(%dma_start3A_829 : memref<248x128xf32, #tpu.memory_space<hbm>>) target(%arg4 : memref<248x128xf32, #tpu.memory_space<vmem>>) target_semaphore(%arg7 : memref<!tpu.dma_semaphore, #tpu.memory_space<semaphore_mem>>)
    %get3A_830 = arith.constant 0 : i32
    %get3A_831 = arith.index_cast %get3A_830 : i32 to index
    %get3A_832 = arith.constant 0 : index
    %get3A_833 = tpu.vector_load %arg5[%get3A_831, %get3A_832] {strides = array<i32>} : memref<248x128xf32, #tpu.memory_space<vmem>>, vector<1x16xf32>,
    %get3A_834 = vector.shape_cast %get3A_833 : vector<1x16xf32> to vector<16xf32>
    %max3A_835 = arith.maximumf %max3A_819, %get3A_834 : vector<16xf32>
    %dma_wait3A_836 = arith.constant 0 : i32
    %dma_wait3A_837 = tpu.memref_slice %arg2[%add3A_825, %dma_wait3A_836] : memref<500000x128xf32, #tpu.memory_space<hbm>> -> memref<248x128xf32, #tpu.memory_space<hbm>>
    %dma_wait3A_838 = arith.constant 0 : i32
    %dma_wait3A_839 = tpu.memref_slice %arg2[%add3A_825, %dma_wait3A_838] : memref<500000x128xf32, #tpu.memory_space<hbm>> -> memref<248x128xf32, #tpu.memory_space<hbm>>
    tpu.wait_dma2 semaphore(%arg7 : memref<!tpu.dma_semaphore, #tpu.memory_space<semaphore_mem>>) src(%dma_wait3A_839 : memref<248x128xf32, #tpu.memory_space<hbm>>) dst(%arg4 : memref<248x128xf32, #tpu.memory_space<vmem>>)
    %add3A_840 = arith.constant 13144 : i32
    %add3A_841 = arith.addi %mul3A_2, %add3A_840 : i32
    %dma_start3A_842 = arith.constant 0 : i32
    %dma_start3A_843 = tpu.memref_slice %arg2[%add3A_841, %dma_start3A_842] : memref<500000x128xf32, #tpu.memory_space<hbm>> -> memref<248x128xf32, #tpu.memory_space<hbm>>
    %dma_start3A_844 = arith.constant 0 : i32
    %dma_start3A_845 = tpu.memref_slice %arg2[%add3A_841, %dma_start3A_844] : memref<500000x128xf32, #tpu.memory_space<hbm>> -> memref<248x128xf32, #tpu.memory_space<hbm>>
    tpu.enqueue_dma source(%dma_start3A_845 : memref<248x128xf32, #tpu.memory_space<hbm>>) target(%arg5 : memref<248x128xf32, #tpu.memory_space<vmem>>) target_semaphore(%arg8 : memref<!tpu.dma_semaphore, #tpu.memory_space<semaphore_mem>>)
    %get3A_846 = arith.constant 0 : i32
    %get3A_847 = arith.index_cast %get3A_846 : i32 to index
    %get3A_848 = arith.constant 0 : index
    %get3A_849 = tpu.vector_load %arg4[%get3A_847, %get3A_848] {strides = array<i32>} : memref<248x128xf32, #tpu.memory_space<vmem>>, vector<1x16xf32>,
    %get3A_850 = vector.shape_cast %get3A_849 : vector<1x16xf32> to vector<16xf32>
    %max3A_851 = arith.maximumf %max3A_835, %get3A_850 : vector<16xf32>
    %dma_wait3A_852 = arith.constant 0 : i32
    %dma_wait3A_853 = tpu.memref_slice %arg2[%add3A_841, %dma_wait3A_852] : memref<500000x128xf32, #tpu.memory_space<hbm>> -> memref<248x128xf32, #tpu.memory_space<hbm>>
    %dma_wait3A_854 = arith.constant 0 : i32
    %dma_wait3A_855 = tpu.memref_slice %arg2[%add3A_841, %dma_wait3A_854] : memref<500000x128xf32, #tpu.memory_space<hbm>> -> memref<248x128xf32, #tpu.memory_space<hbm>>
    tpu.wait_dma2 semaphore(%arg8 : memref<!tpu.dma_semaphore, #tpu.memory_space<semaphore_mem>>) src(%dma_wait3A_855 : memref<248x128xf32, #tpu.memory_space<hbm>>) dst(%arg5 : memref<248x128xf32, #tpu.memory_space<vmem>>)
    %add3A_856 = arith.constant 13392 : i32
    %add3A_857 = arith.addi %mul3A_2, %add3A_856 : i32
    %dma_start3A_858 = arith.constant 0 : i32
    %dma_start3A_859 = tpu.memref_slice %arg2[%add3A_857, %dma_start3A_858] : memref<500000x128xf32, #tpu.memory_space<hbm>> -> memref<248x128xf32, #tpu.memory_space<hbm>>
    %dma_start3A_860 = arith.constant 0 : i32
    %dma_start3A_861 = tpu.memref_slice %arg2[%add3A_857, %dma_start3A_860] : memref<500000x128xf32, #tpu.memory_space<hbm>> -> memref<248x128xf32, #tpu.memory_space<hbm>>
    tpu.enqueue_dma source(%dma_start3A_861 : memref<248x128xf32, #tpu.memory_space<hbm>>) target(%arg4 : memref<248x128xf32, #tpu.memory_space<vmem>>) target_semaphore(%arg7 : memref<!tpu.dma_semaphore, #tpu.memory_space<semaphore_mem>>)
    %get3A_862 = arith.constant 0 : i32
    %get3A_863 = arith.index_cast %get3A_862 : i32 to index
    %get3A_864 = arith.constant 0 : index
    %get3A_865 = tpu.vector_load %arg5[%get3A_863, %get3A_864] {strides = array<i32>} : memref<248x128xf32, #tpu.memory_space<vmem>>, vector<1x16xf32>,
    %get3A_866 = vector.shape_cast %get3A_865 : vector<1x16xf32> to vector<16xf32>
    %max3A_867 = arith.maximumf %max3A_851, %get3A_866 : vector<16xf32>
    %dma_wait3A_868 = arith.constant 0 : i32
    %dma_wait3A_869 = tpu.memref_slice %arg2[%add3A_857, %dma_wait3A_868] : memref<500000x128xf32, #tpu.memory_space<hbm>> -> memref<248x128xf32, #tpu.memory_space<hbm>>
    %dma_wait3A_870 = arith.constant 0 : i32
    %dma_wait3A_871 = tpu.memref_slice %arg2[%add3A_857, %dma_wait3A_870] : memref<500000x128xf32, #tpu.memory_space<hbm>> -> memref<248x128xf32, #tpu.memory_space<hbm>>
    tpu.wait_dma2 semaphore(%arg7 : memref<!tpu.dma_semaphore, #tpu.memory_space<semaphore_mem>>) src(%dma_wait3A_871 : memref<248x128xf32, #tpu.memory_space<hbm>>) dst(%arg4 : memref<248x128xf32, #tpu.memory_space<vmem>>)
    %add3A_872 = arith.constant 13640 : i32
    %add3A_873 = arith.addi %mul3A_2, %add3A_872 : i32
    %dma_start3A_874 = arith.constant 0 : i32
    %dma_start3A_875 = tpu.memref_slice %arg2[%add3A_873, %dma_start3A_874] : memref<500000x128xf32, #tpu.memory_space<hbm>> -> memref<248x128xf32, #tpu.memory_space<hbm>>
    %dma_start3A_876 = arith.constant 0 : i32
    %dma_start3A_877 = tpu.memref_slice %arg2[%add3A_873, %dma_start3A_876] : memref<500000x128xf32, #tpu.memory_space<hbm>> -> memref<248x128xf32, #tpu.memory_space<hbm>>
    tpu.enqueue_dma source(%dma_start3A_877 : memref<248x128xf32, #tpu.memory_space<hbm>>) target(%arg5 : memref<248x128xf32, #tpu.memory_space<vmem>>) target_semaphore(%arg8 : memref<!tpu.dma_semaphore, #tpu.memory_space<semaphore_mem>>)
    %get3A_878 = arith.constant 0 : i32
    %get3A_879 = arith.index_cast %get3A_878 : i32 to index
    %get3A_880 = arith.constant 0 : index
    %get3A_881 = tpu.vector_load %arg4[%get3A_879, %get3A_880] {strides = array<i32>} : memref<248x128xf32, #tpu.memory_space<vmem>>, vector<1x16xf32>,
    %get3A_882 = vector.shape_cast %get3A_881 : vector<1x16xf32> to vector<16xf32>
    %max3A_883 = arith.maximumf %max3A_867, %get3A_882 : vector<16xf32>
    %dma_wait3A_884 = arith.constant 0 : i32
    %dma_wait3A_885 = tpu.memref_slice %arg2[%add3A_873, %dma_wait3A_884] : memref<500000x128xf32, #tpu.memory_space<hbm>> -> memref<248x128xf32, #tpu.memory_space<hbm>>
    %dma_wait3A_886 = arith.constant 0 : i32
    %dma_wait3A_887 = tpu.memref_slice %arg2[%add3A_873, %dma_wait3A_886] : memref<500000x128xf32, #tpu.memory_space<hbm>> -> memref<248x128xf32, #tpu.memory_space<hbm>>
    tpu.wait_dma2 semaphore(%arg8 : memref<!tpu.dma_semaphore, #tpu.memory_space<semaphore_mem>>) src(%dma_wait3A_887 : memref<248x128xf32, #tpu.memory_space<hbm>>) dst(%arg5 : memref<248x128xf32, #tpu.memory_space<vmem>>)
    %add3A_888 = arith.constant 13888 : i32
    %add3A_889 = arith.addi %mul3A_2, %add3A_888 : i32
    %dma_start3A_890 = arith.constant 0 : i32
    %dma_start3A_891 = tpu.memref_slice %arg2[%add3A_889, %dma_start3A_890] : memref<500000x128xf32, #tpu.memory_space<hbm>> -> memref<248x128xf32, #tpu.memory_space<hbm>>
    %dma_start3A_892 = arith.constant 0 : i32
    %dma_start3A_893 = tpu.memref_slice %arg2[%add3A_889, %dma_start3A_892] : memref<500000x128xf32, #tpu.memory_space<hbm>> -> memref<248x128xf32, #tpu.memory_space<hbm>>
    tpu.enqueue_dma source(%dma_start3A_893 : memref<248x128xf32, #tpu.memory_space<hbm>>) target(%arg4 : memref<248x128xf32, #tpu.memory_space<vmem>>) target_semaphore(%arg7 : memref<!tpu.dma_semaphore, #tpu.memory_space<semaphore_mem>>)
    %get3A_894 = arith.constant 0 : i32
    %get3A_895 = arith.index_cast %get3A_894 : i32 to index
    %get3A_896 = arith.constant 0 : index
    %get3A_897 = tpu.vector_load %arg5[%get3A_895, %get3A_896] {strides = array<i32>} : memref<248x128xf32, #tpu.memory_space<vmem>>, vector<1x16xf32>,
    %get3A_898 = vector.shape_cast %get3A_897 : vector<1x16xf32> to vector<16xf32>
    %max3A_899 = arith.maximumf %max3A_883, %get3A_898 : vector<16xf32>
    %dma_wait3A_900 = arith.constant 0 : i32
    %dma_wait3A_901 = tpu.memref_slice %arg2[%add3A_889, %dma_wait3A_900] : memref<500000x128xf32, #tpu.memory_space<hbm>> -> memref<248x128xf32, #tpu.memory_space<hbm>>
    %dma_wait3A_902 = arith.constant 0 : i32
    %dma_wait3A_903 = tpu.memref_slice %arg2[%add3A_889, %dma_wait3A_902] : memref<500000x128xf32, #tpu.memory_space<hbm>> -> memref<248x128xf32, #tpu.memory_space<hbm>>
    tpu.wait_dma2 semaphore(%arg7 : memref<!tpu.dma_semaphore, #tpu.memory_space<semaphore_mem>>) src(%dma_wait3A_903 : memref<248x128xf32, #tpu.memory_space<hbm>>) dst(%arg4 : memref<248x128xf32, #tpu.memory_space<vmem>>)
    %add3A_904 = arith.constant 14136 : i32
    %add3A_905 = arith.addi %mul3A_2, %add3A_904 : i32
    %dma_start3A_906 = arith.constant 0 : i32
    %dma_start3A_907 = tpu.memref_slice %arg2[%add3A_905, %dma_start3A_906] : memref<500000x128xf32, #tpu.memory_space<hbm>> -> memref<248x128xf32, #tpu.memory_space<hbm>>
    %dma_start3A_908 = arith.constant 0 : i32
    %dma_start3A_909 = tpu.memref_slice %arg2[%add3A_905, %dma_start3A_908] : memref<500000x128xf32, #tpu.memory_space<hbm>> -> memref<248x128xf32, #tpu.memory_space<hbm>>
    tpu.enqueue_dma source(%dma_start3A_909 : memref<248x128xf32, #tpu.memory_space<hbm>>) target(%arg5 : memref<248x128xf32, #tpu.memory_space<vmem>>) target_semaphore(%arg8 : memref<!tpu.dma_semaphore, #tpu.memory_space<semaphore_mem>>)
    %get3A_910 = arith.constant 0 : i32
    %get3A_911 = arith.index_cast %get3A_910 : i32 to index
    %get3A_912 = arith.constant 0 : index
    %get3A_913 = tpu.vector_load %arg4[%get3A_911, %get3A_912] {strides = array<i32>} : memref<248x128xf32, #tpu.memory_space<vmem>>, vector<1x16xf32>,
    %get3A_914 = vector.shape_cast %get3A_913 : vector<1x16xf32> to vector<16xf32>
    %max3A_915 = arith.maximumf %max3A_899, %get3A_914 : vector<16xf32>
    %dma_wait3A_916 = arith.constant 0 : i32
    %dma_wait3A_917 = tpu.memref_slice %arg2[%add3A_905, %dma_wait3A_916] : memref<500000x128xf32, #tpu.memory_space<hbm>> -> memref<248x128xf32, #tpu.memory_space<hbm>>
    %dma_wait3A_918 = arith.constant 0 : i32
    %dma_wait3A_919 = tpu.memref_slice %arg2[%add3A_905, %dma_wait3A_918] : memref<500000x128xf32, #tpu.memory_space<hbm>> -> memref<248x128xf32, #tpu.memory_space<hbm>>
    tpu.wait_dma2 semaphore(%arg8 : memref<!tpu.dma_semaphore, #tpu.memory_space<semaphore_mem>>) src(%dma_wait3A_919 : memref<248x128xf32, #tpu.memory_space<hbm>>) dst(%arg5 : memref<248x128xf32, #tpu.memory_space<vmem>>)
    %add3A_920 = arith.constant 14384 : i32
    %add3A_921 = arith.addi %mul3A_2, %add3A_920 : i32
    %dma_start3A_922 = arith.constant 0 : i32
    %dma_start3A_923 = tpu.memref_slice %arg2[%add3A_921, %dma_start3A_922] : memref<500000x128xf32, #tpu.memory_space<hbm>> -> memref<248x128xf32, #tpu.memory_space<hbm>>
    %dma_start3A_924 = arith.constant 0 : i32
    %dma_start3A_925 = tpu.memref_slice %arg2[%add3A_921, %dma_start3A_924] : memref<500000x128xf32, #tpu.memory_space<hbm>> -> memref<248x128xf32, #tpu.memory_space<hbm>>
    tpu.enqueue_dma source(%dma_start3A_925 : memref<248x128xf32, #tpu.memory_space<hbm>>) target(%arg4 : memref<248x128xf32, #tpu.memory_space<vmem>>) target_semaphore(%arg7 : memref<!tpu.dma_semaphore, #tpu.memory_space<semaphore_mem>>)
    %get3A_926 = arith.constant 0 : i32
    %get3A_927 = arith.index_cast %get3A_926 : i32 to index
    %get3A_928 = arith.constant 0 : index
    %get3A_929 = tpu.vector_load %arg5[%get3A_927, %get3A_928] {strides = array<i32>} : memref<248x128xf32, #tpu.memory_space<vmem>>, vector<1x16xf32>,
    %get3A_930 = vector.shape_cast %get3A_929 : vector<1x16xf32> to vector<16xf32>
    %max3A_931 = arith.maximumf %max3A_915, %get3A_930 : vector<16xf32>
    %dma_wait3A_932 = arith.constant 0 : i32
    %dma_wait3A_933 = tpu.memref_slice %arg2[%add3A_921, %dma_wait3A_932] : memref<500000x128xf32, #tpu.memory_space<hbm>> -> memref<248x128xf32, #tpu.memory_space<hbm>>
    %dma_wait3A_934 = arith.constant 0 : i32
    %dma_wait3A_935 = tpu.memref_slice %arg2[%add3A_921, %dma_wait3A_934] : memref<500000x128xf32, #tpu.memory_space<hbm>> -> memref<248x128xf32, #tpu.memory_space<hbm>>
    tpu.wait_dma2 semaphore(%arg7 : memref<!tpu.dma_semaphore, #tpu.memory_space<semaphore_mem>>) src(%dma_wait3A_935 : memref<248x128xf32, #tpu.memory_space<hbm>>) dst(%arg4 : memref<248x128xf32, #tpu.memory_space<vmem>>)
    %add3A_936 = arith.constant 14632 : i32
    %add3A_937 = arith.addi %mul3A_2, %add3A_936 : i32
    %dma_start3A_938 = arith.constant 0 : i32
    %dma_start3A_939 = tpu.memref_slice %arg2[%add3A_937, %dma_start3A_938] : memref<500000x128xf32, #tpu.memory_space<hbm>> -> memref<248x128xf32, #tpu.memory_space<hbm>>
    %dma_start3A_940 = arith.constant 0 : i32
    %dma_start3A_941 = tpu.memref_slice %arg2[%add3A_937, %dma_start3A_940] : memref<500000x128xf32, #tpu.memory_space<hbm>> -> memref<248x128xf32, #tpu.memory_space<hbm>>
    tpu.enqueue_dma source(%dma_start3A_941 : memref<248x128xf32, #tpu.memory_space<hbm>>) target(%arg5 : memref<248x128xf32, #tpu.memory_space<vmem>>) target_semaphore(%arg8 : memref<!tpu.dma_semaphore, #tpu.memory_space<semaphore_mem>>)
    %get3A_942 = arith.constant 0 : i32
    %get3A_943 = arith.index_cast %get3A_942 : i32 to index
    %get3A_944 = arith.constant 0 : index
    %get3A_945 = tpu.vector_load %arg4[%get3A_943, %get3A_944] {strides = array<i32>} : memref<248x128xf32, #tpu.memory_space<vmem>>, vector<1x16xf32>,
    %get3A_946 = vector.shape_cast %get3A_945 : vector<1x16xf32> to vector<16xf32>
    %max3A_947 = arith.maximumf %max3A_931, %get3A_946 : vector<16xf32>
    %dma_wait3A_948 = arith.constant 0 : i32
    %dma_wait3A_949 = tpu.memref_slice %arg2[%add3A_937, %dma_wait3A_948] : memref<500000x128xf32, #tpu.memory_space<hbm>> -> memref<248x128xf32, #tpu.memory_space<hbm>>
    %dma_wait3A_950 = arith.constant 0 : i32
    %dma_wait3A_951 = tpu.memref_slice %arg2[%add3A_937, %dma_wait3A_950] : memref<500000x128xf32, #tpu.memory_space<hbm>> -> memref<248x128xf32, #tpu.memory_space<hbm>>
    tpu.wait_dma2 semaphore(%arg8 : memref<!tpu.dma_semaphore, #tpu.memory_space<semaphore_mem>>) src(%dma_wait3A_951 : memref<248x128xf32, #tpu.memory_space<hbm>>) dst(%arg5 : memref<248x128xf32, #tpu.memory_space<vmem>>)
    %add3A_952 = arith.constant 14880 : i32
    %add3A_953 = arith.addi %mul3A_2, %add3A_952 : i32
    %dma_start3A_954 = arith.constant 0 : i32
    %dma_start3A_955 = tpu.memref_slice %arg2[%add3A_953, %dma_start3A_954] : memref<500000x128xf32, #tpu.memory_space<hbm>> -> memref<248x128xf32, #tpu.memory_space<hbm>>
    %dma_start3A_956 = arith.constant 0 : i32
    %dma_start3A_957 = tpu.memref_slice %arg2[%add3A_953, %dma_start3A_956] : memref<500000x128xf32, #tpu.memory_space<hbm>> -> memref<248x128xf32, #tpu.memory_space<hbm>>
    tpu.enqueue_dma source(%dma_start3A_957 : memref<248x128xf32, #tpu.memory_space<hbm>>) target(%arg4 : memref<248x128xf32, #tpu.memory_space<vmem>>) target_semaphore(%arg7 : memref<!tpu.dma_semaphore, #tpu.memory_space<semaphore_mem>>)
    %get3A_958 = arith.constant 0 : i32
    %get3A_959 = arith.index_cast %get3A_958 : i32 to index
    %get3A_960 = arith.constant 0 : index
    %get3A_961 = tpu.vector_load %arg5[%get3A_959, %get3A_960] {strides = array<i32>} : memref<248x128xf32, #tpu.memory_space<vmem>>, vector<1x16xf32>,
    %get3A_962 = vector.shape_cast %get3A_961 : vector<1x16xf32> to vector<16xf32>
    %max3A_963 = arith.maximumf %max3A_947, %get3A_962 : vector<16xf32>
    %dma_wait3A_964 = arith.constant 0 : i32
    %dma_wait3A_965 = tpu.memref_slice %arg2[%add3A_953, %dma_wait3A_964] : memref<500000x128xf32, #tpu.memory_space<hbm>> -> memref<248x128xf32, #tpu.memory_space<hbm>>
    %dma_wait3A_966 = arith.constant 0 : i32
    %dma_wait3A_967 = tpu.memref_slice %arg2[%add3A_953, %dma_wait3A_966] : memref<500000x128xf32, #tpu.memory_space<hbm>> -> memref<248x128xf32, #tpu.memory_space<hbm>>
    tpu.wait_dma2 semaphore(%arg7 : memref<!tpu.dma_semaphore, #tpu.memory_space<semaphore_mem>>) src(%dma_wait3A_967 : memref<248x128xf32, #tpu.memory_space<hbm>>) dst(%arg4 : memref<248x128xf32, #tpu.memory_space<vmem>>)
    %add3A_968 = arith.constant 15128 : i32
    %add3A_969 = arith.addi %mul3A_2, %add3A_968 : i32
    %dma_start3A_970 = arith.constant 0 : i32
    %dma_start3A_971 = tpu.memref_slice %arg2[%add3A_969, %dma_start3A_970] : memref<500000x128xf32, #tpu.memory_space<hbm>> -> memref<248x128xf32, #tpu.memory_space<hbm>>
    %dma_start3A_972 = arith.constant 0 : i32
    %dma_start3A_973 = tpu.memref_slice %arg2[%add3A_969, %dma_start3A_972] : memref<500000x128xf32, #tpu.memory_space<hbm>> -> memref<248x128xf32, #tpu.memory_space<hbm>>
    tpu.enqueue_dma source(%dma_start3A_973 : memref<248x128xf32, #tpu.memory_space<hbm>>) target(%arg5 : memref<248x128xf32, #tpu.memory_space<vmem>>) target_semaphore(%arg8 : memref<!tpu.dma_semaphore, #tpu.memory_space<semaphore_mem>>)
    %get3A_974 = arith.constant 0 : i32
    %get3A_975 = arith.index_cast %get3A_974 : i32 to index
    %get3A_976 = arith.constant 0 : index
    %get3A_977 = tpu.vector_load %arg4[%get3A_975, %get3A_976] {strides = array<i32>} : memref<248x128xf32, #tpu.memory_space<vmem>>, vector<1x16xf32>,
    %get3A_978 = vector.shape_cast %get3A_977 : vector<1x16xf32> to vector<16xf32>
    %max3A_979 = arith.maximumf %max3A_963, %get3A_978 : vector<16xf32>
    %dma_wait3A_980 = arith.constant 0 : i32
    %dma_wait3A_981 = tpu.memref_slice %arg2[%add3A_969, %dma_wait3A_980] : memref<500000x128xf32, #tpu.memory_space<hbm>> -> memref<248x128xf32, #tpu.memory_space<hbm>>
    %dma_wait3A_982 = arith.constant 0 : i32
    %dma_wait3A_983 = tpu.memref_slice %arg2[%add3A_969, %dma_wait3A_982] : memref<500000x128xf32, #tpu.memory_space<hbm>> -> memref<248x128xf32, #tpu.memory_space<hbm>>
    tpu.wait_dma2 semaphore(%arg8 : memref<!tpu.dma_semaphore, #tpu.memory_space<semaphore_mem>>) src(%dma_wait3A_983 : memref<248x128xf32, #tpu.memory_space<hbm>>) dst(%arg5 : memref<248x128xf32, #tpu.memory_space<vmem>>)
    %add3A_984 = arith.constant 15376 : i32
    %add3A_985 = arith.addi %mul3A_2, %add3A_984 : i32
    %dma_start3A_986 = arith.constant 0 : i32
    %dma_start3A_987 = tpu.memref_slice %arg2[%add3A_985, %dma_start3A_986] : memref<500000x128xf32, #tpu.memory_space<hbm>> -> memref<248x128xf32, #tpu.memory_space<hbm>>
    %dma_start3A_988 = arith.constant 0 : i32
    %dma_start3A_989 = tpu.memref_slice %arg2[%add3A_985, %dma_start3A_988] : memref<500000x128xf32, #tpu.memory_space<hbm>> -> memref<248x128xf32, #tpu.memory_space<hbm>>
    tpu.enqueue_dma source(%dma_start3A_989 : memref<248x128xf32, #tpu.memory_space<hbm>>) target(%arg4 : memref<248x128xf32, #tpu.memory_space<vmem>>) target_semaphore(%arg7 : memref<!tpu.dma_semaphore, #tpu.memory_space<semaphore_mem>>)
    %get3A_990 = arith.constant 0 : i32
    %get3A_991 = arith.index_cast %get3A_990 : i32 to index
    %get3A_992 = arith.constant 0 : index
    %get3A_993 = tpu.vector_load %arg5[%get3A_991, %get3A_992] {strides = array<i32>} : memref<248x128xf32, #tpu.memory_space<vmem>>, vector<1x16xf32>,
    %get3A_994 = vector.shape_cast %get3A_993 : vector<1x16xf32> to vector<16xf32>
    %max3A_995 = arith.maximumf %max3A_979, %get3A_994 : vector<16xf32>
    %dma_wait3A_996 = arith.constant 0 : i32
    %dma_wait3A_997 = tpu.memref_slice %arg2[%add3A_985, %dma_wait3A_996] : memref<500000x128xf32, #tpu.memory_space<hbm>> -> memref<248x128xf32, #tpu.memory_space<hbm>>
    %dma_wait3A_998 = arith.constant 0 : i32
    %dma_wait3A_999 = tpu.memref_slice %arg2[%add3A_985, %dma_wait3A_998] : memref<500000x128xf32, #tpu.memory_space<hbm>> -> memref<248x128xf32, #tpu.memory_space<hbm>>
    tpu.wait_dma2 semaphore(%arg7 : memref<!tpu.dma_semaphore, #tpu.memory_space<semaphore_mem>>) src(%dma_wait3A_999 : memref<248x128xf32, #tpu.memory_space<hbm>>) dst(%arg4 : memref<248x128xf32, #tpu.memory_space<vmem>>)
    %get3A_1000 = arith.constant 0 : i32
    %get3A_1001 = arith.index_cast %get3A_1000 : i32 to index
    %get3A_1002 = arith.constant 0 : index
    %get3A_1003 = tpu.vector_load %arg4[%get3A_1001, %get3A_1002] {strides = array<i32>} : memref<248x128xf32, #tpu.memory_space<vmem>>, vector<1x16xf32>,
    %get3A_1004 = vector.shape_cast %get3A_1003 : vector<1x16xf32> to vector<16xf32>
    %max3A_1005 = arith.maximumf %max3A_995, %get3A_1004 : vector<16xf32>
    %swap3A = arith.constant 0 : index
    %swap3A_1006 = tpu.vector_load %arg6[%swap3A] {strides = array<i32>} : memref<16xf32, #tpu.memory_space<vmem>>, vector<16xf32>,
    %swap3A_1007 = vector.shape_cast %swap3A_1006 : vector<16xf32> to vector<16xf32>
    %swap3A_1008 = vector.shape_cast %max3A_1005 : vector<16xf32> to vector<16xf32>
    tpu.vector_store %arg6[%swap3A], %swap3A_1008 {strides = array<i32>} : memref<16xf32, #tpu.memory_space<vmem>>, vector<16xf32>,
    "tpu.region"() ({
      %run_scoped3A = tpu.sem_alloc : memref<!tpu.dma_semaphore, #tpu.memory_space<semaphore_mem>>
      %dma_start3A_1009 = arith.constant 0 : i32
      %dma_start3A_1010 = tpu.memref_slice %arg3[%add3A, %dma_start3A_1009] : memref<32x16xf32, #tpu.memory_space<hbm>> -> memref<1x16xf32, #tpu.memory_space<hbm>>
      %dma_start3A_1011 = tpu.memref_squeeze %dma_start3A_1010 : memref<1x16xf32, #tpu.memory_space<hbm>> -> memref<16xf32, #tpu.memory_space<hbm>>
      %dma_start3A_1012 = arith.constant 0 : i32
      %dma_start3A_1013 = tpu.memref_slice %arg3[%add3A, %dma_start3A_1012] : memref<32x16xf32, #tpu.memory_space<hbm>> -> memref<1x16xf32, #tpu.memory_space<hbm>>
      %dma_start3A_1014 = tpu.memref_squeeze %dma_start3A_1013 : memref<1x16xf32, #tpu.memory_space<hbm>> -> memref<16xf32, #tpu.memory_space<hbm>>
      tpu.enqueue_dma source(%arg6 : memref<16xf32, #tpu.memory_space<vmem>>) target(%dma_start3A_1014 : memref<16xf32, #tpu.memory_space<hbm>>) target_semaphore(%run_scoped3A : memref<!tpu.dma_semaphore, #tpu.memory_space<semaphore_mem>>)
      %dma_wait3A_1015 = arith.constant 0 : i32
      %dma_wait3A_1016 = tpu.memref_slice %arg3[%add3A, %dma_wait3A_1015] : memref<32x16xf32, #tpu.memory_space<hbm>> -> memref<1x16xf32, #tpu.memory_space<hbm>>
      %dma_wait3A_1017 = tpu.memref_squeeze %dma_wait3A_1016 : memref<1x16xf32, #tpu.memory_space<hbm>> -> memref<16xf32, #tpu.memory_space<hbm>>
      %dma_wait3A_1018 = arith.constant 0 : i32
      %dma_wait3A_1019 = tpu.memref_slice %arg3[%add3A, %dma_wait3A_1018] : memref<32x16xf32, #tpu.memory_space<hbm>> -> memref<1x16xf32, #tpu.memory_space<hbm>>
      %dma_wait3A_1020 = tpu.memref_squeeze %dma_wait3A_1019 : memref<1x16xf32, #tpu.memory_space<hbm>> -> memref<16xf32, #tpu.memory_space<hbm>>
      tpu.wait_dma2 semaphore(%run_scoped3A : memref<!tpu.dma_semaphore, #tpu.memory_space<semaphore_mem>>) src(%arg6 : memref<16xf32, #tpu.memory_space<vmem>>) dst(%dma_wait3A_1020 : memref<16xf32, #tpu.memory_space<hbm>>)
      tpu.yield
    }) : () -> ()
    return
  }
}

module attributes {stable_mosaic.version = 14 : i64} {
  func.func @_tc_probe_body(%arg0: memref<250x2000x128xf32, #tpu.memory_space<hbm>>, %arg1: memref<1x1xf32, #tpu.memory_space<vmem>>, %arg2: memref<2000x128xf32, #tpu.memory_space<vmem>>, %arg3: memref<2000x128xf32, #tpu.memory_space<vmem>>, %arg4: memref<2000x128xf32, #tpu.memory_space<vmem>>, %arg5: memref<2000x128xf32, #tpu.memory_space<vmem>>, %arg6: memref<2000x128xf32, #tpu.memory_space<vmem>>, %arg7: memref<2000x128xf32, #tpu.memory_space<vmem>>, %arg8: memref<2000x128xf32, #tpu.memory_space<vmem>>, %arg9: memref<2000x128xf32, #tpu.memory_space<vmem>>, %arg10: memref<8x128xf32, #tpu.memory_space<vmem>>, %arg11: memref<8x!tpu.dma_semaphore, #tpu.memory_space<semaphore_mem>>) attributes {dimension_semantics = [], scalar_prefetch = 0 : i64, scratch_operands = 10 : i64, tpu.core_type = #tpu.core_type<tc>} {
    %broadcast_in_dim3A = arith.constant 0.000000e+00 : f32
    %broadcast_in_dim3A_0 = vector.broadcast %broadcast_in_dim3A : f32 to vector<8x128xf32>
    %swap3A = arith.constant 0 : index
    %swap3A_1 = arith.constant 0 : index
    %swap3A_2 = vector.load %arg10[%swap3A, %swap3A_1] : memref<8x128xf32, #tpu.memory_space<vmem>>, vector<8x128xf32>
    tpu.vector_store %arg10[%swap3A, %swap3A_1], %broadcast_in_dim3A_0 {strides = array<i32>} : memref<8x128xf32, #tpu.memory_space<vmem>>, vector<8x128xf32>,
    %dma_start3A = arith.constant 0 : i32
    %dma_start3A_3 = arith.constant 0 : i32
    %dma_start3A_4 = tpu.memref_slice %arg11[%dma_start3A_3] : memref<8x!tpu.dma_semaphore, #tpu.memory_space<semaphore_mem>> -> memref<1x!tpu.dma_semaphore, #tpu.memory_space<semaphore_mem>>
    %dma_start3A_5 = tpu.memref_squeeze %dma_start3A_4 : memref<1x!tpu.dma_semaphore, #tpu.memory_space<semaphore_mem>> -> memref<!tpu.dma_semaphore, #tpu.memory_space<semaphore_mem>>
    %dma_start3A_6 = arith.constant 0 : i32
    %dma_start3A_7 = arith.constant 0 : i32
    %dma_start3A_8 = tpu.memref_slice %arg0[%dma_start3A, %dma_start3A_6, %dma_start3A_7] : memref<250x2000x128xf32, #tpu.memory_space<hbm>> -> memref<1x2000x128xf32, #tpu.memory_space<hbm>>
    %dma_start3A_9 = tpu.memref_squeeze %dma_start3A_8 : memref<1x2000x128xf32, #tpu.memory_space<hbm>> -> memref<2000x128xf32, #tpu.memory_space<hbm>>
    tpu.enqueue_dma source(%dma_start3A_9 : memref<2000x128xf32, #tpu.memory_space<hbm>>) target(%arg2 : memref<2000x128xf32, #tpu.memory_space<vmem>>) target_semaphore(%dma_start3A_5 : memref<!tpu.dma_semaphore, #tpu.memory_space<semaphore_mem>>)
    %dma_start3A_10 = arith.constant 1 : i32
    %dma_start3A_11 = arith.constant 1 : i32
    %dma_start3A_12 = tpu.memref_slice %arg11[%dma_start3A_11] : memref<8x!tpu.dma_semaphore, #tpu.memory_space<semaphore_mem>> -> memref<1x!tpu.dma_semaphore, #tpu.memory_space<semaphore_mem>>
    %dma_start3A_13 = tpu.memref_squeeze %dma_start3A_12 : memref<1x!tpu.dma_semaphore, #tpu.memory_space<semaphore_mem>> -> memref<!tpu.dma_semaphore, #tpu.memory_space<semaphore_mem>>
    %dma_start3A_14 = arith.constant 0 : i32
    %dma_start3A_15 = arith.constant 0 : i32
    %dma_start3A_16 = tpu.memref_slice %arg0[%dma_start3A_10, %dma_start3A_14, %dma_start3A_15] : memref<250x2000x128xf32, #tpu.memory_space<hbm>> -> memref<1x2000x128xf32, #tpu.memory_space<hbm>>
    %dma_start3A_17 = tpu.memref_squeeze %dma_start3A_16 : memref<1x2000x128xf32, #tpu.memory_space<hbm>> -> memref<2000x128xf32, #tpu.memory_space<hbm>>
    tpu.enqueue_dma source(%dma_start3A_17 : memref<2000x128xf32, #tpu.memory_space<hbm>>) target(%arg3 : memref<2000x128xf32, #tpu.memory_space<vmem>>) target_semaphore(%dma_start3A_13 : memref<!tpu.dma_semaphore, #tpu.memory_space<semaphore_mem>>)
    %dma_start3A_18 = arith.constant 2 : i32
    %dma_start3A_19 = arith.constant 2 : i32
    %dma_start3A_20 = tpu.memref_slice %arg11[%dma_start3A_19] : memref<8x!tpu.dma_semaphore, #tpu.memory_space<semaphore_mem>> -> memref<1x!tpu.dma_semaphore, #tpu.memory_space<semaphore_mem>>
    %dma_start3A_21 = tpu.memref_squeeze %dma_start3A_20 : memref<1x!tpu.dma_semaphore, #tpu.memory_space<semaphore_mem>> -> memref<!tpu.dma_semaphore, #tpu.memory_space<semaphore_mem>>
    %dma_start3A_22 = arith.constant 0 : i32
    %dma_start3A_23 = arith.constant 0 : i32
    %dma_start3A_24 = tpu.memref_slice %arg0[%dma_start3A_18, %dma_start3A_22, %dma_start3A_23] : memref<250x2000x128xf32, #tpu.memory_space<hbm>> -> memref<1x2000x128xf32, #tpu.memory_space<hbm>>
    %dma_start3A_25 = tpu.memref_squeeze %dma_start3A_24 : memref<1x2000x128xf32, #tpu.memory_space<hbm>> -> memref<2000x128xf32, #tpu.memory_space<hbm>>
    tpu.enqueue_dma source(%dma_start3A_25 : memref<2000x128xf32, #tpu.memory_space<hbm>>) target(%arg4 : memref<2000x128xf32, #tpu.memory_space<vmem>>) target_semaphore(%dma_start3A_21 : memref<!tpu.dma_semaphore, #tpu.memory_space<semaphore_mem>>)
    %dma_start3A_26 = arith.constant 3 : i32
    %dma_start3A_27 = arith.constant 3 : i32
    %dma_start3A_28 = tpu.memref_slice %arg11[%dma_start3A_27] : memref<8x!tpu.dma_semaphore, #tpu.memory_space<semaphore_mem>> -> memref<1x!tpu.dma_semaphore, #tpu.memory_space<semaphore_mem>>
    %dma_start3A_29 = tpu.memref_squeeze %dma_start3A_28 : memref<1x!tpu.dma_semaphore, #tpu.memory_space<semaphore_mem>> -> memref<!tpu.dma_semaphore, #tpu.memory_space<semaphore_mem>>
    %dma_start3A_30 = arith.constant 0 : i32
    %dma_start3A_31 = arith.constant 0 : i32
    %dma_start3A_32 = tpu.memref_slice %arg0[%dma_start3A_26, %dma_start3A_30, %dma_start3A_31] : memref<250x2000x128xf32, #tpu.memory_space<hbm>> -> memref<1x2000x128xf32, #tpu.memory_space<hbm>>
    %dma_start3A_33 = tpu.memref_squeeze %dma_start3A_32 : memref<1x2000x128xf32, #tpu.memory_space<hbm>> -> memref<2000x128xf32, #tpu.memory_space<hbm>>
    tpu.enqueue_dma source(%dma_start3A_33 : memref<2000x128xf32, #tpu.memory_space<hbm>>) target(%arg5 : memref<2000x128xf32, #tpu.memory_space<vmem>>) target_semaphore(%dma_start3A_29 : memref<!tpu.dma_semaphore, #tpu.memory_space<semaphore_mem>>)
    %dma_start3A_34 = arith.constant 4 : i32
    %dma_start3A_35 = arith.constant 4 : i32
    %dma_start3A_36 = tpu.memref_slice %arg11[%dma_start3A_35] : memref<8x!tpu.dma_semaphore, #tpu.memory_space<semaphore_mem>> -> memref<1x!tpu.dma_semaphore, #tpu.memory_space<semaphore_mem>>
    %dma_start3A_37 = tpu.memref_squeeze %dma_start3A_36 : memref<1x!tpu.dma_semaphore, #tpu.memory_space<semaphore_mem>> -> memref<!tpu.dma_semaphore, #tpu.memory_space<semaphore_mem>>
    %dma_start3A_38 = arith.constant 0 : i32
    %dma_start3A_39 = arith.constant 0 : i32
    %dma_start3A_40 = tpu.memref_slice %arg0[%dma_start3A_34, %dma_start3A_38, %dma_start3A_39] : memref<250x2000x128xf32, #tpu.memory_space<hbm>> -> memref<1x2000x128xf32, #tpu.memory_space<hbm>>
    %dma_start3A_41 = tpu.memref_squeeze %dma_start3A_40 : memref<1x2000x128xf32, #tpu.memory_space<hbm>> -> memref<2000x128xf32, #tpu.memory_space<hbm>>
    tpu.enqueue_dma source(%dma_start3A_41 : memref<2000x128xf32, #tpu.memory_space<hbm>>) target(%arg6 : memref<2000x128xf32, #tpu.memory_space<vmem>>) target_semaphore(%dma_start3A_37 : memref<!tpu.dma_semaphore, #tpu.memory_space<semaphore_mem>>)
    %dma_start3A_42 = arith.constant 5 : i32
    %dma_start3A_43 = arith.constant 5 : i32
    %dma_start3A_44 = tpu.memref_slice %arg11[%dma_start3A_43] : memref<8x!tpu.dma_semaphore, #tpu.memory_space<semaphore_mem>> -> memref<1x!tpu.dma_semaphore, #tpu.memory_space<semaphore_mem>>
    %dma_start3A_45 = tpu.memref_squeeze %dma_start3A_44 : memref<1x!tpu.dma_semaphore, #tpu.memory_space<semaphore_mem>> -> memref<!tpu.dma_semaphore, #tpu.memory_space<semaphore_mem>>
    %dma_start3A_46 = arith.constant 0 : i32
    %dma_start3A_47 = arith.constant 0 : i32
    %dma_start3A_48 = tpu.memref_slice %arg0[%dma_start3A_42, %dma_start3A_46, %dma_start3A_47] : memref<250x2000x128xf32, #tpu.memory_space<hbm>> -> memref<1x2000x128xf32, #tpu.memory_space<hbm>>
    %dma_start3A_49 = tpu.memref_squeeze %dma_start3A_48 : memref<1x2000x128xf32, #tpu.memory_space<hbm>> -> memref<2000x128xf32, #tpu.memory_space<hbm>>
    tpu.enqueue_dma source(%dma_start3A_49 : memref<2000x128xf32, #tpu.memory_space<hbm>>) target(%arg7 : memref<2000x128xf32, #tpu.memory_space<vmem>>) target_semaphore(%dma_start3A_45 : memref<!tpu.dma_semaphore, #tpu.memory_space<semaphore_mem>>)
    %dma_start3A_50 = arith.constant 6 : i32
    %dma_start3A_51 = arith.constant 6 : i32
    %dma_start3A_52 = tpu.memref_slice %arg11[%dma_start3A_51] : memref<8x!tpu.dma_semaphore, #tpu.memory_space<semaphore_mem>> -> memref<1x!tpu.dma_semaphore, #tpu.memory_space<semaphore_mem>>
    %dma_start3A_53 = tpu.memref_squeeze %dma_start3A_52 : memref<1x!tpu.dma_semaphore, #tpu.memory_space<semaphore_mem>> -> memref<!tpu.dma_semaphore, #tpu.memory_space<semaphore_mem>>
    %dma_start3A_54 = arith.constant 0 : i32
    %dma_start3A_55 = arith.constant 0 : i32
    %dma_start3A_56 = tpu.memref_slice %arg0[%dma_start3A_50, %dma_start3A_54, %dma_start3A_55] : memref<250x2000x128xf32, #tpu.memory_space<hbm>> -> memref<1x2000x128xf32, #tpu.memory_space<hbm>>
    %dma_start3A_57 = tpu.memref_squeeze %dma_start3A_56 : memref<1x2000x128xf32, #tpu.memory_space<hbm>> -> memref<2000x128xf32, #tpu.memory_space<hbm>>
    tpu.enqueue_dma source(%dma_start3A_57 : memref<2000x128xf32, #tpu.memory_space<hbm>>) target(%arg8 : memref<2000x128xf32, #tpu.memory_space<vmem>>) target_semaphore(%dma_start3A_53 : memref<!tpu.dma_semaphore, #tpu.memory_space<semaphore_mem>>)
    %dma_start3A_58 = arith.constant 7 : i32
    %dma_start3A_59 = arith.constant 7 : i32
    %dma_start3A_60 = tpu.memref_slice %arg11[%dma_start3A_59] : memref<8x!tpu.dma_semaphore, #tpu.memory_space<semaphore_mem>> -> memref<1x!tpu.dma_semaphore, #tpu.memory_space<semaphore_mem>>
    %dma_start3A_61 = tpu.memref_squeeze %dma_start3A_60 : memref<1x!tpu.dma_semaphore, #tpu.memory_space<semaphore_mem>> -> memref<!tpu.dma_semaphore, #tpu.memory_space<semaphore_mem>>
    %dma_start3A_62 = arith.constant 0 : i32
    %dma_start3A_63 = arith.constant 0 : i32
    %dma_start3A_64 = tpu.memref_slice %arg0[%dma_start3A_58, %dma_start3A_62, %dma_start3A_63] : memref<250x2000x128xf32, #tpu.memory_space<hbm>> -> memref<1x2000x128xf32, #tpu.memory_space<hbm>>
    %dma_start3A_65 = tpu.memref_squeeze %dma_start3A_64 : memref<1x2000x128xf32, #tpu.memory_space<hbm>> -> memref<2000x128xf32, #tpu.memory_space<hbm>>
    tpu.enqueue_dma source(%dma_start3A_65 : memref<2000x128xf32, #tpu.memory_space<hbm>>) target(%arg9 : memref<2000x128xf32, #tpu.memory_space<vmem>>) target_semaphore(%dma_start3A_61 : memref<!tpu.dma_semaphore, #tpu.memory_space<semaphore_mem>>)
    %scan3A = arith.constant 0 : i32
    %scan3A_66 = arith.constant 31 : i32
    %scan3A_67 = arith.addi %scan3A, %scan3A_66 : i32
    %scan3A_68 = arith.constant 1 : i32
    scf.for %scan3A_122 = %scan3A to %scan3A_67 step %scan3A_68  : i32 {
      %mul3A = arith.constant 8 : i32
      %mul3A_123 = arith.muli %scan3A_122, %mul3A : i32
      %add3A_124 = arith.constant 0 : i32
      %add3A_125 = arith.addi %mul3A_123, %add3A_124 : i32
      %dma_wait3A_126 = arith.constant 0 : i32
      %dma_wait3A_127 = tpu.memref_slice %arg11[%dma_wait3A_126] : memref<8x!tpu.dma_semaphore, #tpu.memory_space<semaphore_mem>> -> memref<1x!tpu.dma_semaphore, #tpu.memory_space<semaphore_mem>>
      %dma_wait3A_128 = tpu.memref_squeeze %dma_wait3A_127 : memref<1x!tpu.dma_semaphore, #tpu.memory_space<semaphore_mem>> -> memref<!tpu.dma_semaphore, #tpu.memory_space<semaphore_mem>>
      %dma_wait3A_129 = arith.constant 0 : i32
      %dma_wait3A_130 = arith.constant 0 : i32
      %dma_wait3A_131 = tpu.memref_slice %arg0[%add3A_125, %dma_wait3A_129, %dma_wait3A_130] : memref<250x2000x128xf32, #tpu.memory_space<hbm>> -> memref<1x2000x128xf32, #tpu.memory_space<hbm>>
      %dma_wait3A_132 = tpu.memref_squeeze %dma_wait3A_131 : memref<1x2000x128xf32, #tpu.memory_space<hbm>> -> memref<2000x128xf32, #tpu.memory_space<hbm>>
      tpu.wait_dma2 semaphore(%dma_wait3A_128 : memref<!tpu.dma_semaphore, #tpu.memory_space<semaphore_mem>>) src(%dma_wait3A_132 : memref<2000x128xf32, #tpu.memory_space<hbm>>) dst(%arg2 : memref<2000x128xf32, #tpu.memory_space<vmem>>)
      %get3A_133 = arith.constant 0 : index
      %get3A_134 = arith.constant 0 : index
      %get3A_135 = vector.load %arg2[%get3A_133, %get3A_134] : memref<2000x128xf32, #tpu.memory_space<vmem>>, vector<2000x128xf32>
      %reduce_max3A_136 = arith.constant dense<0xFF800000> : vector<2000xf32>
      %reduce_max3A_137 = vector.multi_reduction <maximumf>, %get3A_135, %reduce_max3A_136 [1] : vector<2000x128xf32> to vector<2000xf32>
      %broadcast_in_dim3A_138 = vector.shape_cast %reduce_max3A_137 : vector<2000xf32> to vector<2000x1xf32>
      %get3A_139 = arith.constant 0 : index
      %get3A_140 = arith.constant 0 : index
      %get3A_141 = vector.load %arg10[%get3A_139, %get3A_140] : memref<8x128xf32, #tpu.memory_space<vmem>>, vector<1x128xf32>
      %reduce_max3A_142 = arith.constant dense<0xFF800000> : vector<1xf32>
      %reduce_max3A_143 = vector.multi_reduction <maximumf>, %broadcast_in_dim3A_138, %reduce_max3A_142 [0] : vector<2000x1xf32> to vector<1xf32>
      %broadcast_in_dim3A_144 = vector.shape_cast %reduce_max3A_143 : vector<1xf32> to vector<1x1xf32>
      %add3A_145 = vector.broadcast %broadcast_in_dim3A_144 : vector<1x1xf32> to vector<1x128xf32>
      %add3A_146 = arith.addf %get3A_141, %add3A_145 : vector<1x128xf32>
      %swap3A_147 = arith.constant 0 : index
      %swap3A_148 = arith.constant 0 : index
      %swap3A_149 = vector.load %arg10[%swap3A_147, %swap3A_148] : memref<8x128xf32, #tpu.memory_space<vmem>>, vector<1x128xf32>
      tpu.vector_store %arg10[%swap3A_147, %swap3A_148], %add3A_146 {strides = array<i32>} : memref<8x128xf32, #tpu.memory_space<vmem>>, vector<1x128xf32>,
      %add3A_150 = arith.constant 8 : i32
      %add3A_151 = arith.addi %add3A_125, %add3A_150 : i32
      %lt3A = arith.constant 250 : i32
      %lt3A_152 = arith.cmpi slt, %add3A_151, %lt3A : i32
      %convert_element_type3A = arith.extui %lt3A_152 : i1 to i32
      %cond3A = arith.constant 0 : i32
      %cond3A_153 = arith.cmpi ne, %convert_element_type3A, %cond3A : i32
      scf.if %cond3A_153 {
        %dma_start3A_399 = arith.constant 0 : i32
        %dma_start3A_400 = tpu.memref_slice %arg11[%dma_start3A_399] : memref<8x!tpu.dma_semaphore, #tpu.memory_space<semaphore_mem>> -> memref<1x!tpu.dma_semaphore, #tpu.memory_space<semaphore_mem>>
        %dma_start3A_401 = tpu.memref_squeeze %dma_start3A_400 : memref<1x!tpu.dma_semaphore, #tpu.memory_space<semaphore_mem>> -> memref<!tpu.dma_semaphore, #tpu.memory_space<semaphore_mem>>
        %dma_start3A_402 = arith.constant 0 : i32
        %dma_start3A_403 = arith.constant 0 : i32
        %dma_start3A_404 = tpu.memref_slice %arg0[%add3A_151, %dma_start3A_402, %dma_start3A_403] : memref<250x2000x128xf32, #tpu.memory_space<hbm>> -> memref<1x2000x128xf32, #tpu.memory_space<hbm>>
        %dma_start3A_405 = tpu.memref_squeeze %dma_start3A_404 : memref<1x2000x128xf32, #tpu.memory_space<hbm>> -> memref<2000x128xf32, #tpu.memory_space<hbm>>
        tpu.enqueue_dma source(%dma_start3A_405 : memref<2000x128xf32, #tpu.memory_space<hbm>>) target(%arg2 : memref<2000x128xf32, #tpu.memory_space<vmem>>) target_semaphore(%dma_start3A_401 : memref<!tpu.dma_semaphore, #tpu.memory_space<semaphore_mem>>)
      } else {
      }
      %mul3A_154 = arith.constant 8 : i32
      %mul3A_155 = arith.muli %scan3A_122, %mul3A_154 : i32
      %add3A_156 = arith.constant 1 : i32
      %add3A_157 = arith.addi %mul3A_155, %add3A_156 : i32
      %dma_wait3A_158 = arith.constant 1 : i32
      %dma_wait3A_159 = tpu.memref_slice %arg11[%dma_wait3A_158] : memref<8x!tpu.dma_semaphore, #tpu.memory_space<semaphore_mem>> -> memref<1x!tpu.dma_semaphore, #tpu.memory_space<semaphore_mem>>
      %dma_wait3A_160 = tpu.memref_squeeze %dma_wait3A_159 : memref<1x!tpu.dma_semaphore, #tpu.memory_space<semaphore_mem>> -> memref<!tpu.dma_semaphore, #tpu.memory_space<semaphore_mem>>
      %dma_wait3A_161 = arith.constant 0 : i32
      %dma_wait3A_162 = arith.constant 0 : i32
      %dma_wait3A_163 = tpu.memref_slice %arg0[%add3A_157, %dma_wait3A_161, %dma_wait3A_162] : memref<250x2000x128xf32, #tpu.memory_space<hbm>> -> memref<1x2000x128xf32, #tpu.memory_space<hbm>>
      %dma_wait3A_164 = tpu.memref_squeeze %dma_wait3A_163 : memref<1x2000x128xf32, #tpu.memory_space<hbm>> -> memref<2000x128xf32, #tpu.memory_space<hbm>>
      tpu.wait_dma2 semaphore(%dma_wait3A_160 : memref<!tpu.dma_semaphore, #tpu.memory_space<semaphore_mem>>) src(%dma_wait3A_164 : memref<2000x128xf32, #tpu.memory_space<hbm>>) dst(%arg3 : memref<2000x128xf32, #tpu.memory_space<vmem>>)
      %get3A_165 = arith.constant 0 : index
      %get3A_166 = arith.constant 0 : index
      %get3A_167 = vector.load %arg3[%get3A_165, %get3A_166] : memref<2000x128xf32, #tpu.memory_space<vmem>>, vector<2000x128xf32>
      %reduce_max3A_168 = arith.constant dense<0xFF800000> : vector<2000xf32>
      %reduce_max3A_169 = vector.multi_reduction <maximumf>, %get3A_167, %reduce_max3A_168 [1] : vector<2000x128xf32> to vector<2000xf32>
      %broadcast_in_dim3A_170 = vector.shape_cast %reduce_max3A_169 : vector<2000xf32> to vector<2000x1xf32>
      %get3A_171 = arith.constant 0 : index
      %get3A_172 = arith.constant 0 : index
      %get3A_173 = vector.load %arg10[%get3A_171, %get3A_172] : memref<8x128xf32, #tpu.memory_space<vmem>>, vector<1x128xf32>
      %reduce_max3A_174 = arith.constant dense<0xFF800000> : vector<1xf32>
      %reduce_max3A_175 = vector.multi_reduction <maximumf>, %broadcast_in_dim3A_170, %reduce_max3A_174 [0] : vector<2000x1xf32> to vector<1xf32>
      %broadcast_in_dim3A_176 = vector.shape_cast %reduce_max3A_175 : vector<1xf32> to vector<1x1xf32>
      %add3A_177 = vector.broadcast %broadcast_in_dim3A_176 : vector<1x1xf32> to vector<1x128xf32>
      %add3A_178 = arith.addf %get3A_173, %add3A_177 : vector<1x128xf32>
      %swap3A_179 = arith.constant 0 : index
      %swap3A_180 = arith.constant 0 : index
      %swap3A_181 = vector.load %arg10[%swap3A_179, %swap3A_180] : memref<8x128xf32, #tpu.memory_space<vmem>>, vector<1x128xf32>
      tpu.vector_store %arg10[%swap3A_179, %swap3A_180], %add3A_178 {strides = array<i32>} : memref<8x128xf32, #tpu.memory_space<vmem>>, vector<1x128xf32>,
      %add3A_182 = arith.constant 8 : i32
      %add3A_183 = arith.addi %add3A_157, %add3A_182 : i32
      %lt3A_184 = arith.constant 250 : i32
      %lt3A_185 = arith.cmpi slt, %add3A_183, %lt3A_184 : i32
      %convert_element_type3A_186 = arith.extui %lt3A_185 : i1 to i32
      %cond3A_187 = arith.constant 0 : i32
      %cond3A_188 = arith.cmpi ne, %convert_element_type3A_186, %cond3A_187 : i32
      scf.if %cond3A_188 {
        %dma_start3A_399 = arith.constant 1 : i32
        %dma_start3A_400 = tpu.memref_slice %arg11[%dma_start3A_399] : memref<8x!tpu.dma_semaphore, #tpu.memory_space<semaphore_mem>> -> memref<1x!tpu.dma_semaphore, #tpu.memory_space<semaphore_mem>>
        %dma_start3A_401 = tpu.memref_squeeze %dma_start3A_400 : memref<1x!tpu.dma_semaphore, #tpu.memory_space<semaphore_mem>> -> memref<!tpu.dma_semaphore, #tpu.memory_space<semaphore_mem>>
        %dma_start3A_402 = arith.constant 0 : i32
        %dma_start3A_403 = arith.constant 0 : i32
        %dma_start3A_404 = tpu.memref_slice %arg0[%add3A_183, %dma_start3A_402, %dma_start3A_403] : memref<250x2000x128xf32, #tpu.memory_space<hbm>> -> memref<1x2000x128xf32, #tpu.memory_space<hbm>>
        %dma_start3A_405 = tpu.memref_squeeze %dma_start3A_404 : memref<1x2000x128xf32, #tpu.memory_space<hbm>> -> memref<2000x128xf32, #tpu.memory_space<hbm>>
        tpu.enqueue_dma source(%dma_start3A_405 : memref<2000x128xf32, #tpu.memory_space<hbm>>) target(%arg3 : memref<2000x128xf32, #tpu.memory_space<vmem>>) target_semaphore(%dma_start3A_401 : memref<!tpu.dma_semaphore, #tpu.memory_space<semaphore_mem>>)
      } else {
      }
      %mul3A_189 = arith.constant 8 : i32
      %mul3A_190 = arith.muli %scan3A_122, %mul3A_189 : i32
      %add3A_191 = arith.constant 2 : i32
      %add3A_192 = arith.addi %mul3A_190, %add3A_191 : i32
      %dma_wait3A_193 = arith.constant 2 : i32
      %dma_wait3A_194 = tpu.memref_slice %arg11[%dma_wait3A_193] : memref<8x!tpu.dma_semaphore, #tpu.memory_space<semaphore_mem>> -> memref<1x!tpu.dma_semaphore, #tpu.memory_space<semaphore_mem>>
      %dma_wait3A_195 = tpu.memref_squeeze %dma_wait3A_194 : memref<1x!tpu.dma_semaphore, #tpu.memory_space<semaphore_mem>> -> memref<!tpu.dma_semaphore, #tpu.memory_space<semaphore_mem>>
      %dma_wait3A_196 = arith.constant 0 : i32
      %dma_wait3A_197 = arith.constant 0 : i32
      %dma_wait3A_198 = tpu.memref_slice %arg0[%add3A_192, %dma_wait3A_196, %dma_wait3A_197] : memref<250x2000x128xf32, #tpu.memory_space<hbm>> -> memref<1x2000x128xf32, #tpu.memory_space<hbm>>
      %dma_wait3A_199 = tpu.memref_squeeze %dma_wait3A_198 : memref<1x2000x128xf32, #tpu.memory_space<hbm>> -> memref<2000x128xf32, #tpu.memory_space<hbm>>
      tpu.wait_dma2 semaphore(%dma_wait3A_195 : memref<!tpu.dma_semaphore, #tpu.memory_space<semaphore_mem>>) src(%dma_wait3A_199 : memref<2000x128xf32, #tpu.memory_space<hbm>>) dst(%arg4 : memref<2000x128xf32, #tpu.memory_space<vmem>>)
      %get3A_200 = arith.constant 0 : index
      %get3A_201 = arith.constant 0 : index
      %get3A_202 = vector.load %arg4[%get3A_200, %get3A_201] : memref<2000x128xf32, #tpu.memory_space<vmem>>, vector<2000x128xf32>
      %reduce_max3A_203 = arith.constant dense<0xFF800000> : vector<2000xf32>
      %reduce_max3A_204 = vector.multi_reduction <maximumf>, %get3A_202, %reduce_max3A_203 [1] : vector<2000x128xf32> to vector<2000xf32>
      %broadcast_in_dim3A_205 = vector.shape_cast %reduce_max3A_204 : vector<2000xf32> to vector<2000x1xf32>
      %get3A_206 = arith.constant 0 : index
      %get3A_207 = arith.constant 0 : index
      %get3A_208 = vector.load %arg10[%get3A_206, %get3A_207] : memref<8x128xf32, #tpu.memory_space<vmem>>, vector<1x128xf32>
      %reduce_max3A_209 = arith.constant dense<0xFF800000> : vector<1xf32>
      %reduce_max3A_210 = vector.multi_reduction <maximumf>, %broadcast_in_dim3A_205, %reduce_max3A_209 [0] : vector<2000x1xf32> to vector<1xf32>
      %broadcast_in_dim3A_211 = vector.shape_cast %reduce_max3A_210 : vector<1xf32> to vector<1x1xf32>
      %add3A_212 = vector.broadcast %broadcast_in_dim3A_211 : vector<1x1xf32> to vector<1x128xf32>
      %add3A_213 = arith.addf %get3A_208, %add3A_212 : vector<1x128xf32>
      %swap3A_214 = arith.constant 0 : index
      %swap3A_215 = arith.constant 0 : index
      %swap3A_216 = vector.load %arg10[%swap3A_214, %swap3A_215] : memref<8x128xf32, #tpu.memory_space<vmem>>, vector<1x128xf32>
      tpu.vector_store %arg10[%swap3A_214, %swap3A_215], %add3A_213 {strides = array<i32>} : memref<8x128xf32, #tpu.memory_space<vmem>>, vector<1x128xf32>,
      %add3A_217 = arith.constant 8 : i32
      %add3A_218 = arith.addi %add3A_192, %add3A_217 : i32
      %lt3A_219 = arith.constant 250 : i32
      %lt3A_220 = arith.cmpi slt, %add3A_218, %lt3A_219 : i32
      %convert_element_type3A_221 = arith.extui %lt3A_220 : i1 to i32
      %cond3A_222 = arith.constant 0 : i32
      %cond3A_223 = arith.cmpi ne, %convert_element_type3A_221, %cond3A_222 : i32
      scf.if %cond3A_223 {
        %dma_start3A_399 = arith.constant 2 : i32
        %dma_start3A_400 = tpu.memref_slice %arg11[%dma_start3A_399] : memref<8x!tpu.dma_semaphore, #tpu.memory_space<semaphore_mem>> -> memref<1x!tpu.dma_semaphore, #tpu.memory_space<semaphore_mem>>
        %dma_start3A_401 = tpu.memref_squeeze %dma_start3A_400 : memref<1x!tpu.dma_semaphore, #tpu.memory_space<semaphore_mem>> -> memref<!tpu.dma_semaphore, #tpu.memory_space<semaphore_mem>>
        %dma_start3A_402 = arith.constant 0 : i32
        %dma_start3A_403 = arith.constant 0 : i32
        %dma_start3A_404 = tpu.memref_slice %arg0[%add3A_218, %dma_start3A_402, %dma_start3A_403] : memref<250x2000x128xf32, #tpu.memory_space<hbm>> -> memref<1x2000x128xf32, #tpu.memory_space<hbm>>
        %dma_start3A_405 = tpu.memref_squeeze %dma_start3A_404 : memref<1x2000x128xf32, #tpu.memory_space<hbm>> -> memref<2000x128xf32, #tpu.memory_space<hbm>>
        tpu.enqueue_dma source(%dma_start3A_405 : memref<2000x128xf32, #tpu.memory_space<hbm>>) target(%arg4 : memref<2000x128xf32, #tpu.memory_space<vmem>>) target_semaphore(%dma_start3A_401 : memref<!tpu.dma_semaphore, #tpu.memory_space<semaphore_mem>>)
      } else {
      }
      %mul3A_224 = arith.constant 8 : i32
      %mul3A_225 = arith.muli %scan3A_122, %mul3A_224 : i32
      %add3A_226 = arith.constant 3 : i32
      %add3A_227 = arith.addi %mul3A_225, %add3A_226 : i32
      %dma_wait3A_228 = arith.constant 3 : i32
      %dma_wait3A_229 = tpu.memref_slice %arg11[%dma_wait3A_228] : memref<8x!tpu.dma_semaphore, #tpu.memory_space<semaphore_mem>> -> memref<1x!tpu.dma_semaphore, #tpu.memory_space<semaphore_mem>>
      %dma_wait3A_230 = tpu.memref_squeeze %dma_wait3A_229 : memref<1x!tpu.dma_semaphore, #tpu.memory_space<semaphore_mem>> -> memref<!tpu.dma_semaphore, #tpu.memory_space<semaphore_mem>>
      %dma_wait3A_231 = arith.constant 0 : i32
      %dma_wait3A_232 = arith.constant 0 : i32
      %dma_wait3A_233 = tpu.memref_slice %arg0[%add3A_227, %dma_wait3A_231, %dma_wait3A_232] : memref<250x2000x128xf32, #tpu.memory_space<hbm>> -> memref<1x2000x128xf32, #tpu.memory_space<hbm>>
      %dma_wait3A_234 = tpu.memref_squeeze %dma_wait3A_233 : memref<1x2000x128xf32, #tpu.memory_space<hbm>> -> memref<2000x128xf32, #tpu.memory_space<hbm>>
      tpu.wait_dma2 semaphore(%dma_wait3A_230 : memref<!tpu.dma_semaphore, #tpu.memory_space<semaphore_mem>>) src(%dma_wait3A_234 : memref<2000x128xf32, #tpu.memory_space<hbm>>) dst(%arg5 : memref<2000x128xf32, #tpu.memory_space<vmem>>)
      %get3A_235 = arith.constant 0 : index
      %get3A_236 = arith.constant 0 : index
      %get3A_237 = vector.load %arg5[%get3A_235, %get3A_236] : memref<2000x128xf32, #tpu.memory_space<vmem>>, vector<2000x128xf32>
      %reduce_max3A_238 = arith.constant dense<0xFF800000> : vector<2000xf32>
      %reduce_max3A_239 = vector.multi_reduction <maximumf>, %get3A_237, %reduce_max3A_238 [1] : vector<2000x128xf32> to vector<2000xf32>
      %broadcast_in_dim3A_240 = vector.shape_cast %reduce_max3A_239 : vector<2000xf32> to vector<2000x1xf32>
      %get3A_241 = arith.constant 0 : index
      %get3A_242 = arith.constant 0 : index
      %get3A_243 = vector.load %arg10[%get3A_241, %get3A_242] : memref<8x128xf32, #tpu.memory_space<vmem>>, vector<1x128xf32>
      %reduce_max3A_244 = arith.constant dense<0xFF800000> : vector<1xf32>
      %reduce_max3A_245 = vector.multi_reduction <maximumf>, %broadcast_in_dim3A_240, %reduce_max3A_244 [0] : vector<2000x1xf32> to vector<1xf32>
      %broadcast_in_dim3A_246 = vector.shape_cast %reduce_max3A_245 : vector<1xf32> to vector<1x1xf32>
      %add3A_247 = vector.broadcast %broadcast_in_dim3A_246 : vector<1x1xf32> to vector<1x128xf32>
      %add3A_248 = arith.addf %get3A_243, %add3A_247 : vector<1x128xf32>
      %swap3A_249 = arith.constant 0 : index
      %swap3A_250 = arith.constant 0 : index
      %swap3A_251 = vector.load %arg10[%swap3A_249, %swap3A_250] : memref<8x128xf32, #tpu.memory_space<vmem>>, vector<1x128xf32>
      tpu.vector_store %arg10[%swap3A_249, %swap3A_250], %add3A_248 {strides = array<i32>} : memref<8x128xf32, #tpu.memory_space<vmem>>, vector<1x128xf32>,
      %add3A_252 = arith.constant 8 : i32
      %add3A_253 = arith.addi %add3A_227, %add3A_252 : i32
      %lt3A_254 = arith.constant 250 : i32
      %lt3A_255 = arith.cmpi slt, %add3A_253, %lt3A_254 : i32
      %convert_element_type3A_256 = arith.extui %lt3A_255 : i1 to i32
      %cond3A_257 = arith.constant 0 : i32
      %cond3A_258 = arith.cmpi ne, %convert_element_type3A_256, %cond3A_257 : i32
      scf.if %cond3A_258 {
        %dma_start3A_399 = arith.constant 3 : i32
        %dma_start3A_400 = tpu.memref_slice %arg11[%dma_start3A_399] : memref<8x!tpu.dma_semaphore, #tpu.memory_space<semaphore_mem>> -> memref<1x!tpu.dma_semaphore, #tpu.memory_space<semaphore_mem>>
        %dma_start3A_401 = tpu.memref_squeeze %dma_start3A_400 : memref<1x!tpu.dma_semaphore, #tpu.memory_space<semaphore_mem>> -> memref<!tpu.dma_semaphore, #tpu.memory_space<semaphore_mem>>
        %dma_start3A_402 = arith.constant 0 : i32
        %dma_start3A_403 = arith.constant 0 : i32
        %dma_start3A_404 = tpu.memref_slice %arg0[%add3A_253, %dma_start3A_402, %dma_start3A_403] : memref<250x2000x128xf32, #tpu.memory_space<hbm>> -> memref<1x2000x128xf32, #tpu.memory_space<hbm>>
        %dma_start3A_405 = tpu.memref_squeeze %dma_start3A_404 : memref<1x2000x128xf32, #tpu.memory_space<hbm>> -> memref<2000x128xf32, #tpu.memory_space<hbm>>
        tpu.enqueue_dma source(%dma_start3A_405 : memref<2000x128xf32, #tpu.memory_space<hbm>>) target(%arg5 : memref<2000x128xf32, #tpu.memory_space<vmem>>) target_semaphore(%dma_start3A_401 : memref<!tpu.dma_semaphore, #tpu.memory_space<semaphore_mem>>)
      } else {
      }
      %mul3A_259 = arith.constant 8 : i32
      %mul3A_260 = arith.muli %scan3A_122, %mul3A_259 : i32
      %add3A_261 = arith.constant 4 : i32
      %add3A_262 = arith.addi %mul3A_260, %add3A_261 : i32
      %dma_wait3A_263 = arith.constant 4 : i32
      %dma_wait3A_264 = tpu.memref_slice %arg11[%dma_wait3A_263] : memref<8x!tpu.dma_semaphore, #tpu.memory_space<semaphore_mem>> -> memref<1x!tpu.dma_semaphore, #tpu.memory_space<semaphore_mem>>
      %dma_wait3A_265 = tpu.memref_squeeze %dma_wait3A_264 : memref<1x!tpu.dma_semaphore, #tpu.memory_space<semaphore_mem>> -> memref<!tpu.dma_semaphore, #tpu.memory_space<semaphore_mem>>
      %dma_wait3A_266 = arith.constant 0 : i32
      %dma_wait3A_267 = arith.constant 0 : i32
      %dma_wait3A_268 = tpu.memref_slice %arg0[%add3A_262, %dma_wait3A_266, %dma_wait3A_267] : memref<250x2000x128xf32, #tpu.memory_space<hbm>> -> memref<1x2000x128xf32, #tpu.memory_space<hbm>>
      %dma_wait3A_269 = tpu.memref_squeeze %dma_wait3A_268 : memref<1x2000x128xf32, #tpu.memory_space<hbm>> -> memref<2000x128xf32, #tpu.memory_space<hbm>>
      tpu.wait_dma2 semaphore(%dma_wait3A_265 : memref<!tpu.dma_semaphore, #tpu.memory_space<semaphore_mem>>) src(%dma_wait3A_269 : memref<2000x128xf32, #tpu.memory_space<hbm>>) dst(%arg6 : memref<2000x128xf32, #tpu.memory_space<vmem>>)
      %get3A_270 = arith.constant 0 : index
      %get3A_271 = arith.constant 0 : index
      %get3A_272 = vector.load %arg6[%get3A_270, %get3A_271] : memref<2000x128xf32, #tpu.memory_space<vmem>>, vector<2000x128xf32>
      %reduce_max3A_273 = arith.constant dense<0xFF800000> : vector<2000xf32>
      %reduce_max3A_274 = vector.multi_reduction <maximumf>, %get3A_272, %reduce_max3A_273 [1] : vector<2000x128xf32> to vector<2000xf32>
      %broadcast_in_dim3A_275 = vector.shape_cast %reduce_max3A_274 : vector<2000xf32> to vector<2000x1xf32>
      %get3A_276 = arith.constant 0 : index
      %get3A_277 = arith.constant 0 : index
      %get3A_278 = vector.load %arg10[%get3A_276, %get3A_277] : memref<8x128xf32, #tpu.memory_space<vmem>>, vector<1x128xf32>
      %reduce_max3A_279 = arith.constant dense<0xFF800000> : vector<1xf32>
      %reduce_max3A_280 = vector.multi_reduction <maximumf>, %broadcast_in_dim3A_275, %reduce_max3A_279 [0] : vector<2000x1xf32> to vector<1xf32>
      %broadcast_in_dim3A_281 = vector.shape_cast %reduce_max3A_280 : vector<1xf32> to vector<1x1xf32>
      %add3A_282 = vector.broadcast %broadcast_in_dim3A_281 : vector<1x1xf32> to vector<1x128xf32>
      %add3A_283 = arith.addf %get3A_278, %add3A_282 : vector<1x128xf32>
      %swap3A_284 = arith.constant 0 : index
      %swap3A_285 = arith.constant 0 : index
      %swap3A_286 = vector.load %arg10[%swap3A_284, %swap3A_285] : memref<8x128xf32, #tpu.memory_space<vmem>>, vector<1x128xf32>
      tpu.vector_store %arg10[%swap3A_284, %swap3A_285], %add3A_283 {strides = array<i32>} : memref<8x128xf32, #tpu.memory_space<vmem>>, vector<1x128xf32>,
      %add3A_287 = arith.constant 8 : i32
      %add3A_288 = arith.addi %add3A_262, %add3A_287 : i32
      %lt3A_289 = arith.constant 250 : i32
      %lt3A_290 = arith.cmpi slt, %add3A_288, %lt3A_289 : i32
      %convert_element_type3A_291 = arith.extui %lt3A_290 : i1 to i32
      %cond3A_292 = arith.constant 0 : i32
      %cond3A_293 = arith.cmpi ne, %convert_element_type3A_291, %cond3A_292 : i32
      scf.if %cond3A_293 {
        %dma_start3A_399 = arith.constant 4 : i32
        %dma_start3A_400 = tpu.memref_slice %arg11[%dma_start3A_399] : memref<8x!tpu.dma_semaphore, #tpu.memory_space<semaphore_mem>> -> memref<1x!tpu.dma_semaphore, #tpu.memory_space<semaphore_mem>>
        %dma_start3A_401 = tpu.memref_squeeze %dma_start3A_400 : memref<1x!tpu.dma_semaphore, #tpu.memory_space<semaphore_mem>> -> memref<!tpu.dma_semaphore, #tpu.memory_space<semaphore_mem>>
        %dma_start3A_402 = arith.constant 0 : i32
        %dma_start3A_403 = arith.constant 0 : i32
        %dma_start3A_404 = tpu.memref_slice %arg0[%add3A_288, %dma_start3A_402, %dma_start3A_403] : memref<250x2000x128xf32, #tpu.memory_space<hbm>> -> memref<1x2000x128xf32, #tpu.memory_space<hbm>>
        %dma_start3A_405 = tpu.memref_squeeze %dma_start3A_404 : memref<1x2000x128xf32, #tpu.memory_space<hbm>> -> memref<2000x128xf32, #tpu.memory_space<hbm>>
        tpu.enqueue_dma source(%dma_start3A_405 : memref<2000x128xf32, #tpu.memory_space<hbm>>) target(%arg6 : memref<2000x128xf32, #tpu.memory_space<vmem>>) target_semaphore(%dma_start3A_401 : memref<!tpu.dma_semaphore, #tpu.memory_space<semaphore_mem>>)
      } else {
      }
      %mul3A_294 = arith.constant 8 : i32
      %mul3A_295 = arith.muli %scan3A_122, %mul3A_294 : i32
      %add3A_296 = arith.constant 5 : i32
      %add3A_297 = arith.addi %mul3A_295, %add3A_296 : i32
      %dma_wait3A_298 = arith.constant 5 : i32
      %dma_wait3A_299 = tpu.memref_slice %arg11[%dma_wait3A_298] : memref<8x!tpu.dma_semaphore, #tpu.memory_space<semaphore_mem>> -> memref<1x!tpu.dma_semaphore, #tpu.memory_space<semaphore_mem>>
      %dma_wait3A_300 = tpu.memref_squeeze %dma_wait3A_299 : memref<1x!tpu.dma_semaphore, #tpu.memory_space<semaphore_mem>> -> memref<!tpu.dma_semaphore, #tpu.memory_space<semaphore_mem>>
      %dma_wait3A_301 = arith.constant 0 : i32
      %dma_wait3A_302 = arith.constant 0 : i32
      %dma_wait3A_303 = tpu.memref_slice %arg0[%add3A_297, %dma_wait3A_301, %dma_wait3A_302] : memref<250x2000x128xf32, #tpu.memory_space<hbm>> -> memref<1x2000x128xf32, #tpu.memory_space<hbm>>
      %dma_wait3A_304 = tpu.memref_squeeze %dma_wait3A_303 : memref<1x2000x128xf32, #tpu.memory_space<hbm>> -> memref<2000x128xf32, #tpu.memory_space<hbm>>
      tpu.wait_dma2 semaphore(%dma_wait3A_300 : memref<!tpu.dma_semaphore, #tpu.memory_space<semaphore_mem>>) src(%dma_wait3A_304 : memref<2000x128xf32, #tpu.memory_space<hbm>>) dst(%arg7 : memref<2000x128xf32, #tpu.memory_space<vmem>>)
      %get3A_305 = arith.constant 0 : index
      %get3A_306 = arith.constant 0 : index
      %get3A_307 = vector.load %arg7[%get3A_305, %get3A_306] : memref<2000x128xf32, #tpu.memory_space<vmem>>, vector<2000x128xf32>
      %reduce_max3A_308 = arith.constant dense<0xFF800000> : vector<2000xf32>
      %reduce_max3A_309 = vector.multi_reduction <maximumf>, %get3A_307, %reduce_max3A_308 [1] : vector<2000x128xf32> to vector<2000xf32>
      %broadcast_in_dim3A_310 = vector.shape_cast %reduce_max3A_309 : vector<2000xf32> to vector<2000x1xf32>
      %get3A_311 = arith.constant 0 : index
      %get3A_312 = arith.constant 0 : index
      %get3A_313 = vector.load %arg10[%get3A_311, %get3A_312] : memref<8x128xf32, #tpu.memory_space<vmem>>, vector<1x128xf32>
      %reduce_max3A_314 = arith.constant dense<0xFF800000> : vector<1xf32>
      %reduce_max3A_315 = vector.multi_reduction <maximumf>, %broadcast_in_dim3A_310, %reduce_max3A_314 [0] : vector<2000x1xf32> to vector<1xf32>
      %broadcast_in_dim3A_316 = vector.shape_cast %reduce_max3A_315 : vector<1xf32> to vector<1x1xf32>
      %add3A_317 = vector.broadcast %broadcast_in_dim3A_316 : vector<1x1xf32> to vector<1x128xf32>
      %add3A_318 = arith.addf %get3A_313, %add3A_317 : vector<1x128xf32>
      %swap3A_319 = arith.constant 0 : index
      %swap3A_320 = arith.constant 0 : index
      %swap3A_321 = vector.load %arg10[%swap3A_319, %swap3A_320] : memref<8x128xf32, #tpu.memory_space<vmem>>, vector<1x128xf32>
      tpu.vector_store %arg10[%swap3A_319, %swap3A_320], %add3A_318 {strides = array<i32>} : memref<8x128xf32, #tpu.memory_space<vmem>>, vector<1x128xf32>,
      %add3A_322 = arith.constant 8 : i32
      %add3A_323 = arith.addi %add3A_297, %add3A_322 : i32
      %lt3A_324 = arith.constant 250 : i32
      %lt3A_325 = arith.cmpi slt, %add3A_323, %lt3A_324 : i32
      %convert_element_type3A_326 = arith.extui %lt3A_325 : i1 to i32
      %cond3A_327 = arith.constant 0 : i32
      %cond3A_328 = arith.cmpi ne, %convert_element_type3A_326, %cond3A_327 : i32
      scf.if %cond3A_328 {
        %dma_start3A_399 = arith.constant 5 : i32
        %dma_start3A_400 = tpu.memref_slice %arg11[%dma_start3A_399] : memref<8x!tpu.dma_semaphore, #tpu.memory_space<semaphore_mem>> -> memref<1x!tpu.dma_semaphore, #tpu.memory_space<semaphore_mem>>
        %dma_start3A_401 = tpu.memref_squeeze %dma_start3A_400 : memref<1x!tpu.dma_semaphore, #tpu.memory_space<semaphore_mem>> -> memref<!tpu.dma_semaphore, #tpu.memory_space<semaphore_mem>>
        %dma_start3A_402 = arith.constant 0 : i32
        %dma_start3A_403 = arith.constant 0 : i32
        %dma_start3A_404 = tpu.memref_slice %arg0[%add3A_323, %dma_start3A_402, %dma_start3A_403] : memref<250x2000x128xf32, #tpu.memory_space<hbm>> -> memref<1x2000x128xf32, #tpu.memory_space<hbm>>
        %dma_start3A_405 = tpu.memref_squeeze %dma_start3A_404 : memref<1x2000x128xf32, #tpu.memory_space<hbm>> -> memref<2000x128xf32, #tpu.memory_space<hbm>>
        tpu.enqueue_dma source(%dma_start3A_405 : memref<2000x128xf32, #tpu.memory_space<hbm>>) target(%arg7 : memref<2000x128xf32, #tpu.memory_space<vmem>>) target_semaphore(%dma_start3A_401 : memref<!tpu.dma_semaphore, #tpu.memory_space<semaphore_mem>>)
      } else {
      }
      %mul3A_329 = arith.constant 8 : i32
      %mul3A_330 = arith.muli %scan3A_122, %mul3A_329 : i32
      %add3A_331 = arith.constant 6 : i32
      %add3A_332 = arith.addi %mul3A_330, %add3A_331 : i32
      %dma_wait3A_333 = arith.constant 6 : i32
      %dma_wait3A_334 = tpu.memref_slice %arg11[%dma_wait3A_333] : memref<8x!tpu.dma_semaphore, #tpu.memory_space<semaphore_mem>> -> memref<1x!tpu.dma_semaphore, #tpu.memory_space<semaphore_mem>>
      %dma_wait3A_335 = tpu.memref_squeeze %dma_wait3A_334 : memref<1x!tpu.dma_semaphore, #tpu.memory_space<semaphore_mem>> -> memref<!tpu.dma_semaphore, #tpu.memory_space<semaphore_mem>>
      %dma_wait3A_336 = arith.constant 0 : i32
      %dma_wait3A_337 = arith.constant 0 : i32
      %dma_wait3A_338 = tpu.memref_slice %arg0[%add3A_332, %dma_wait3A_336, %dma_wait3A_337] : memref<250x2000x128xf32, #tpu.memory_space<hbm>> -> memref<1x2000x128xf32, #tpu.memory_space<hbm>>
      %dma_wait3A_339 = tpu.memref_squeeze %dma_wait3A_338 : memref<1x2000x128xf32, #tpu.memory_space<hbm>> -> memref<2000x128xf32, #tpu.memory_space<hbm>>
      tpu.wait_dma2 semaphore(%dma_wait3A_335 : memref<!tpu.dma_semaphore, #tpu.memory_space<semaphore_mem>>) src(%dma_wait3A_339 : memref<2000x128xf32, #tpu.memory_space<hbm>>) dst(%arg8 : memref<2000x128xf32, #tpu.memory_space<vmem>>)
      %get3A_340 = arith.constant 0 : index
      %get3A_341 = arith.constant 0 : index
      %get3A_342 = vector.load %arg8[%get3A_340, %get3A_341] : memref<2000x128xf32, #tpu.memory_space<vmem>>, vector<2000x128xf32>
      %reduce_max3A_343 = arith.constant dense<0xFF800000> : vector<2000xf32>
      %reduce_max3A_344 = vector.multi_reduction <maximumf>, %get3A_342, %reduce_max3A_343 [1] : vector<2000x128xf32> to vector<2000xf32>
      %broadcast_in_dim3A_345 = vector.shape_cast %reduce_max3A_344 : vector<2000xf32> to vector<2000x1xf32>
      %get3A_346 = arith.constant 0 : index
      %get3A_347 = arith.constant 0 : index
      %get3A_348 = vector.load %arg10[%get3A_346, %get3A_347] : memref<8x128xf32, #tpu.memory_space<vmem>>, vector<1x128xf32>
      %reduce_max3A_349 = arith.constant dense<0xFF800000> : vector<1xf32>
      %reduce_max3A_350 = vector.multi_reduction <maximumf>, %broadcast_in_dim3A_345, %reduce_max3A_349 [0] : vector<2000x1xf32> to vector<1xf32>
      %broadcast_in_dim3A_351 = vector.shape_cast %reduce_max3A_350 : vector<1xf32> to vector<1x1xf32>
      %add3A_352 = vector.broadcast %broadcast_in_dim3A_351 : vector<1x1xf32> to vector<1x128xf32>
      %add3A_353 = arith.addf %get3A_348, %add3A_352 : vector<1x128xf32>
      %swap3A_354 = arith.constant 0 : index
      %swap3A_355 = arith.constant 0 : index
      %swap3A_356 = vector.load %arg10[%swap3A_354, %swap3A_355] : memref<8x128xf32, #tpu.memory_space<vmem>>, vector<1x128xf32>
      tpu.vector_store %arg10[%swap3A_354, %swap3A_355], %add3A_353 {strides = array<i32>} : memref<8x128xf32, #tpu.memory_space<vmem>>, vector<1x128xf32>,
      %add3A_357 = arith.constant 8 : i32
      %add3A_358 = arith.addi %add3A_332, %add3A_357 : i32
      %lt3A_359 = arith.constant 250 : i32
      %lt3A_360 = arith.cmpi slt, %add3A_358, %lt3A_359 : i32
      %convert_element_type3A_361 = arith.extui %lt3A_360 : i1 to i32
      %cond3A_362 = arith.constant 0 : i32
      %cond3A_363 = arith.cmpi ne, %convert_element_type3A_361, %cond3A_362 : i32
      scf.if %cond3A_363 {
        %dma_start3A_399 = arith.constant 6 : i32
        %dma_start3A_400 = tpu.memref_slice %arg11[%dma_start3A_399] : memref<8x!tpu.dma_semaphore, #tpu.memory_space<semaphore_mem>> -> memref<1x!tpu.dma_semaphore, #tpu.memory_space<semaphore_mem>>
        %dma_start3A_401 = tpu.memref_squeeze %dma_start3A_400 : memref<1x!tpu.dma_semaphore, #tpu.memory_space<semaphore_mem>> -> memref<!tpu.dma_semaphore, #tpu.memory_space<semaphore_mem>>
        %dma_start3A_402 = arith.constant 0 : i32
        %dma_start3A_403 = arith.constant 0 : i32
        %dma_start3A_404 = tpu.memref_slice %arg0[%add3A_358, %dma_start3A_402, %dma_start3A_403] : memref<250x2000x128xf32, #tpu.memory_space<hbm>> -> memref<1x2000x128xf32, #tpu.memory_space<hbm>>
        %dma_start3A_405 = tpu.memref_squeeze %dma_start3A_404 : memref<1x2000x128xf32, #tpu.memory_space<hbm>> -> memref<2000x128xf32, #tpu.memory_space<hbm>>
        tpu.enqueue_dma source(%dma_start3A_405 : memref<2000x128xf32, #tpu.memory_space<hbm>>) target(%arg8 : memref<2000x128xf32, #tpu.memory_space<vmem>>) target_semaphore(%dma_start3A_401 : memref<!tpu.dma_semaphore, #tpu.memory_space<semaphore_mem>>)
      } else {
      }
      %mul3A_364 = arith.constant 8 : i32
      %mul3A_365 = arith.muli %scan3A_122, %mul3A_364 : i32
      %add3A_366 = arith.constant 7 : i32
      %add3A_367 = arith.addi %mul3A_365, %add3A_366 : i32
      %dma_wait3A_368 = arith.constant 7 : i32
      %dma_wait3A_369 = tpu.memref_slice %arg11[%dma_wait3A_368] : memref<8x!tpu.dma_semaphore, #tpu.memory_space<semaphore_mem>> -> memref<1x!tpu.dma_semaphore, #tpu.memory_space<semaphore_mem>>
      %dma_wait3A_370 = tpu.memref_squeeze %dma_wait3A_369 : memref<1x!tpu.dma_semaphore, #tpu.memory_space<semaphore_mem>> -> memref<!tpu.dma_semaphore, #tpu.memory_space<semaphore_mem>>
      %dma_wait3A_371 = arith.constant 0 : i32
      %dma_wait3A_372 = arith.constant 0 : i32
      %dma_wait3A_373 = tpu.memref_slice %arg0[%add3A_367, %dma_wait3A_371, %dma_wait3A_372] : memref<250x2000x128xf32, #tpu.memory_space<hbm>> -> memref<1x2000x128xf32, #tpu.memory_space<hbm>>
      %dma_wait3A_374 = tpu.memref_squeeze %dma_wait3A_373 : memref<1x2000x128xf32, #tpu.memory_space<hbm>> -> memref<2000x128xf32, #tpu.memory_space<hbm>>
      tpu.wait_dma2 semaphore(%dma_wait3A_370 : memref<!tpu.dma_semaphore, #tpu.memory_space<semaphore_mem>>) src(%dma_wait3A_374 : memref<2000x128xf32, #tpu.memory_space<hbm>>) dst(%arg9 : memref<2000x128xf32, #tpu.memory_space<vmem>>)
      %get3A_375 = arith.constant 0 : index
      %get3A_376 = arith.constant 0 : index
      %get3A_377 = vector.load %arg9[%get3A_375, %get3A_376] : memref<2000x128xf32, #tpu.memory_space<vmem>>, vector<2000x128xf32>
      %reduce_max3A_378 = arith.constant dense<0xFF800000> : vector<2000xf32>
      %reduce_max3A_379 = vector.multi_reduction <maximumf>, %get3A_377, %reduce_max3A_378 [1] : vector<2000x128xf32> to vector<2000xf32>
      %broadcast_in_dim3A_380 = vector.shape_cast %reduce_max3A_379 : vector<2000xf32> to vector<2000x1xf32>
      %get3A_381 = arith.constant 0 : index
      %get3A_382 = arith.constant 0 : index
      %get3A_383 = vector.load %arg10[%get3A_381, %get3A_382] : memref<8x128xf32, #tpu.memory_space<vmem>>, vector<1x128xf32>
      %reduce_max3A_384 = arith.constant dense<0xFF800000> : vector<1xf32>
      %reduce_max3A_385 = vector.multi_reduction <maximumf>, %broadcast_in_dim3A_380, %reduce_max3A_384 [0] : vector<2000x1xf32> to vector<1xf32>
      %broadcast_in_dim3A_386 = vector.shape_cast %reduce_max3A_385 : vector<1xf32> to vector<1x1xf32>
      %add3A_387 = vector.broadcast %broadcast_in_dim3A_386 : vector<1x1xf32> to vector<1x128xf32>
      %add3A_388 = arith.addf %get3A_383, %add3A_387 : vector<1x128xf32>
      %swap3A_389 = arith.constant 0 : index
      %swap3A_390 = arith.constant 0 : index
      %swap3A_391 = vector.load %arg10[%swap3A_389, %swap3A_390] : memref<8x128xf32, #tpu.memory_space<vmem>>, vector<1x128xf32>
      tpu.vector_store %arg10[%swap3A_389, %swap3A_390], %add3A_388 {strides = array<i32>} : memref<8x128xf32, #tpu.memory_space<vmem>>, vector<1x128xf32>,
      %add3A_392 = arith.constant 8 : i32
      %add3A_393 = arith.addi %add3A_367, %add3A_392 : i32
      %lt3A_394 = arith.constant 250 : i32
      %lt3A_395 = arith.cmpi slt, %add3A_393, %lt3A_394 : i32
      %convert_element_type3A_396 = arith.extui %lt3A_395 : i1 to i32
      %cond3A_397 = arith.constant 0 : i32
      %cond3A_398 = arith.cmpi ne, %convert_element_type3A_396, %cond3A_397 : i32
      scf.if %cond3A_398 {
        %dma_start3A_399 = arith.constant 7 : i32
        %dma_start3A_400 = tpu.memref_slice %arg11[%dma_start3A_399] : memref<8x!tpu.dma_semaphore, #tpu.memory_space<semaphore_mem>> -> memref<1x!tpu.dma_semaphore, #tpu.memory_space<semaphore_mem>>
        %dma_start3A_401 = tpu.memref_squeeze %dma_start3A_400 : memref<1x!tpu.dma_semaphore, #tpu.memory_space<semaphore_mem>> -> memref<!tpu.dma_semaphore, #tpu.memory_space<semaphore_mem>>
        %dma_start3A_402 = arith.constant 0 : i32
        %dma_start3A_403 = arith.constant 0 : i32
        %dma_start3A_404 = tpu.memref_slice %arg0[%add3A_393, %dma_start3A_402, %dma_start3A_403] : memref<250x2000x128xf32, #tpu.memory_space<hbm>> -> memref<1x2000x128xf32, #tpu.memory_space<hbm>>
        %dma_start3A_405 = tpu.memref_squeeze %dma_start3A_404 : memref<1x2000x128xf32, #tpu.memory_space<hbm>> -> memref<2000x128xf32, #tpu.memory_space<hbm>>
        tpu.enqueue_dma source(%dma_start3A_405 : memref<2000x128xf32, #tpu.memory_space<hbm>>) target(%arg9 : memref<2000x128xf32, #tpu.memory_space<vmem>>) target_semaphore(%dma_start3A_401 : memref<!tpu.dma_semaphore, #tpu.memory_space<semaphore_mem>>)
      } else {
      }
    }
    %scan3A_69 = arith.constant 31 : i32
    %dma_wait3A = arith.constant 248 : i32
    %dma_wait3A_70 = arith.constant 0 : i32
    %dma_wait3A_71 = tpu.memref_slice %arg11[%dma_wait3A_70] : memref<8x!tpu.dma_semaphore, #tpu.memory_space<semaphore_mem>> -> memref<1x!tpu.dma_semaphore, #tpu.memory_space<semaphore_mem>>
    %dma_wait3A_72 = tpu.memref_squeeze %dma_wait3A_71 : memref<1x!tpu.dma_semaphore, #tpu.memory_space<semaphore_mem>> -> memref<!tpu.dma_semaphore, #tpu.memory_space<semaphore_mem>>
    %dma_wait3A_73 = arith.constant 0 : i32
    %dma_wait3A_74 = arith.constant 0 : i32
    %dma_wait3A_75 = tpu.memref_slice %arg0[%dma_wait3A, %dma_wait3A_73, %dma_wait3A_74] : memref<250x2000x128xf32, #tpu.memory_space<hbm>> -> memref<1x2000x128xf32, #tpu.memory_space<hbm>>
    %dma_wait3A_76 = tpu.memref_squeeze %dma_wait3A_75 : memref<1x2000x128xf32, #tpu.memory_space<hbm>> -> memref<2000x128xf32, #tpu.memory_space<hbm>>
    tpu.wait_dma2 semaphore(%dma_wait3A_72 : memref<!tpu.dma_semaphore, #tpu.memory_space<semaphore_mem>>) src(%dma_wait3A_76 : memref<2000x128xf32, #tpu.memory_space<hbm>>) dst(%arg2 : memref<2000x128xf32, #tpu.memory_space<vmem>>)
    %get3A = arith.constant 0 : index
    %get3A_77 = arith.constant 0 : index
    %get3A_78 = vector.load %arg2[%get3A, %get3A_77] : memref<2000x128xf32, #tpu.memory_space<vmem>>, vector<2000x128xf32>
    %reduce_max3A = arith.constant dense<0xFF800000> : vector<2000xf32>
    %reduce_max3A_79 = vector.multi_reduction <maximumf>, %get3A_78, %reduce_max3A [1] : vector<2000x128xf32> to vector<2000xf32>
    %broadcast_in_dim3A_80 = vector.shape_cast %reduce_max3A_79 : vector<2000xf32> to vector<2000x1xf32>
    %get3A_81 = arith.constant 0 : index
    %get3A_82 = arith.constant 0 : index
    %get3A_83 = vector.load %arg10[%get3A_81, %get3A_82] : memref<8x128xf32, #tpu.memory_space<vmem>>, vector<1x128xf32>
    %reduce_max3A_84 = arith.constant dense<0xFF800000> : vector<1xf32>
    %reduce_max3A_85 = vector.multi_reduction <maximumf>, %broadcast_in_dim3A_80, %reduce_max3A_84 [0] : vector<2000x1xf32> to vector<1xf32>
    %broadcast_in_dim3A_86 = vector.shape_cast %reduce_max3A_85 : vector<1xf32> to vector<1x1xf32>
    %add3A = vector.broadcast %broadcast_in_dim3A_86 : vector<1x1xf32> to vector<1x128xf32>
    %add3A_87 = arith.addf %get3A_83, %add3A : vector<1x128xf32>
    %swap3A_88 = arith.constant 0 : index
    %swap3A_89 = arith.constant 0 : index
    %swap3A_90 = vector.load %arg10[%swap3A_88, %swap3A_89] : memref<8x128xf32, #tpu.memory_space<vmem>>, vector<1x128xf32>
    tpu.vector_store %arg10[%swap3A_88, %swap3A_89], %add3A_87 {strides = array<i32>} : memref<8x128xf32, #tpu.memory_space<vmem>>, vector<1x128xf32>,
    %dma_wait3A_91 = arith.constant 249 : i32
    %dma_wait3A_92 = arith.constant 1 : i32
    %dma_wait3A_93 = tpu.memref_slice %arg11[%dma_wait3A_92] : memref<8x!tpu.dma_semaphore, #tpu.memory_space<semaphore_mem>> -> memref<1x!tpu.dma_semaphore, #tpu.memory_space<semaphore_mem>>
    %dma_wait3A_94 = tpu.memref_squeeze %dma_wait3A_93 : memref<1x!tpu.dma_semaphore, #tpu.memory_space<semaphore_mem>> -> memref<!tpu.dma_semaphore, #tpu.memory_space<semaphore_mem>>
    %dma_wait3A_95 = arith.constant 0 : i32
    %dma_wait3A_96 = arith.constant 0 : i32
    %dma_wait3A_97 = tpu.memref_slice %arg0[%dma_wait3A_91, %dma_wait3A_95, %dma_wait3A_96] : memref<250x2000x128xf32, #tpu.memory_space<hbm>> -> memref<1x2000x128xf32, #tpu.memory_space<hbm>>
    %dma_wait3A_98 = tpu.memref_squeeze %dma_wait3A_97 : memref<1x2000x128xf32, #tpu.memory_space<hbm>> -> memref<2000x128xf32, #tpu.memory_space<hbm>>
    tpu.wait_dma2 semaphore(%dma_wait3A_94 : memref<!tpu.dma_semaphore, #tpu.memory_space<semaphore_mem>>) src(%dma_wait3A_98 : memref<2000x128xf32, #tpu.memory_space<hbm>>) dst(%arg3 : memref<2000x128xf32, #tpu.memory_space<vmem>>)
    %get3A_99 = arith.constant 0 : index
    %get3A_100 = arith.constant 0 : index
    %get3A_101 = vector.load %arg3[%get3A_99, %get3A_100] : memref<2000x128xf32, #tpu.memory_space<vmem>>, vector<2000x128xf32>
    %reduce_max3A_102 = arith.constant dense<0xFF800000> : vector<2000xf32>
    %reduce_max3A_103 = vector.multi_reduction <maximumf>, %get3A_101, %reduce_max3A_102 [1] : vector<2000x128xf32> to vector<2000xf32>
    %broadcast_in_dim3A_104 = vector.shape_cast %reduce_max3A_103 : vector<2000xf32> to vector<2000x1xf32>
    %get3A_105 = arith.constant 0 : index
    %get3A_106 = arith.constant 0 : index
    %get3A_107 = vector.load %arg10[%get3A_105, %get3A_106] : memref<8x128xf32, #tpu.memory_space<vmem>>, vector<1x128xf32>
    %reduce_max3A_108 = arith.constant dense<0xFF800000> : vector<1xf32>
    %reduce_max3A_109 = vector.multi_reduction <maximumf>, %broadcast_in_dim3A_104, %reduce_max3A_108 [0] : vector<2000x1xf32> to vector<1xf32>
    %broadcast_in_dim3A_110 = vector.shape_cast %reduce_max3A_109 : vector<1xf32> to vector<1x1xf32>
    %add3A_111 = vector.broadcast %broadcast_in_dim3A_110 : vector<1x1xf32> to vector<1x128xf32>
    %add3A_112 = arith.addf %get3A_107, %add3A_111 : vector<1x128xf32>
    %swap3A_113 = arith.constant 0 : index
    %swap3A_114 = arith.constant 0 : index
    %swap3A_115 = vector.load %arg10[%swap3A_113, %swap3A_114] : memref<8x128xf32, #tpu.memory_space<vmem>>, vector<1x128xf32>
    tpu.vector_store %arg10[%swap3A_113, %swap3A_114], %add3A_112 {strides = array<i32>} : memref<8x128xf32, #tpu.memory_space<vmem>>, vector<1x128xf32>,
    %get3A_116 = arith.constant 0 : index
    %get3A_117 = arith.constant 0 : index
    %get3A_118 = vector.load %arg10[%get3A_116, %get3A_117] : memref<8x128xf32, #tpu.memory_space<vmem>>, vector<1x1xf32>
    %swap3A_119 = arith.constant 0 : index
    %swap3A_120 = arith.constant 0 : index
    %swap3A_121 = vector.load %arg1[%swap3A_119, %swap3A_120] : memref<1x1xf32, #tpu.memory_space<vmem>>, vector<1x1xf32>
    tpu.vector_store %arg1[%swap3A_119, %swap3A_120], %get3A_118 {strides = array<i32>} : memref<1x1xf32, #tpu.memory_space<vmem>>, vector<1x1xf32>,
    return
  }
}

</mosaic_0001>

<sc_bundles>
// kernel: kernel.4.cloned.1.call-start
scs
__scs_entry_jumppad:
0x0: {  	(pc) =	sbr.rel $0x88, $3  }
0x1: {  	(tag) =	ssettag $0x0;
	lr =	simm.s32 $0x1  }
0x2: {  	[smem:$0x3FA0] =	sst lr;
	_ =	strace $0xD0000000  }
0x3: {  	_ = 	snop  }
0x4: {  	_ = 	snop  }
0x5: {  	_ = 	snop  }
0x6: {  	_ = 	snop  }
0x7: {  	_ = 	snop  }
__scs_overlays_trampoline_lowered:
0x8: {  	[smem:$0x3FAF] =	sst s0  }
0x9: {  	[smem:$0x3FB0] =	sst s1  }
0xa: {  	[smem:$0x3FB1] =	sst s2  }
0xb: {  	[smem:$0x3FB2] =	sst s3  }
0xc: {  	[smem:$0x3FB3] =	sst s4  }
0xd: {  	[smem:$0x3FB4] =	sst s5  }
0xe: {  	[smem:$0x3FB5] =	sst s6  }
0xf: {  	[smem:$0x3FB6] =	sst s7  }
0x10: {  	[smem:$0x3FB7] =	sst s8  }
0x11: {  	[smem:$0x3FB8] =	sst s9;
	s0 =	simm.s32 @!p0 $0x0  }
0x12: {  	s1 =	sld [smem:$0x3F9E];
	s0 =	simm.s32 @p0 $0x1  }
0x13: {  	[smem:$0x3FB9] =	sst s0;
	s0 =	simm.s32 @!p1 $0x0  }
0x14: {  	s2 =	sld [smem:$0x3F9D];
	s0 =	simm.s32 @p1 $0x1  }
0x15: {  	[smem:$0x3FBA] =	sst s0;
	s0 =	simm.s32 @!p2 $0x0  }
0x16: {  	s3 =	sld [smem:$0x3FDB];
	s0 =	simm.s32 @p2 $0x1  }
0x17: {  	s4 =	simm.s32 $0x1BF5;
	[smem:$0x3FBC] =	sst s0  }
0x18: {  	s0 =	sld [smem:$0x3F9F];
	_ =	swait.ge [sflag:s4], $0x0  }
0x19: {  	s7 =	sld [smem:$0x3FA0]  }
0x1a: {  	s8 =	sadd.s32 $0xFFFFE003, lr  }
0x1b: {  	s9 =	sadd.s32 $0xFFFFFEF7, lr;
	s5 =	simm.s32 $0xFFFFFFFF;
	p2 =	slt.u32 s8, $0xFFFFF086  }
0x1c: {  	p1 =	slt.u32 s9, $0xF7A;
	s5 =	simm.s32 @!p2 $0x0  }
0x1d: {  	s5 =	simm.s32 @p1 $0x1;
	p0 =	seq.s32 s7, s2  }
0x1e: {  	s7 =	smul.u32 @!p0 $0xF7A, s2;
	p2 =	seq.s32 @!p0 s5, $0x0  }
0x1f: {  	s9 =	smul.u32 $0xF7A, s1;
	s8 =	simm.s32 @!p0 $0x1BF5;
	p2 =	por !p2, p0  }
0x20: {  	[sflag:s8] =	ssyncset.s32 @!p0 $0xFFFFF086;
	s6 =	sadd.s32 @!p0 s3, s7;
	s7 =	simm.s32 @!p0 $0x108  }
0x21: {  	s3 =	sadd.s32 s3, s9;
	s6 =	sadd.s32 @!p0 $0x88, s6;
	s7 =	simm.s32 @p2 $0x1082  }
0x22: {  	[simem:s7], [sflag:s8] =	dma.local @!p0 [hbm:s6], $0xF7A  }
0x23: {  	s9 =	sor.u32 $0xD0000000, s2;
	s6 =	simm.s32 $0x108;
	_ =	swait.ge @!p0 [sflag:s8], $0x0  }
0x24: {  	s3 =	sadd.s32 $0x88, s3;
	s6 =	simm.s32 @!p1 $0x1082;
	[sflag:s4] =	ssyncset.s32 $0xFFFFF086  }
0x25: {  	[simem:s6], [sflag:s4] =	dma.local [hbm:s3], $0xF7A  }
0x26: {  	[smem:$0x3FA0] =	sst s1;
	(tag) =	ssettag s2;
	_ =	strace s9  }
0x27: {  	s1 =	sld [smem:$0x3FB0]  }
0x28: {  	s2 =	sld [smem:$0x3FB1]  }
0x29: {  	s4 =	sld [smem:$0x3FB3]  }
0x2a: {  	p0 =	seq.s32 s5, $0x0;
	s5 =	sld [smem:$0x3FB4]  }
0x2b: {  	s6 =	sld [smem:$0x3FB5]  }
0x2c: {  	s7 =	sld [smem:$0x3FB6]  }
0x2d: {  	s3 =	simm.s32 $0x108;
	s8 =	sld [smem:$0x3FB7]  }
0x2e: {  	s3 =	simm.s32 @!p0 $0x1082;
	s9 =	sld [smem:$0x3FB8]  }
0x2f: {  	lr =	sadd.s32 s0, s3;
	s0 =	sld [smem:$0x3FAF]  }
0x30: {  	s3 =	sld [smem:$0x3FB2]  }
0x31: {  	[smem:$0x3FBB] =	sst s10  }
0x32: {  	s10 =	sld [smem:$0x3FB9];
	_ =	sdelay $0x3  }
0x33: {  	p0 =	seq.s32 s10, $0x1;
	s10 =	sld [smem:$0x3FBB];
	_ =	sdelay $0x3  }
0x34: {  	[smem:$0x3FBB] =	sst s10  }
0x35: {  	s10 =	sld [smem:$0x3FBA];
	_ =	sdelay $0x3  }
0x36: {  	p1 =	seq.s32 s10, $0x1;
	s10 =	sld [smem:$0x3FBB];
	_ =	sdelay $0x3  }
0x37: {  	[smem:$0x3FBB] =	sst s10  }
0x38: {  	s10 =	sld [smem:$0x3FBC]  }
0x39: {  	_ = 	snop;
	(pc) =	sbr.ind lr, $3  }
0x3a: {  	_ = 	snop  }
0x3b: {  	_ = 	snop  }
0x3c: {  	p2 =	seq.s32 s10, $0x1;
	s10 =	sld [smem:$0x3FBB]  }
0x3d: {  	_ =	shalt  }
0x3e: {  	_ =	shalt  }
0x3f: {  	_ =	shalt  }
0x40: {  	_ =	shalt  }
0x41: {  	_ =	shalt  }
0x42: {  	_ =	shalt  }
0x43: {  	_ =	shalt  }
0x44: {  	_ =	shalt  }
0x45: {  	_ =	shalt  }
0x46: {  	_ =	shalt  }
0x47: {  	_ =	shalt  }
0x48: {  	_ =	shalt  }
0x49: {  	_ =	shalt  }
0x4a: {  	_ =	shalt  }
0x4b: {  	_ =	shalt  }
0x4c: {  	_ =	shalt  }
0x4d: {  	_ =	shalt  }
0x4e: {  	_ =	shalt  }
0x4f: {  	_ =	shalt  }
0x50: {  	_ =	shalt  }
0x51: {  	_ =	shalt  }
0x52: {  	_ =	shalt  }
0x53: {  	_ =	shalt  }
0x54: {  	_ =	shalt  }
0x55: {  	_ =	shalt  }
0x56: {  	_ =	shalt  }
0x57: {  	_ =	shalt  }
0x58: {  	_ =	shalt  }
0x59: {  	_ =	shalt  }
0x5a: {  	_ =	shalt  }
0x5b: {  	_ =	shalt  }
0x5c: {  	_ =	shalt  }
0x5d: {  	_ =	shalt  }
0x5e: {  	_ =	shalt  }
0x5f: {  	_ =	shalt  }
0x60: {  	_ =	shalt  }
0x61: {  	_ =	shalt  }
0x62: {  	_ =	shalt  }
0x63: {  	_ =	shalt  }
0x64: {  	_ =	shalt  }
0x65: {  	_ =	shalt  }
0x66: {  	_ =	shalt  }
0x67: {  	_ =	shalt  }
0x68: {  	_ =	shalt  }
0x69: {  	_ =	shalt  }
0x6a: {  	_ =	shalt  }
0x6b: {  	_ =	shalt  }
0x6c: {  	_ =	shalt  }
0x6d: {  	_ =	shalt  }
0x6e: {  	_ =	shalt  }
0x6f: {  	_ =	shalt  }
0x70: {  	_ =	shalt  }
0x71: {  	_ =	shalt  }
0x72: {  	_ =	shalt  }
0x73: {  	_ =	shalt  }
0x74: {  	_ =	shalt  }
0x75: {  	_ =	shalt  }
0x76: {  	_ =	shalt  }
0x77: {  	_ =	shalt  }
0x78: {  	_ =	shalt  }
0x79: {  	_ =	shalt  }
0x7a: {  	_ =	shalt  }
0x7b: {  	_ =	shalt  }
0x7c: {  	_ =	shalt  }
0x7d: {  	_ =	shalt  }
0x7e: {  	_ =	shalt  }
0x7f: {  	_ =	shalt  }
0x80: {  	_ =	shalt  }
0x81: {  	_ =	shalt  }
0x82: {  	_ =	shalt  }
0x83: {  	_ =	shalt  }
0x84: {  	_ =	shalt  }
0x85: {  	_ =	shalt  }
0x86: {  	_ =	shalt  }
0x87: {  	_ =	shalt  }
.Lfunc_end0:
.L_simem_size_0:
called_computation_lowered:
.L_overlay_start_0:
0x88: {  	s2 =	sld [smem:$0x3FD9]  }
0x89: {  	s3 =	sld [smem:$0x3FFE];
	_ =	sdelay $0x1  }
0x8a: {  	s1 =	srdreg.scid  }
0x8b: {  	s0 =	sand.u32 $0x1, s1  }
0x8c: {  	s17 =	sshll.u32 s0, $0xA;
	s2 =	sadd.s32 s3, s2  }
0x8d: {  	s2 =	sadd.s32 s2, s17  }
0x8e: {  	[smem:$0x3FC7] =	sst s2  }
0x8f: {  	_ = 	snop  }
0x90: {  	s2 =	sld [smem:$0x3FC9];
	(tm) =	ssettm $0x1  }
0x91: {  	s18 =	sld [smem:$0x3FFB];
	_ =	sdelay $0x3  }
0x92: {  	_ =	strace s18  }
0x93: {  	s3 =	sld [smem:$0x3FFC];
	_ =	sdelay $0x3  }
0x94: {  	_ =	strace s3  }
0x95: {  	s3 =	sld [smem:$0x3FFD];
	_ =	sdelay $0x3  }
0x96: {  	_ =	strace s3  }
0x97: {  	_ =	strace $0x8FFFFFFF  }
0x98: {  	s19 =	sld [smem:$0x3FDB];
	_ =	sdelay $0x1  }
0x99: {  	s4 =	simm.s32 $_scs_section_size  }
0x9a: {  	s5 =	simm.s32 $_size__tile_overlayer_lowered;
	s6 =	simm.s32 $_tile_overlayer_lowered  }
0x9b: {  	s22 =	simm.s32 $0x1BFF;
	s21 =	sshll.u32 s6, $0x1;
	s3 =	sadd.s32 s4, s19  }
0x9c: {  	s7 =	simm.s32 $0x0;
	s20 =	sshll.u32 s5, $0x1;
	s5 =	sadd.s32 s21, s3  }
0x9d: {  	[timem:s7], [sflag:s22] =	dma.local [hbm:s5], s20  }
0x9e: {  	_ =	swait.ge [sflag:s22], s20  }
0x9f: {  	s4 =	ssub.s32 $0x0, s20;
	[sflag:s22] =	ssyncset.done $0x0  }
0xa0: {  	[sflag:s22] =	ssyncadd.s32 s4;
	_ =	sdelay $0x1  }
0xa1: {  	s23 =	simm.s32 $0x1B8B  }
0xa2: {  	_ =	swait.ge [sflag:s23], $0x1  }
0xa3: {  	[sflag:s23] =	ssyncset.done $0x0  }
0xa4: {  	s25 =	simm.s32 $0x1B8E;
	s24 =	sld [smem:$0x3FFE];
	[sflag:s23] =	ssyncadd.s32 $0xFFFFFFFF  }
0xa5: {  	s26 =	simm.s32 $execute0_lowered;
	[smem:$0x3FD2] =	sst s25  }
0xa6: {  	s5 =	sshll.u32 s26, $0x1;
	_ =	strace $0x80000046;
	[dreg:$0x1] =	wrdreg $0xFFFFFFFF  }
0xa7: {  	s28 =	simm.s32 $_size_execute0_lowered;
	s3 =	sadd.s32 s3, s5;
	[dreg:$0x0] =	wrdreg $0x0  }
0xa8: {  	s5 =	sshll.u32 s28, $0x1;
	[dreg:$0x2] =	wrdreg s3  }
0xa9: {  	[dreg:$0x3] =	wrdreg s5  }
0xaa: {  	[dreg:$0x4] =	wrdreg $0xC0  }
0xab: {  	_ =	task [dreg:s7], $0x5FFFF  }
0xac: {  	[dreg:$0x1] =	wrdreg $0xFFFFFFFF  }
0xad: {  	[dreg:$0x0] =	wrdreg $0x60  }
0xae: {  	[dreg:$0x2] =	wrdreg s2  }
0xaf: {  	[dreg:$0x3] =	wrdreg s24  }
0xb0: {  	[dreg:$0x4] =	wrdreg $0x9  }
0xb1: {  	_ =	task.clear_ibuf [dreg:s7], $0x5FFFF;
	_ =	strace $0x90000046  }
0xb2: {  	s29 =	simm.s32 $0x9;
	_ =	strace $0x80000048  }
0xb3: {  	_ =	swait.ge [sflag:s29], $0x1  }
0xb4: {  	[sflag:s29] =	ssyncadd.s32 $0xFFFFFFFF  }
0xb5: {  	_ =	strace $0x90000048  }
0xb6: {  	_ =	sfence  }
0xb7: {  	s30 =	sld [smem:$0x0];
	_ =	sdelay $0x2  }
0xb8: {  	s31 =	sshll.u32 s1, $0xD;
	s1 =	sshrl.u32 s1, $0x2  }
0xb9: {  	s3 =	sand.u32 $0x4000, s31;
	s1 =	sadd.s32 s1, s30  }
0xba: {  	s0 =	sor.u32 s3, s0;
	s1 =	sshll.u32 s1, $0x11  }
0xbb: {  	s0 =	sor.u32 s1, s0  }
0xbc: {  	s0 =	sadd.s32 $0x8F2B, s0  }
0xbd: {  	[sflag:s0] =	ssyncadd.remote.s32 $0x1  }
0xbe: {  	_ =	sfence.sel $0xFFFF  }
0xbf: {  	[dreg:$0x0] =	wrdreg $0xFFFFFFFF;
	(pc) =	sbr.abs _section_cstart, $3  }
0xc0: {  	[dreg:$0x1] =	wrdreg $0xFFFFFFFF  }
0xc1: {  	_ =	task.clear_ibuf [dreg:s7], $0x2FFFF;
	_ =	strace $0x9FFFFFFF  }
0xc2: {  	(tm) =	ssettm $0x7FFFFFFF  }
0xc3: {  	_ =	shalt  }
tec
execute0_lowered:
.L_overlay_start_1:
0x0: {  	(tag) =	ssettag $0x1  }
0x1: {  	s1 =	srdreg.scid;
	s0 =	stileid.u32  }
0x2: {  	s3 =	sand.u32 $0x1, s1;
	s2 =	sshll.u32 s0, $0x1  }
0x3: {  	s20 =	sor.u32 s3, s2  }
0x4: {  	s5 =	smul.u32 $0x1E8400, s20  }
0x5: {  	s4 =	rddreg [dreg:$0x0];
	s6 =	smul.u32 $0x3D080, s20  }
0x6: {  	s1 =	rddreg [dreg:$0x1];
	s2 =	simm.s32 $0x0;
	s5 =	sshrl.u32 s5, $0x3  }
0x7: {  	[smem:$0x7FF] =	sst s2;
	s6 =	sadd.s32 s4, s6;
	s25 =	sadd.s32 s4, s5  }
0x8: {  	_ =	strace $0x80000047;
	[dreg:$0x3] =	wrdreg s6;
	s4 =	sadd.s32 $0xF80, s25  }
0x9: {  	s5 =	sadd.s32 $0x1F00, s25;
	[dreg:$0x4] =	wrdreg s4  }
0xa: {  	s6 =	sadd.s32 $0x2E80, s25;
	[dreg:$0x5] =	wrdreg s5  }
0xb: {  	s7 =	sadd.s32 $0x3E00, s25;
	[dreg:$0x6] =	wrdreg s6  }
0xc: {  	s8 =	sadd.s32 $0x4D80, s25;
	[dreg:$0x7] =	wrdreg s7  }
0xd: {  	s9 =	sadd.s32 $0x5D00, s25;
	[dreg:$0x8] =	wrdreg s8  }
0xe: {  	s10 =	sadd.s32 $0x6C80, s25;
	[dreg:$0x9] =	wrdreg s9  }
0xf: {  	s11 =	sadd.s32 $0x7C00, s25;
	[dreg:$0xa] =	wrdreg s10  }
0x10: {  	s12 =	sadd.s32 $0x8B80, s25;
	[dreg:$0xb] =	wrdreg s11  }
0x11: {  	s13 =	sadd.s32 $0x9B00, s25;
	[dreg:$0xc] =	wrdreg s12  }
0x12: {  	s14 =	sadd.s32 $0xAA80, s25;
	[dreg:$0xd] =	wrdreg s13  }
0x13: {  	s15 =	sadd.s32 $0xBA00, s25;
	[dreg:$0xe] =	wrdreg s14  }
0x14: {  	s16 =	sadd.s32 $0xC980, s25;
	[dreg:$0xf] =	wrdreg s15  }
0x15: {  	s17 =	sadd.s32 $0xD900, s25;
	[dreg:$0x10] =	wrdreg s16  }
0x16: {  	s18 =	sadd.s32 $0xE880, s25;
	[dreg:$0x11] =	wrdreg s17  }
0x17: {  	s19 =	sadd.s32 $0xF800, s25;
	[dreg:$0x12] =	wrdreg s18  }
0x18: {  	s21 =	sadd.s32 $0x10780, s25;
	[dreg:$0x13] =	wrdreg s19  }
0x19: {  	s22 =	sadd.s32 $0x11700, s25;
	[dreg:$0x14] =	wrdreg s21  }
0x1a: {  	s23 =	sadd.s32 $0x12680, s25;
	[dreg:$0x15] =	wrdreg s22  }
0x1b: {  	s24 =	sadd.s32 $0x13600, s25;
	[dreg:$0x16] =	wrdreg s23  }
0x1c: {  	s26 =	sadd.s32 $0x14580, s25;
	[dreg:$0x17] =	wrdreg s24  }
0x1d: {  	s0 =	sadd.s32 $0x15500, s25;
	[dreg:$0x18] =	wrdreg s26  }
0x1e: {  	[dreg:$0x19] =	wrdreg s0;
	s5 =	sadd.s32 $0x16480, s25  }
0x1f: {  	s6 =	sadd.s32 $0x17400, s25;
	[dreg:$0x1a] =	wrdreg s5  }
0x20: {  	s7 =	sadd.s32 $0x18380, s25;
	[dreg:$0x1b] =	wrdreg s6  }
0x21: {  	s8 =	sadd.s32 $0x19300, s25;
	[dreg:$0x1c] =	wrdreg s7  }
0x22: {  	s9 =	sadd.s32 $0x1A280, s25;
	[dreg:$0x1d] =	wrdreg s8  }
0x23: {  	s10 =	sadd.s32 $0x1B200, s25;
	[dreg:$0x1e] =	wrdreg s9  }
0x24: {  	s11 =	sadd.s32 $0x1C180, s25;
	[dreg:$0x1f] =	wrdreg s10  }
0x25: {  	s12 =	sadd.s32 $0x1D100, s25;
	[smem:$0x7F2] =	sst s11  }
0x26: {  	s13 =	sadd.s32 $0x1E080, s25;
	[smem:$0x7F3] =	sst s12  }
0x27: {  	s14 =	sadd.s32 $0x1F000, s25;
	[smem:$0x7F4] =	sst s13  }
0x28: {  	s15 =	sadd.s32 $0x1FF80, s25;
	[smem:$0x7F5] =	sst s14  }
0x29: {  	s28 =	simm.s32 $0x1;
	s16 =	sadd.s32 $0x20F00, s25;
	[smem:$0x7F6] =	sst s15  }
0x2a: {  	s29 =	simm.s32 $0x7C00;
	s17 =	sadd.s32 $0x21E80, s25;
	[smem:$0x7F7] =	sst s16  }
0x2b: {  	s30 =	simm.s32 $0x2;
	s18 =	sadd.s32 $0x22E00, s25;
	[smem:$0x7F8] =	sst s17  }
0x2c: {  	s31 =	simm.s32 $0xF800;
	s19 =	sadd.s32 $0x23D80, s25;
	[smem:$0x7F9] =	sst s18  }
0x2d: {  	s3 =	ssub.s32 $0x2, s3;
	s21 =	sadd.s32 $0x24D00, s25;
	[smem:$0x7FA] =	sst s19  }
0x2e: {  	s22 =	sadd.s32 $0x25C80, s25;
	s23 =	sshrl.u32 s3, $0x1;
	[smem:$0x7FB] =	sst s21  }
0x2f: {  	s24 =	sadd.s32 $0x26C00, s25;
	s4 =	sadd.s32 $0x28B00, s25;
	[smem:$0x7FC] =	sst s22  }
0x30: {  	s26 =	ssub.s32 s3, s23;
	[smem:$0x7FD] =	sst s24;
	s3 =	sadd.s32 $0x27B80, s25  }
0x31: {  	s5 =	sadd.s32 $0x29A80, s25;
	s6 =	sadd.s32 $0x2AA00, s25;
	s7 =	sadd.s32 $0x2B980, s25  }
0x32: {  	s8 =	sadd.s32 $0x2C900, s25;
	s9 =	sadd.s32 $0x2D880, s25;
	s10 =	sadd.s32 $0x2E800, s25  }
0x33: {  	s11 =	sadd.s32 $0x2F780, s25;
	s12 =	sadd.s32 $0x30700, s25;
	s13 =	sadd.s32 $0x31680, s25  }
0x34: {  	s14 =	sadd.s32 $0x32600, s25;
	s15 =	sadd.s32 $0x33580, s25;
	s16 =	sadd.s32 $0x34500, s25  }
0x35: {  	s17 =	sadd.s32 $0x35480, s25;
	s18 =	sadd.s32 $0x36400, s25;
	s19 =	sadd.s32 $0x37380, s25  }
0x36: {  	s22 =	sshll.u32 s20, $0x4;
	s20 =	sadd.s32 $0x38300, s25;
	s21 =	sadd.s32 $0x39280, s25  }
0x37: {  	s23 =	sadd.s32 $0x3A200, s25;
	s24 =	sadd.s32 $0x3B180, s25;
	s25 =	sadd.s32 $0x3C100, s25  }
0x38: {  	s22 =	sadd.s32 s1, s22;
	s26 =	smax.u32 s26, $0x1;
	s1 =	simm.s32 $0x3  }
.LBB2_1:
0x39: {  	s0 =	rddreg [dreg:$0x3]  }
0x3a: {  	[tilespmem:s2], [sflag:$0x1] =	stream.linear.gather [hbm4b:s0+s2], $0x7C00, $0x38;
	[tilespmem:$0xF880] =	vst v63  }
0x3b: {  	_ =	swait.ge [sflag:s28], $0x7C00  }
0x3c: {  	[sflag:s28] =	ssyncset.done $0x0  }
0x3d: {  	s0 =	rddreg [dreg:$0x4];
	[sflag:s28] =	ssyncadd.s32 $0xFFFF8400  }
0x3e: {  	[tilespmem:s29], [sflag:$0x2] =	stream.linear.gather [hbm4b:s0+s2], $0x7C00, $0x38;
	[tilespmem:$0xF880] =	vst v63  }
0x3f: {  	v0 =	vld [tilespmem:$0x0];
	_ =	swait.ge [sflag:s30], $0x7C00  }
0x40: {  	[sflag:s30] =	ssyncset.done $0x0  }
0x41: {  	s0 =	rddreg [dreg:$0x5];
	[sflag:s30] =	ssyncadd.s32 $0xFFFF8400  }
0x42: {  	[tilespmem:s2], [sflag:$0x1] =	stream.linear.gather [hbm4b:s0+s2], $0x7C00, $0x38;
	[tilespmem:$0xF880] =	vst v63  }
0x43: {  	v1 =	vld [tilespmem:$0x7C00];
	_ =	swait.ge [sflag:s28], $0x7C00  }
0x44: {  	[sflag:s28] =	ssyncset.done $0x0  }
0x45: {  	s0 =	rddreg [dreg:$0x6];
	[sflag:s28] =	ssyncadd.s32 $0xFFFF8400  }
0x46: {  	[tilespmem:s29], [sflag:$0x2] =	stream.linear.gather [hbm4b:s0+s2], $0x7C00, $0x38;
	[tilespmem:$0xF880] =	vst v63  }
0x47: {  	v2 =	vld [tilespmem:$0x0];
	_ =	swait.ge [sflag:s30], $0x7C00  }
0x48: {  	[sflag:s30] =	ssyncset.done $0x0  }
0x49: {  	s0 =	rddreg [dreg:$0x7];
	[sflag:s30] =	ssyncadd.s32 $0xFFFF8400  }
0x4a: {  	[tilespmem:s2], [sflag:$0x1] =	stream.linear.gather [hbm4b:s0+s2], $0x7C00, $0x38;
	[tilespmem:$0xF880] =	vst v63  }
0x4b: {  	v3 =	vld [tilespmem:$0x7C00];
	_ =	swait.ge [sflag:s28], $0x7C00  }
0x4c: {  	[sflag:s28] =	ssyncset.done $0x0  }
0x4d: {  	s0 =	rddreg [dreg:$0x8];
	[sflag:s28] =	ssyncadd.s32 $0xFFFF8400  }
0x4e: {  	[tilespmem:s29], [sflag:$0x2] =	stream.linear.gather [hbm4b:s0+s2], $0x7C00, $0x38;
	[tilespmem:$0xF880] =	vst v63  }
0x4f: {  	v4 =	vld [tilespmem:$0x0];
	_ =	swait.ge [sflag:s30], $0x7C00  }
0x50: {  	[sflag:s30] =	ssyncset.done $0x0  }
0x51: {  	s0 =	rddreg [dreg:$0x9];
	[sflag:s30] =	ssyncadd.s32 $0xFFFF8400  }
0x52: {  	[tilespmem:s2], [sflag:$0x1] =	stream.linear.gather [hbm4b:s0+s2], $0x7C00, $0x38;
	[tilespmem:$0xF880] =	vst v63  }
0x53: {  	v5 =	vld [tilespmem:$0x7C00];
	_ =	swait.ge [sflag:s28], $0x7C00  }
0x54: {  	[sflag:s28] =	ssyncset.done $0x0  }
0x55: {  	s0 =	rddreg [dreg:$0xa];
	[sflag:s28] =	ssyncadd.s32 $0xFFFF8400  }
0x56: {  	[tilespmem:s29], [sflag:$0x2] =	stream.linear.gather [hbm4b:s0+s2], $0x7C00, $0x38;
	[tilespmem:$0xF880] =	vst v63  }
0x57: {  	v6 =	vld [tilespmem:$0x0];
	_ =	swait.ge [sflag:s30], $0x7C00  }
0x58: {  	[sflag:s30] =	ssyncset.done $0x0  }
0x59: {  	s0 =	rddreg [dreg:$0xb];
	[sflag:s30] =	ssyncadd.s32 $0xFFFF8400  }
0x5a: {  	[tilespmem:s2], [sflag:$0x1] =	stream.linear.gather [hbm4b:s0+s2], $0x7C00, $0x38;
	[tilespmem:$0xF880] =	vst v63  }
0x5b: {  	v7 =	vld [tilespmem:$0x7C00];
	_ =	swait.ge [sflag:s28], $0x7C00  }
0x5c: {  	[sflag:s28] =	ssyncset.done $0x0  }
0x5d: {  	s0 =	rddreg [dreg:$0xc];
	[sflag:s28] =	ssyncadd.s32 $0xFFFF8400  }
0x5e: {  	[tilespmem:s29], [sflag:$0x2] =	stream.linear.gather [hbm4b:s0+s2], $0x7C00, $0x38;
	[tilespmem:$0xF880] =	vst v63  }
0x5f: {  	v8 =	vld [tilespmem:$0x0];
	_ =	swait.ge [sflag:s30], $0x7C00  }
0x60: {  	[sflag:s30] =	ssyncset.done $0x0  }
0x61: {  	s0 =	rddreg [dreg:$0xd];
	[sflag:s30] =	ssyncadd.s32 $0xFFFF8400  }
0x62: {  	[tilespmem:s2], [sflag:$0x1] =	stream.linear.gather [hbm4b:s0+s2], $0x7C00, $0x38;
	[tilespmem:$0xF880] =	vst v63  }
0x63: {  	v9 =	vld [tilespmem:$0x7C00];
	_ =	swait.ge [sflag:s28], $0x7C00  }
0x64: {  	[sflag:s28] =	ssyncset.done $0x0  }
0x65: {  	s0 =	rddreg [dreg:$0xe];
	[sflag:s28] =	ssyncadd.s32 $0xFFFF8400  }
0x66: {  	[tilespmem:s29], [sflag:$0x2] =	stream.linear.gather [hbm4b:s0+s2], $0x7C00, $0x38;
	[tilespmem:$0xF880] =	vst v63  }
0x67: {  	v10 =	vld [tilespmem:$0x0];
	_ =	swait.ge [sflag:s30], $0x7C00  }
0x68: {  	[sflag:s30] =	ssyncset.done $0x0  }
0x69: {  	s0 =	rddreg [dreg:$0xf];
	[sflag:s30] =	ssyncadd.s32 $0xFFFF8400  }
0x6a: {  	[tilespmem:s2], [sflag:$0x1] =	stream.linear.gather [hbm4b:s0+s2], $0x7C00, $0x38;
	[tilespmem:$0xF880] =	vst v63  }
0x6b: {  	v11 =	vld [tilespmem:$0x7C00];
	_ =	swait.ge [sflag:s28], $0x7C00  }
0x6c: {  	[sflag:s28] =	ssyncset.done $0x0  }
0x6d: {  	s0 =	rddreg [dreg:$0x10];
	[sflag:s28] =	ssyncadd.s32 $0xFFFF8400  }
0x6e: {  	[tilespmem:s29], [sflag:$0x2] =	stream.linear.gather [hbm4b:s0+s2], $0x7C00, $0x38;
	[tilespmem:$0xF880] =	vst v63  }
0x6f: {  	v12 =	vld [tilespmem:$0x0];
	_ =	swait.ge [sflag:s30], $0x7C00  }
0x70: {  	[sflag:s30] =	ssyncset.done $0x0  }
0x71: {  	s0 =	rddreg [dreg:$0x11];
	[sflag:s30] =	ssyncadd.s32 $0xFFFF8400  }
0x72: {  	[tilespmem:s2], [sflag:$0x1] =	stream.linear.gather [hbm4b:s0+s2], $0x7C00, $0x38;
	[tilespmem:$0xF880] =	vst v63  }
0x73: {  	v13 =	vld [tilespmem:$0x7C00];
	_ =	swait.ge [sflag:s28], $0x7C00  }
0x74: {  	[sflag:s28] =	ssyncset.done $0x0  }
0x75: {  	s0 =	rddreg [dreg:$0x12];
	[sflag:s28] =	ssyncadd.s32 $0xFFFF8400  }
0x76: {  	[tilespmem:s29], [sflag:$0x2] =	stream.linear.gather [hbm4b:s0+s2], $0x7C00, $0x38;
	[tilespmem:$0xF880] =	vst v63  }
0x77: {  	v14 =	vld [tilespmem:$0x0];
	_ =	swait.ge [sflag:s30], $0x7C00  }
0x78: {  	[sflag:s30] =	ssyncset.done $0x0  }
0x79: {  	s0 =	rddreg [dreg:$0x13];
	[sflag:s30] =	ssyncadd.s32 $0xFFFF8400  }
0x7a: {  	[tilespmem:s2], [sflag:$0x1] =	stream.linear.gather [hbm4b:s0+s2], $0x7C00, $0x38;
	[tilespmem:$0xF880] =	vst v63  }
0x7b: {  	v15 =	vld [tilespmem:$0x7C00];
	_ =	swait.ge [sflag:s28], $0x7C00  }
0x7c: {  	[sflag:s28] =	ssyncset.done $0x0  }
0x7d: {  	s0 =	rddreg [dreg:$0x14];
	[sflag:s28] =	ssyncadd.s32 $0xFFFF8400  }
0x7e: {  	[tilespmem:s29], [sflag:$0x2] =	stream.linear.gather [hbm4b:s0+s2], $0x7C00, $0x38;
	[tilespmem:$0xF880] =	vst v63  }
0x7f: {  	v16 =	vld [tilespmem:$0x0];
	_ =	swait.ge [sflag:s30], $0x7C00  }
0x80: {  	[sflag:s30] =	ssyncset.done $0x0  }
0x81: {  	s0 =	rddreg [dreg:$0x15];
	[sflag:s30] =	ssyncadd.s32 $0xFFFF8400  }
0x82: {  	[tilespmem:s2], [sflag:$0x1] =	stream.linear.gather [hbm4b:s0+s2], $0x7C00, $0x38;
	[tilespmem:$0xF880] =	vst v63  }
0x83: {  	v17 =	vld [tilespmem:$0x7C00];
	_ =	swait.ge [sflag:s28], $0x7C00  }
0x84: {  	[sflag:s28] =	ssyncset.done $0x0  }
0x85: {  	s0 =	rddreg [dreg:$0x16];
	[sflag:s28] =	ssyncadd.s32 $0xFFFF8400  }
0x86: {  	[tilespmem:s29], [sflag:$0x2] =	stream.linear.gather [hbm4b:s0+s2], $0x7C00, $0x38;
	[tilespmem:$0xF880] =	vst v63  }
0x87: {  	v18 =	vld [tilespmem:$0x0];
	_ =	swait.ge [sflag:s30], $0x7C00  }
0x88: {  	[sflag:s30] =	ssyncset.done $0x0  }
0x89: {  	s0 =	rddreg [dreg:$0x17];
	[sflag:s30] =	ssyncadd.s32 $0xFFFF8400  }
0x8a: {  	[tilespmem:s2], [sflag:$0x1] =	stream.linear.gather [hbm4b:s0+s2], $0x7C00, $0x38;
	[tilespmem:$0xF880] =	vst v63  }
0x8b: {  	v19 =	vld [tilespmem:$0x7C00];
	_ =	swait.ge [sflag:s28], $0x7C00  }
0x8c: {  	[sflag:s28] =	ssyncset.done $0x0  }
0x8d: {  	s0 =	rddreg [dreg:$0x18];
	[sflag:s28] =	ssyncadd.s32 $0xFFFF8400  }
0x8e: {  	[tilespmem:s29], [sflag:$0x2] =	stream.linear.gather [hbm4b:s0+s2], $0x7C00, $0x38;
	[tilespmem:$0xF880] =	vst v63  }
0x8f: {  	v20 =	vld [tilespmem:$0x0];
	_ =	swait.ge [sflag:s30], $0x7C00  }
0x90: {  	[sflag:s30] =	ssyncset.done $0x0  }
0x91: {  	s0 =	rddreg [dreg:$0x19];
	[sflag:s30] =	ssyncadd.s32 $0xFFFF8400  }
0x92: {  	[tilespmem:s2], [sflag:$0x1] =	stream.linear.gather [hbm4b:s0+s2], $0x7C00, $0x38;
	[tilespmem:$0xF880] =	vst v63  }
0x93: {  	v21 =	vld [tilespmem:$0x7C00];
	_ =	swait.ge [sflag:s28], $0x7C00  }
0x94: {  	[sflag:s28] =	ssyncset.done $0x0  }
0x95: {  	s0 =	rddreg [dreg:$0x1a];
	[sflag:s28] =	ssyncadd.s32 $0xFFFF8400  }
0x96: {  	[tilespmem:s29], [sflag:$0x2] =	stream.linear.gather [hbm4b:s0+s2], $0x7C00, $0x38;
	[tilespmem:$0xF880] =	vst v63  }
0x97: {  	v22 =	vld [tilespmem:$0x0];
	_ =	swait.ge [sflag:s30], $0x7C00  }
0x98: {  	[sflag:s30] =	ssyncset.done $0x0  }
0x99: {  	s0 =	rddreg [dreg:$0x1b];
	[sflag:s30] =	ssyncadd.s32 $0xFFFF8400  }
0x9a: {  	[tilespmem:s2], [sflag:$0x1] =	stream.linear.gather [hbm4b:s0+s2], $0x7C00, $0x38;
	[tilespmem:$0xF880] =	vst v63  }
0x9b: {  	v23 =	vld [tilespmem:$0x7C00];
	_ =	swait.ge [sflag:s28], $0x7C00  }
0x9c: {  	[sflag:s28] =	ssyncset.done $0x0  }
0x9d: {  	s0 =	rddreg [dreg:$0x1c];
	[sflag:s28] =	ssyncadd.s32 $0xFFFF8400  }
0x9e: {  	[tilespmem:s29], [sflag:$0x2] =	stream.linear.gather [hbm4b:s0+s2], $0x7C00, $0x38;
	[tilespmem:$0xF880] =	vst v63  }
0x9f: {  	v24 =	vld [tilespmem:$0x0];
	_ =	swait.ge [sflag:s30], $0x7C00  }
0xa0: {  	[sflag:s30] =	ssyncset.done $0x0  }
0xa1: {  	s0 =	rddreg [dreg:$0x1d];
	[sflag:s30] =	ssyncadd.s32 $0xFFFF8400  }
0xa2: {  	[tilespmem:s2], [sflag:$0x1] =	stream.linear.gather [hbm4b:s0+s2], $0x7C00, $0x38;
	[tilespmem:$0xF880] =	vst v63  }
0xa3: {  	v25 =	vld [tilespmem:$0x7C00];
	_ =	swait.ge [sflag:s28], $0x7C00  }
0xa4: {  	[sflag:s28] =	ssyncset.done $0x0  }
0xa5: {  	s0 =	rddreg [dreg:$0x1e];
	[sflag:s28] =	ssyncadd.s32 $0xFFFF8400  }
0xa6: {  	[tilespmem:s29], [sflag:$0x2] =	stream.linear.gather [hbm4b:s0+s2], $0x7C00, $0x38;
	[tilespmem:$0xF880] =	vst v63  }
0xa7: {  	v26 =	vld [tilespmem:$0x0];
	_ =	swait.ge [sflag:s30], $0x7C00  }
0xa8: {  	[sflag:s30] =	ssyncset.done $0x0  }
0xa9: {  	s0 =	rddreg [dreg:$0x1f];
	[sflag:s30] =	ssyncadd.s32 $0xFFFF8400  }
0xaa: {  	[tilespmem:s2], [sflag:$0x1] =	stream.linear.gather [hbm4b:s0+s2], $0x7C00, $0x38;
	[tilespmem:$0xF880] =	vst v63  }
0xab: {  	v27 =	vld [tilespmem:$0x7C00];
	_ =	swait.ge [sflag:s28], $0x7C00  }
0xac: {  	s0 =	sld [smem:$0x7F2]  }
0xad: {  	[sflag:s28] =	ssyncset.done $0x0  }
0xae: {  	[sflag:s28] =	ssyncadd.s32 $0xFFFF8400  }
0xaf: {  	[tilespmem:s29], [sflag:$0x2] =	stream.linear.gather [hbm4b:s0+s2], $0x7C00, $0x38;
	[tilespmem:$0xF880] =	vst v63  }
0xb0: {  	v28 =	vld [tilespmem:$0x0];
	_ =	swait.ge [sflag:s30], $0x7C00  }
0xb1: {  	s0 =	sld [smem:$0x7F3]  }
0xb2: {  	[sflag:s30] =	ssyncset.done $0x0  }
0xb3: {  	[sflag:s30] =	ssyncadd.s32 $0xFFFF8400  }
0xb4: {  	[tilespmem:s2], [sflag:$0x1] =	stream.linear.gather [hbm4b:s0+s2], $0x7C00, $0x38;
	[tilespmem:$0xF880] =	vst v63  }
0xb5: {  	v29 =	vld [tilespmem:$0x7C00];
	_ =	swait.ge [sflag:s28], $0x7C00  }
0xb6: {  	s0 =	sld [smem:$0x7F4]  }
0xb7: {  	[sflag:s28] =	ssyncset.done $0x0  }
0xb8: {  	[sflag:s28] =	ssyncadd.s32 $0xFFFF8400  }
0xb9: {  	[tilespmem:s29], [sflag:$0x2] =	stream.linear.gather [hbm4b:s0+s2], $0x7C00, $0x38;
	[tilespmem:$0xF880] =	vst v63  }
0xba: {  	v30 =	vld [tilespmem:$0x0];
	_ =	swait.ge [sflag:s30], $0x7C00  }
0xbb: {  	s0 =	sld [smem:$0x7F5]  }
0xbc: {  	[sflag:s30] =	ssyncset.done $0x0  }
0xbd: {  	[sflag:s30] =	ssyncadd.s32 $0xFFFF8400  }
0xbe: {  	[tilespmem:s2], [sflag:$0x1] =	stream.linear.gather [hbm4b:s0+s2], $0x7C00, $0x38;
	[tilespmem:$0xF880] =	vst v63  }
0xbf: {  	v31 =	vld [tilespmem:$0x7C00];
	_ =	swait.ge [sflag:s28], $0x7C00  }
0xc0: {  	s0 =	sld [smem:$0x7F6]  }
0xc1: {  	[sflag:s28] =	ssyncset.done $0x0  }
0xc2: {  	[sflag:s28] =	ssyncadd.s32 $0xFFFF8400  }
0xc3: {  	[tilespmem:s29], [sflag:$0x2] =	stream.linear.gather [hbm4b:s0+s2], $0x7C00, $0x38;
	[tilespmem:$0xF880] =	vst v63  }
0xc4: {  	v32 =	vld [tilespmem:$0x0];
	_ =	swait.ge [sflag:s30], $0x7C00  }
0xc5: {  	s0 =	sld [smem:$0x7F7]  }
0xc6: {  	[sflag:s30] =	ssyncset.done $0x0  }
0xc7: {  	[sflag:s30] =	ssyncadd.s32 $0xFFFF8400  }
0xc8: {  	[tilespmem:s2], [sflag:$0x1] =	stream.linear.gather [hbm4b:s0+s2], $0x7C00, $0x38;
	[tilespmem:$0xF880] =	vst v63  }
0xc9: {  	v33 =	vld [tilespmem:$0x7C00];
	_ =	swait.ge [sflag:s28], $0x7C00  }
0xca: {  	s0 =	sld [smem:$0x7F8]  }
0xcb: {  	[sflag:s28] =	ssyncset.done $0x0  }
0xcc: {  	[sflag:s28] =	ssyncadd.s32 $0xFFFF8400  }
0xcd: {  	[tilespmem:s29], [sflag:$0x2] =	stream.linear.gather [hbm4b:s0+s2], $0x7C00, $0x38;
	[tilespmem:$0xF880] =	vst v63  }
0xce: {  	v34 =	vld [tilespmem:$0x0];
	_ =	swait.ge [sflag:s30], $0x7C00  }
0xcf: {  	s0 =	sld [smem:$0x7F9]  }
0xd0: {  	[sflag:s30] =	ssyncset.done $0x0  }
0xd1: {  	[sflag:s30] =	ssyncadd.s32 $0xFFFF8400  }
0xd2: {  	[tilespmem:s2], [sflag:$0x1] =	stream.linear.gather [hbm4b:s0+s2], $0x7C00, $0x38;
	[tilespmem:$0xF880] =	vst v63  }
0xd3: {  	v35 =	vld [tilespmem:$0x7C00];
	_ =	swait.ge [sflag:s28], $0x7C00  }
0xd4: {  	s0 =	sld [smem:$0x7FA]  }
0xd5: {  	[sflag:s28] =	ssyncset.done $0x0  }
0xd6: {  	[sflag:s28] =	ssyncadd.s32 $0xFFFF8400  }
0xd7: {  	[tilespmem:s29], [sflag:$0x2] =	stream.linear.gather [hbm4b:s0+s2], $0x7C00, $0x38;
	[tilespmem:$0xF880] =	vst v63  }
0xd8: {  	v36 =	vld [tilespmem:$0x0];
	_ =	swait.ge [sflag:s30], $0x7C00  }
0xd9: {  	s0 =	sld [smem:$0x7FB]  }
0xda: {  	[sflag:s30] =	ssyncset.done $0x0  }
0xdb: {  	[sflag:s30] =	ssyncadd.s32 $0xFFFF8400  }
0xdc: {  	[tilespmem:s2], [sflag:$0x1] =	stream.linear.gather [hbm4b:s0+s2], $0x7C00, $0x38;
	[tilespmem:$0xF880] =	vst v63  }
0xdd: {  	v37 =	vld [tilespmem:$0x7C00];
	_ =	swait.ge [sflag:s28], $0x7C00  }
0xde: {  	s0 =	sld [smem:$0x7FC]  }
0xdf: {  	[sflag:s28] =	ssyncset.done $0x0  }
0xe0: {  	[sflag:s28] =	ssyncadd.s32 $0xFFFF8400  }
0xe1: {  	[tilespmem:s29], [sflag:$0x2] =	stream.linear.gather [hbm4b:s0+s2], $0x7C00, $0x38;
	[tilespmem:$0xF880] =	vst v63  }
0xe2: {  	v38 =	vld [tilespmem:$0x0];
	_ =	swait.ge [sflag:s30], $0x7C00  }
0xe3: {  	s0 =	sld [smem:$0x7FD]  }
0xe4: {  	[sflag:s30] =	ssyncset.done $0x0  }
0xe5: {  	[sflag:s30] =	ssyncadd.s32 $0xFFFF8400  }
0xe6: {  	[tilespmem:s2], [sflag:$0x1] =	stream.linear.gather [hbm4b:s0+s2], $0x7C00, $0x38;
	[tilespmem:$0xF880] =	vst v63  }
0xe7: {  	v39 =	vld [tilespmem:$0x7C00];
	_ =	swait.ge [sflag:s28], $0x7C00  }
0xe8: {  	[sflag:s28] =	ssyncset.done $0x0  }
0xe9: {  	[sflag:s28] =	ssyncadd.s32 $0xFFFF8400  }
0xea: {  	[tilespmem:s29], [sflag:$0x2] =	stream.linear.gather [hbm4b:s3+s2], $0x7C00, $0x38;
	[tilespmem:$0xF880] =	vst v63  }
0xeb: {  	v40 =	vld [tilespmem:$0x0];
	_ =	swait.ge [sflag:s30], $0x7C00  }
0xec: {  	[sflag:s30] =	ssyncset.done $0x0  }
0xed: {  	[sflag:s30] =	ssyncadd.s32 $0xFFFF8400  }
0xee: {  	[tilespmem:s2], [sflag:$0x1] =	stream.linear.gather [hbm4b:s4+s2], $0x7C00, $0x38;
	[tilespmem:$0xF880] =	vst v63  }
0xef: {  	v41 =	vld [tilespmem:$0x7C00];
	_ =	swait.ge [sflag:s28], $0x7C00  }
0xf0: {  	[sflag:s28] =	ssyncset.done $0x0  }
0xf1: {  	[sflag:s28] =	ssyncadd.s32 $0xFFFF8400  }
0xf2: {  	[tilespmem:s29], [sflag:$0x2] =	stream.linear.gather [hbm4b:s5+s2], $0x7C00, $0x38;
	[tilespmem:$0xF880] =	vst v63  }
0xf3: {  	v42 =	vld [tilespmem:$0x0];
	_ =	swait.ge [sflag:s30], $0x7C00  }
0xf4: {  	[sflag:s30] =	ssyncset.done $0x0  }
0xf5: {  	[sflag:s30] =	ssyncadd.s32 $0xFFFF8400  }
0xf6: {  	[tilespmem:s2], [sflag:$0x1] =	stream.linear.gather [hbm4b:s6+s2], $0x7C00, $0x38;
	[tilespmem:$0xF880] =	vst v63  }
0xf7: {  	v43 =	vld [tilespmem:$0x7C00];
	_ =	swait.ge [sflag:s28], $0x7C00  }
0xf8: {  	[sflag:s28] =	ssyncset.done $0x0  }
0xf9: {  	[sflag:s28] =	ssyncadd.s32 $0xFFFF8400  }
0xfa: {  	[tilespmem:s29], [sflag:$0x2] =	stream.linear.gather [hbm4b:s7+s2], $0x7C00, $0x38;
	[tilespmem:$0xF880] =	vst v63  }
0xfb: {  	v44 =	vld [tilespmem:$0x0];
	_ =	swait.ge [sflag:s30], $0x7C00  }
0xfc: {  	[sflag:s30] =	ssyncset.done $0x0  }
0xfd: {  	[sflag:s30] =	ssyncadd.s32 $0xFFFF8400  }
0xfe: {  	[tilespmem:s2], [sflag:$0x1] =	stream.linear.gather [hbm4b:s8+s2], $0x7C00, $0x38;
	[tilespmem:$0xF880] =	vst v63  }
0xff: {  	v45 =	vld [tilespmem:$0x7C00];
	_ =	swait.ge [sflag:s28], $0x7C00  }
0x100: {  	[sflag:s28] =	ssyncset.done $0x0  }
0x101: {  	[sflag:s28] =	ssyncadd.s32 $0xFFFF8400  }
0x102: {  	[tilespmem:s29], [sflag:$0x2] =	stream.linear.gather [hbm4b:s9+s2], $0x7C00, $0x38;
	[tilespmem:$0xF880] =	vst v63  }
0x103: {  	v46 =	vld [tilespmem:$0x0];
	_ =	swait.ge [sflag:s30], $0x7C00  }
0x104: {  	[sflag:s30] =	ssyncset.done $0x0  }
0x105: {  	[sflag:s30] =	ssyncadd.s32 $0xFFFF8400  }
0x106: {  	[tilespmem:s2], [sflag:$0x1] =	stream.linear.gather [hbm4b:s10+s2], $0x7C00, $0x38;
	[tilespmem:$0xF880] =	vst v63  }
0x107: {  	v47 =	vld [tilespmem:$0x7C00];
	_ =	swait.ge [sflag:s28], $0x7C00  }
0x108: {  	[sflag:s28] =	ssyncset.done $0x0  }
0x109: {  	[sflag:s28] =	ssyncadd.s32 $0xFFFF8400  }
0x10a: {  	v0 =	vmax.f32 v0, v1;
	[tilespmem:s29], [sflag:$0x2] =	stream.linear.gather [hbm4b:s11+s2], $0x7C00, $0x38;
	[tilespmem:$0xF880] =	vst v63  }
0x10b: {  	v0 =	vmax.f32 v0, v2;
	v48 =	vld [tilespmem:$0x0];
	_ =	swait.ge [sflag:s30], $0x7C00  }
0x10c: {  	v0 =	vmax.f32 v0, v3;
	[sflag:s30] =	ssyncset.done $0x0  }
0x10d: {  	v0 =	vmax.f32 v0, v4;
	[sflag:s30] =	ssyncadd.s32 $0xFFFF8400  }
0x10e: {  	v0 =	vmax.f32 v0, v5;
	[tilespmem:s2], [sflag:$0x1] =	stream.linear.gather [hbm4b:s12+s2], $0x7C00, $0x38;
	[tilespmem:$0xF880] =	vst v63  }
0x10f: {  	v0 =	vmax.f32 v0, v6;
	v49 =	vld [tilespmem:$0x7C00];
	_ =	swait.ge [sflag:s28], $0x7C00  }
0x110: {  	v0 =	vmax.f32 v0, v7;
	[sflag:s28] =	ssyncset.done $0x0  }
0x111: {  	v0 =	vmax.f32 v0, v8;
	[sflag:s28] =	ssyncadd.s32 $0xFFFF8400  }
0x112: {  	v0 =	vmax.f32 v0, v9;
	[tilespmem:s29], [sflag:$0x2] =	stream.linear.gather [hbm4b:s13+s2], $0x7C00, $0x38;
	[tilespmem:$0xF880] =	vst v63  }
0x113: {  	v0 =	vmax.f32 v0, v10;
	v50 =	vld [tilespmem:$0x0];
	_ =	swait.ge [sflag:s30], $0x7C00  }
0x114: {  	v0 =	vmax.f32 v0, v11;
	[sflag:s30] =	ssyncset.done $0x0  }
0x115: {  	v0 =	vmax.f32 v0, v12;
	[sflag:s30] =	ssyncadd.s32 $0xFFFF8400  }
0x116: {  	v0 =	vmax.f32 v0, v13;
	[tilespmem:s2], [sflag:$0x1] =	stream.linear.gather [hbm4b:s14+s2], $0x7C00, $0x38;
	[tilespmem:$0xF880] =	vst v63  }
0x117: {  	v0 =	vmax.f32 v0, v14;
	v52 =	vld [tilespmem:$0x7C00];
	_ =	swait.ge [sflag:s28], $0x7C00  }
0x118: {  	v0 =	vmax.f32 v0, v15;
	[sflag:s28] =	ssyncset.done $0x0  }
0x119: {  	v0 =	vmax.f32 v0, v16;
	[sflag:s28] =	ssyncadd.s32 $0xFFFF8400  }
0x11a: {  	v0 =	vmax.f32 v0, v17;
	[tilespmem:s29], [sflag:$0x2] =	stream.linear.gather [hbm4b:s15+s2], $0x7C00, $0x38;
	[tilespmem:$0xF880] =	vst v63  }
0x11b: {  	v0 =	vmax.f32 v0, v18;
	v53 =	vld [tilespmem:$0x0];
	_ =	swait.ge [sflag:s30], $0x7C00  }
0x11c: {  	v0 =	vmax.f32 v0, v19;
	[sflag:s30] =	ssyncset.done $0x0  }
0x11d: {  	v0 =	vmax.f32 v0, v20;
	[sflag:s30] =	ssyncadd.s32 $0xFFFF8400  }
0x11e: {  	v0 =	vmax.f32 v0, v21;
	[tilespmem:s2], [sflag:$0x1] =	stream.linear.gather [hbm4b:s16+s2], $0x7C00, $0x38;
	[tilespmem:$0xF880] =	vst v63  }
0x11f: {  	v0 =	vmax.f32 v0, v22;
	v54 =	vld [tilespmem:$0x7C00];
	_ =	swait.ge [sflag:s28], $0x7C00  }
0x120: {  	v0 =	vmax.f32 v0, v23;
	[sflag:s28] =	ssyncset.done $0x0  }
0x121: {  	v0 =	vmax.f32 v0, v24;
	[sflag:s28] =	ssyncadd.s32 $0xFFFF8400  }
0x122: {  	v0 =	vmax.f32 v0, v25;
	[tilespmem:s29], [sflag:$0x2] =	stream.linear.gather [hbm4b:s17+s2], $0x7C00, $0x38;
	[tilespmem:$0xF880] =	vst v63  }
0x123: {  	v0 =	vmax.f32 v0, v26;
	v55 =	vld [tilespmem:$0x0];
	_ =	swait.ge [sflag:s30], $0x7C00  }
0x124: {  	v0 =	vmax.f32 v0, v27;
	[sflag:s30] =	ssyncset.done $0x0  }
0x125: {  	v0 =	vmax.f32 v0, v28;
	[sflag:s30] =	ssyncadd.s32 $0xFFFF8400  }
0x126: {  	v0 =	vmax.f32 v0, v29;
	[tilespmem:s2], [sflag:$0x1] =	stream.linear.gather [hbm4b:s18+s2], $0x7C00, $0x38;
	[tilespmem:$0xF880] =	vst v63  }
0x127: {  	v0 =	vmax.f32 v0, v30;
	v56 =	vld [tilespmem:$0x7C00];
	_ =	swait.ge [sflag:s28], $0x7C00  }
0x128: {  	v0 =	vmax.f32 v0, v31;
	[sflag:s28] =	ssyncset.done $0x0  }
0x129: {  	v0 =	vmax.f32 v0, v32;
	[sflag:s28] =	ssyncadd.s32 $0xFFFF8400  }
0x12a: {  	v0 =	vmax.f32 v0, v33;
	[tilespmem:s29], [sflag:$0x2] =	stream.linear.gather [hbm4b:s19+s2], $0x7C00, $0x38;
	[tilespmem:$0xF880] =	vst v63  }
0x12b: {  	v0 =	vmax.f32 v0, v34;
	v57 =	vld [tilespmem:$0x0];
	_ =	swait.ge [sflag:s30], $0x7C00  }
0x12c: {  	v0 =	vmax.f32 v0, v35;
	[sflag:s30] =	ssyncset.done $0x0  }
0x12d: {  	v0 =	vmax.f32 v0, v36;
	[sflag:s30] =	ssyncadd.s32 $0xFFFF8400  }
0x12e: {  	v0 =	vmax.f32 v0, v37;
	[tilespmem:s2], [sflag:$0x1] =	stream.linear.gather [hbm4b:s20+s2], $0x7C00, $0x38;
	[tilespmem:$0xF880] =	vst v63  }
0x12f: {  	v0 =	vmax.f32 v0, v38;
	v58 =	vld [tilespmem:$0x7C00];
	_ =	swait.ge [sflag:s28], $0x7C00  }
0x130: {  	v0 =	vmax.f32 v0, v39;
	[sflag:s28] =	ssyncset.done $0x0  }
0x131: {  	v0 =	vmax.f32 v0, v40;
	[sflag:s28] =	ssyncadd.s32 $0xFFFF8400  }
0x132: {  	v0 =	vmax.f32 v0, v41;
	[tilespmem:s29], [sflag:$0x2] =	stream.linear.gather [hbm4b:s21+s2], $0x7C00, $0x38;
	[tilespmem:$0xF880] =	vst v63  }
0x133: {  	v0 =	vmax.f32 v0, v42;
	v59 =	vld [tilespmem:$0x0];
	_ =	swait.ge [sflag:s30], $0x7C00  }
0x134: {  	v0 =	vmax.f32 v0, v43;
	[sflag:s30] =	ssyncset.done $0x0  }
0x135: {  	v0 =	vmax.f32 v0, v44;
	[sflag:s30] =	ssyncadd.s32 $0xFFFF8400  }
0x136: {  	v0 =	vmax.f32 v0, v45;
	[tilespmem:s2], [sflag:$0x1] =	stream.linear.gather [hbm4b:s23+s2], $0x7C00, $0x38;
	[tilespmem:$0xF880] =	vst v63  }
0x137: {  	v0 =	vmax.f32 v0, v46;
	v60 =	vld [tilespmem:$0x7C00];
	_ =	swait.ge [sflag:s28], $0x7C00  }
0x138: {  	v0 =	vmax.f32 v0, v47;
	[sflag:s28] =	ssyncset.done $0x0  }
0x139: {  	v0 =	vmax.f32 v0, v48;
	[sflag:s28] =	ssyncadd.s32 $0xFFFF8400  }
0x13a: {  	v0 =	vmax.f32 v0, v49;
	[tilespmem:s29], [sflag:$0x2] =	stream.linear.gather [hbm4b:s24+s2], $0x7C00, $0x38;
	[tilespmem:$0xF880] =	vst v63  }
0x13b: {  	v0 =	vmax.f32 v0, v50;
	v61 =	vld [tilespmem:$0x0];
	_ =	swait.ge [sflag:s30], $0x7C00  }
0x13c: {  	v0 =	vmax.f32 v0, v52;
	[sflag:s30] =	ssyncset.done $0x0  }
0x13d: {  	v0 =	vmax.f32 v0, v53;
	[sflag:s30] =	ssyncadd.s32 $0xFFFF8400  }
0x13e: {  	v0 =	vmax.f32 v0, v54;
	[tilespmem:s2], [sflag:$0x1] =	stream.linear.gather [hbm4b:s25+s2], $0x7C00, $0x38;
	[tilespmem:$0xF880] =	vst v63  }
0x13f: {  	v0 =	vmax.f32 v0, v55;
	v62 =	vld [tilespmem:$0x7C00];
	_ =	swait.ge [sflag:s28], $0x7C00  }
0x140: {  	v0 =	vmax.f32 v0, v56;
	[sflag:s28] =	ssyncset.done $0x0  }
0x141: {  	v0 =	vmax.f32 v0, v57;
	[sflag:s28] =	ssyncadd.s32 $0xFFFF8400  }
0x142: {  	v0 =	vmax.f32 v0, v58;
	v63 =	vld [tilespmem:$0x0]  }
0x143: {  	v0 =	vmax.f32 v0, v59  }
0x144: {  	v0 =	vmax.f32 v0, v60  }
0x145: {  	v0 =	vmax.f32 v0, v61  }
0x146: {  	v0 =	vmax.f32 v0, v62  }
0x147: {  	p0 =	sne.s32 s26, $0x1;
	v0 =	vmax.f32 v0, v63  }
.Ltmp0:
0x148: {  	[tilespmem:$0xF800] =	vst v0;
	(pc) =	sbr.rel @p0 .LBB2_1-.Ltmp0, $4  }
0x149: {  	[hbm4b:s22+s2] =	stream.linear.scatter [tilespmem:s31], [sflag:$0x3], $0x80, $0x38;
	[tilespmem:$0xF880] =	vst v63  }
0x14a: {  	_ =	swait.ge [sflag:s1], $0x80  }
0x14b: {  	[sflag:s1] =	ssyncset.done $0x0  }
0x14c: {  	s26 =	sadd.s32 $0xFFFFFFFF, s26;
	[sflag:s1] =	ssyncadd.s32 $0xFFFFFF80  }
0x14d: {  	_ =	sfence.sel $0x180000  }
0x14e: {  	[bflag:$0x0] =	sbarrier.arrive $0xFFFF  }
0x14f: {  	_ =	strace $0x90000047  }
0x150: {  	s0 =	stileid.u32;
	[bflag:$0x2] =	sbarrier.arrive $0xFFFF  }
0x151: {  	p0 =	sne.s32 s0, $0x0;
	s0 =	rddreg [dreg:$0x2]  }
0x152: {  	s0 =	sadd.s32 @!p0 $0x100000, s0  }
0x153: {  	[sflag:s0] =	ssyncadd.tile.s32 @!p0 $0x1;
	_ =	shalt  }
.Lfunc_end2:
_tile_overlayer_lowered:
.L_overlay_start_2:
0x154: {  	(tag) =	ssettag $0x2  }
0x155: {  	s0 =	rddreg [dreg:$0x0];
	s2 =	stileid.u32  }
0x156: {  	s1 =	rddreg [dreg:$0x1];
	p0 =	sne.s32 s2, $0x0  }
0x157: {  	s3 =	rddreg [dreg:$0x2];
	[bflag:$0x3] =	sbarrier.arrive $0xFFFF;
	s2 =	simm.s32 @!p0 $0x1C03  }
0x158: {  	[timem:s3], [sflag:s2] =	dma.local @!p0 [hbm:s0], s1  }
0x159: {  	s0 =	simm.s32 @!p0 $0x3  }
0x15a: {  	_ =	swait.ge @!p0 [sflag:s0], s1  }
0x15b: {  	s1 =	ssub.s32 @!p0 $0x0, s1;
	[sflag:s0] =	ssyncset.done @!p0 $0x0  }
0x15c: {  	[sflag:s0] =	ssyncadd.s32 @!p0 s1  }
0x15d: {  	[bflag:$0x3] =	sbarrier.arrive $0xFFFF  }
0x15e: {  	_ =	shalt  }

</sc_bundles>
